<compile_context>
chip_gen: v7x
topology: tpu7x:2x2x1
jax: 0.10.2.dev20260603
libtpu: 0.0.44.dev20260713+nightly
codegen_flags: <defaults>
</compile_context>

<pallas_src>
import functools

import jax
import jax.numpy as jnp
from jax import lax
from jax.experimental import pallas as pl
from jax.experimental.pallas import tpu as pltpu
from jax.experimental.pallas import tpu_sc as plsc

NC = 2
NS = 16
NW = NC * NS
K = 256


def _pad_count(n, m):
    return (n + m - 1) // m * m



def _sc_degree(edge, zeros_np, NP, E):
    EPT = E // NW
    NJF = EPT // K
    REM = EPT - NJF * K

    NSEM = 6
    G = NJF // NSEM
    TAIL = NJF - G * NSEM

    @functools.partial(
        pl.kernel,
        out_type=jax.ShapeDtypeStruct((NC, NP), jnp.float32),
        mesh=plsc.VectorSubcoreMesh(core_axis_name="c", subcore_axis_name="s"),
        compiler_params=pltpu.CompilerParams(use_tc_tiling_on_sc=False),
        scratch_types=[
            pltpu.VMEM((EPT,), jnp.int32),
            pltpu.VMEM((K,), jnp.float32),
            pltpu.VMEM_SHARED((NP,), jnp.float32),
            [pltpu.SemaphoreType.DMA for _ in range(NSEM)],
        ],
    )
    def deg_kernel(edge_hbm, zero_hbm, out_hbm, dst_v, ones_v, acc_sh, sems):
        c = lax.axis_index("c")
        s = lax.axis_index("s")
        w = s * NC + c
        rpt = NP // NS
        r0 = s * rpt
        for i in range(K // 16):
            ones_v[pl.ds(i * 16, 16)] = jnp.ones((16,), jnp.float32)
        pltpu.sync_copy(zero_hbm.at[pl.ds(r0, rpt)], acc_sh.at[pl.ds(r0, rpt)])
        pltpu.sync_copy(edge_hbm.at[1, pl.ds(w * EPT, EPT)], dst_v)
        plsc.subcore_barrier()

        def dst_at(j):
            return acc_sh.at[dst_v.at[pl.ds(j * K, K)]]

        for b in range(NSEM):
            pltpu.async_copy(ones_v, dst_at(b), sems[b], add=True)

        def step(t2, carry):
            for b in range(NSEM):
                j = NSEM * t2 + b
                pltpu.make_async_copy(ones_v, dst_at(j), sems[b]).wait()
                pltpu.async_copy(ones_v, dst_at(j + NSEM), sems[b], add=True)
            return carry

        lax.fori_loop(0, G - 1, step, 0)
        for b in range(NSEM):
            j = NSEM * (G - 1) + b
            pltpu.make_async_copy(ones_v, dst_at(j), sems[b]).wait()
        for t in range(TAIL):
            j = G * NSEM + t
            pltpu.sync_copy(ones_v, dst_at(j), add=True)
        if REM:
            pltpu.sync_copy(ones_v.at[pl.ds(0, REM)],
                            acc_sh.at[dst_v.at[pl.ds(NJF * K, REM)]], add=True)
        plsc.subcore_barrier()
        pltpu.sync_copy(acc_sh.at[pl.ds(r0, rpt)], out_hbm.at[c, pl.ds(r0, rpt)])

    return deg_kernel(edge, zeros_np)


def _sc_msgpass(g, edge, zeros_npc, NP, E, C):

    NBUF = 6
    EPT = E // NW
    NJF = EPT // K
    REM = EPT - NJF * K
    G = NJF // NBUF
    TAIL = NJF - G * NBUF

    @functools.partial(
        pl.kernel,
        out_type=jax.ShapeDtypeStruct((NC, NP, C), jnp.float32),
        mesh=plsc.VectorSubcoreMesh(core_axis_name="c", subcore_axis_name="s"),
        compiler_params=pltpu.CompilerParams(use_tc_tiling_on_sc=False),
        scratch_types=[
            pltpu.VMEM((EPT,), jnp.int32),
            pltpu.VMEM((EPT,), jnp.int32),
            [pltpu.VMEM((K, C), jnp.float32) for _ in range(NBUF)],
            pltpu.VMEM_SHARED((NP, C), jnp.float32),
            [pltpu.SemaphoreType.DMA for _ in range(NBUF)],
        ],
    )
    def mp_kernel(g_hbm, edge_hbm, zero_hbm, out_hbm,
                  src_v, dst_v, rows, acc_sh, sems):
        c = lax.axis_index("c")
        s = lax.axis_index("s")
        w = s * NC + c
        rpt = NP // NS
        r0 = s * rpt
        pltpu.sync_copy(zero_hbm.at[pl.ds(r0, rpt)], acc_sh.at[pl.ds(r0, rpt)])
        pltpu.sync_copy(edge_hbm.at[0, pl.ds(w * EPT, EPT)], src_v)
        pltpu.sync_copy(edge_hbm.at[1, pl.ds(w * EPT, EPT)], dst_v)
        plsc.subcore_barrier()

        def src_at(j):
            return src_v.at[pl.ds(j * K, K)]

        def dst_at(j):
            return dst_v.at[pl.ds(j * K, K)]

        for b in range(NBUF):
            pltpu.async_copy(g_hbm.at[src_at(b)], rows[b], sems[b])

        def step(t2, carry):
            for b in range(NBUF):
                j = NBUF * t2 + b
                pltpu.make_async_copy(g_hbm.at[src_at(j)], rows[b], sems[b]).wait()
                pltpu.sync_copy(rows[b], acc_sh.at[dst_at(j)], add=True)
                pltpu.async_copy(g_hbm.at[src_at(j + NBUF)], rows[b], sems[b])
            return carry

        lax.fori_loop(0, G - 1, step, 0)
        for b in range(NBUF):
            j = NBUF * (G - 1) + b
            pltpu.make_async_copy(g_hbm.at[src_at(j)], rows[b], sems[b]).wait()
            pltpu.sync_copy(rows[b], acc_sh.at[dst_at(j)], add=True)
        for t in range(TAIL):
            j = G * NBUF + t
            pltpu.async_copy(g_hbm.at[src_at(j)], rows[0], sems[0]).wait()
            pltpu.sync_copy(rows[0], acc_sh.at[dst_at(j)], add=True)
        if REM:
            e0 = NJF * K
            pltpu.async_copy(g_hbm.at[src_v.at[pl.ds(e0, REM)]],
                             rows[0].at[pl.ds(0, REM)], sems[0]).wait()
            pltpu.sync_copy(rows[0].at[pl.ds(0, REM)],
                            acc_sh.at[dst_v.at[pl.ds(e0, REM)]], add=True)
        plsc.subcore_barrier()
        pltpu.sync_copy(acc_sh.at[pl.ds(r0, rpt)], out_hbm.at[c, pl.ds(r0, rpt)])

    return mp_kernel(g, edge, zeros_npc)



BN = 2000


def _tc1_body(x_ref, w1_ref, degt_ref, g1_ref, dinv_ref):
    deg = degt_ref[:, 0:1] + degt_ref[:, 1:2] + 1.0
    dinv = lax.rsqrt(jnp.clip(deg, 1.0, None))
    h = jnp.dot(x_ref[...], w1_ref[...], preferred_element_type=jnp.float32)
    g1_ref[...] = h * dinv
    dinv_ref[...] = dinv


def _tc2_body(s1_ref, g1_ref, dinv_ref, b1_ref, w2_ref, g2_ref):
    dinv = dinv_ref[...]
    s = s1_ref[0] + s1_ref[1] + g1_ref[...]
    h1 = jnp.maximum(s * dinv + b1_ref[...], 0.0)
    g2_ref[...] = jnp.dot(h1, w2_ref[...], preferred_element_type=jnp.float32) * dinv


def _maskt_of(batch_col, bn, num_graphs):
    gid = lax.broadcasted_iota(jnp.int32, (bn, num_graphs), 1)
    return (batch_col == gid).astype(jnp.float32)


_DN0 = (((0,), (0,)), ((), ()))


def _tc3_body(s2_ref, g2_ref, dinv_ref, b2_ref, batch_ref, wfc_ref, bfc_ref,
              out_ref, sums_scr, cnt_scr, *, num_graphs, nblocks):
    i = pl.program_id(0)
    h2 = (s2_ref[0] + s2_ref[1] + g2_ref[...]) * dinv_ref[...] + b2_ref[...]
    bn = h2.shape[0]
    maskt = _maskt_of(batch_ref[...], bn, num_graphs)
    psum = lax.dot_general(maskt, h2, _DN0, preferred_element_type=jnp.float32)
    pcnt = lax.dot_general(maskt, jnp.ones((bn, 1), jnp.float32), _DN0,
                           preferred_element_type=jnp.float32)

    @pl.when(i == 0)
    def _():
        sums_scr[...] = jnp.zeros_like(sums_scr)
        cnt_scr[...] = jnp.zeros_like(cnt_scr)

    sums_scr[...] += psum
    cnt_scr[...] += pcnt

    @pl.when(i == nblocks - 1)
    def _():
        pooled = sums_scr[...] / jnp.clip(cnt_scr[...], 1.0, None)
        logits = jnp.dot(pooled, wfc_ref[...], preferred_element_type=jnp.float32)
        logits = logits + bfc_ref[...]
        m = jnp.max(logits, axis=1, keepdims=True)
        sh = logits - m
        lse = jnp.log(jnp.sum(jnp.exp(sh), axis=1, keepdims=True))
        out_ref[...] = sh - lse



def kernel(x, edge_index, batch, W1, b1, W2, b2, Wfc, bfc):
    N, _ = x.shape
    E = edge_index.shape[1]
    H1 = W1.shape[1]
    H2 = W2.shape[1]
    num_classes = Wfc.shape[1]
    num_graphs = 64

    NP = _pad_count(N, NS * 16)
    edge = edge_index.astype(jnp.int32)

    batch2 = batch.astype(jnp.int32).reshape(N, 1)
    z1 = jnp.zeros((NP,), jnp.float32)
    zc1 = jnp.zeros((NP, H1), jnp.float32)
    zc2 = jnp.zeros((NP, H2), jnp.float32)

    degp = _sc_degree(edge, z1, NP, E)
    degt = degp.T

    bn = BN if N % BN == 0 else N
    nb = N // bn
    F = x.shape[1]

    g1, dinv = pl.pallas_call(
        _tc1_body,
        grid=(nb,),
        in_specs=[
            pl.BlockSpec((bn, F), lambda i: (i, 0)),
            pl.BlockSpec((F, H1), lambda i: (0, 0)),
            pl.BlockSpec((bn, NC), lambda i: (i, 0)),
        ],
        out_specs=[
            pl.BlockSpec((bn, H1), lambda i: (i, 0)),
            pl.BlockSpec((bn, 1), lambda i: (i, 0)),
        ],
        out_shape=[
            jax.ShapeDtypeStruct((N, H1), jnp.float32),
            jax.ShapeDtypeStruct((N, 1), jnp.float32),
        ],
    )(x, W1, degt)

    s1 = _sc_msgpass(g1, edge, zc1, NP, E, H1)

    g2 = pl.pallas_call(
        _tc2_body,
        grid=(nb,),
        in_specs=[
            pl.BlockSpec((NC, bn, H1), lambda i: (0, i, 0)),
            pl.BlockSpec((bn, H1), lambda i: (i, 0)),
            pl.BlockSpec((bn, 1), lambda i: (i, 0)),
            pl.BlockSpec((1, H1), lambda i: (0, 0)),
            pl.BlockSpec((H1, H2), lambda i: (0, 0)),
        ],
        out_specs=pl.BlockSpec((bn, H2), lambda i: (i, 0)),
        out_shape=jax.ShapeDtypeStruct((N, H2), jnp.float32),
    )(s1, g1, dinv, b1.reshape(1, H1), W2)

    s2 = _sc_msgpass(g2, edge, zc2, NP, E, H2)

    out = pl.pallas_call(
        functools.partial(_tc3_body, num_graphs=num_graphs, nblocks=nb),
        grid=(nb,),
        in_specs=[
            pl.BlockSpec((NC, bn, H2), lambda i: (0, i, 0)),
            pl.BlockSpec((bn, H2), lambda i: (i, 0)),
            pl.BlockSpec((bn, 1), lambda i: (i, 0)),
            pl.BlockSpec((1, H2), lambda i: (0, 0)),
            pl.BlockSpec((bn, 1), lambda i: (i, 0)),
            pl.BlockSpec((H2, num_classes), lambda i: (0, 0)),
            pl.BlockSpec((1, num_classes), lambda i: (0, 0)),
        ],
        out_specs=pl.BlockSpec((num_graphs, num_classes), lambda i: (0, 0)),
        out_shape=jax.ShapeDtypeStruct((num_graphs, num_classes), jnp.float32),
        scratch_shapes=[
            pltpu.VMEM((num_graphs, H2), jnp.float32),
            pltpu.VMEM((num_graphs, 1), jnp.float32),
        ],
    )(s2, g2, dinv, b2.reshape(1, H2), batch2, Wfc, bfc.reshape(1, num_classes))

    return out

# --- scband reference (transcript-rebuilt; emitter-appended) ---
"""Pipeline reference for scband-gnnmodel-55551107006952 (READ-ONLY COPY).

The authoritative reference and input builder live on the scoring server;
editing this copy changes nothing except your own understanding.
"""

import jax, jax.numpy as jnp
import numpy as np

N = 10000
E = 320000
F_IN = 128
H1 = 16
H2 = 32
NUM_CLASSES = 10
NUM_GRAPHS = 64


def gcn_conv(x, edge_index, W, b):
    num_nodes = x.shape[0]
    h = x @ W
    src = edge_index[0]
    dst = edge_index[1]
    loop = jnp.arange(num_nodes, dtype=src.dtype)
    src = jnp.concatenate([src, loop])
    dst = jnp.concatenate([dst, loop])
    deg = jnp.zeros((num_nodes,), dtype=h.dtype).at[dst].add(1.0)
    dinv = jax.lax.rsqrt(jnp.clip(deg, 1.0))
    norm = dinv[src] * dinv[dst]
    msg = h[src] * norm[:, None]
    out = jnp.zeros((num_nodes, W.shape[1]), dtype=h.dtype).at[dst].add(msg)
    return out + b


def setup_inputs(seed: int = 0) -> dict:
    key = jax.random.key(seed)
    ks = jax.random.split(key, 10)
    x = jax.random.normal(ks[0], (N, F_IN), dtype=jnp.float32)
    edge_index = jax.random.randint(ks[1], (2, E), 0, N)
    batch = jnp.sort(jax.random.randint(ks[2], (N,), 0, NUM_GRAPHS))
    W1 = jax.random.normal(ks[3], (F_IN, H1), dtype=jnp.float32) * 0.1
    b1 = jnp.zeros((H1,), dtype=jnp.float32)
    W2 = jax.random.normal(ks[4], (H1, H2), dtype=jnp.float32) * 0.1
    b2 = jnp.zeros((H2,), dtype=jnp.float32)
    Wfc = jax.random.normal(ks[5], (H2, NUM_CLASSES), dtype=jnp.float32) * 0.1
    bfc = jnp.zeros((NUM_CLASSES,), dtype=jnp.float32)
    return {"x": x, "edge_index": edge_index, "batch": batch,
            "W1": W1, "b1": b1, "W2": W2, "b2": b2, "Wfc": Wfc, "bfc": bfc}


def reference(x, edge_index, batch, W1, b1, W2, b2, Wfc, bfc):
    h = jax.nn.relu(gcn_conv(x, edge_index, W1, b1))
    # F.dropout with training=False is identity (eval mode)
    h = gcn_conv(h, edge_index, W2, b2)
    sums = jax.ops.segment_sum(h, batch, num_segments=NUM_GRAPHS)
    counts = jax.ops.segment_sum(jnp.ones((h.shape[0],), dtype=h.dtype), batch, num_segments=NUM_GRAPHS)
    pooled = sums / jnp.clip(counts, 1.0)[:, None]
    logits = pooled @ Wfc + bfc
    return jax.nn.log_softmax(logits, axis=1)

if __name__ == "__main__":
    import jax
    _d = setup_inputs()
    print(jax.jit(kernel)(*tuple(_d.values())))

</pallas_src>

<mosaic_0001>
#map = affine_map<(d0, d1) -> (0, 0)>
#map1 = affine_map<(d0, d1) -> (0, 0, 0)>
module attributes {stable_mosaic.version = 14 : i64} {
  func.func @mp_kernel(%arg0: i32, %arg1: i32, %arg2: memref<10000x16xf32, #tpu.memory_space<hbm>>, %arg3: memref<2x320000xi32, #tpu.memory_space<hbm>>, %arg4: memref<10240x16xf32, #tpu.memory_space<hbm>>, %arg5: memref<2x10240x16xf32, #tpu.memory_space<hbm>>, %arg6: memref<10000xi32, #tpu.memory_space<vmem>>, %arg7: memref<10000xi32, #tpu.memory_space<vmem>>, %arg8: memref<256x16xf32, #tpu.memory_space<vmem>>, %arg9: memref<256x16xf32, #tpu.memory_space<vmem>>, %arg10: memref<256x16xf32, #tpu.memory_space<vmem>>, %arg11: memref<256x16xf32, #tpu.memory_space<vmem>>, %arg12: memref<256x16xf32, #tpu.memory_space<vmem>>, %arg13: memref<256x16xf32, #tpu.memory_space<vmem>>, %arg14: memref<10240x16xf32, #tpu.memory_space<vmem_shared>>, %arg15: memref<!tpu.dma_semaphore, #tpu.memory_space<semaphore_mem>>, %arg16: memref<!tpu.dma_semaphore, #tpu.memory_space<semaphore_mem>>, %arg17: memref<!tpu.dma_semaphore, #tpu.memory_space<semaphore_mem>>, %arg18: memref<!tpu.dma_semaphore, #tpu.memory_space<semaphore_mem>>, %arg19: memref<!tpu.dma_semaphore, #tpu.memory_space<semaphore_mem>>, %arg20: memref<!tpu.dma_semaphore, #tpu.memory_space<semaphore_mem>>) attributes {dimension_semantics = [#tpu.dimension_semantics<core_parallel>, #tpu.dimension_semantics<subcore_parallel>], iteration_bounds = array<i64: 2, 16>, scalar_prefetch = 0 : i64, scratch_operands = 15 : i64, tpu.core_type = #tpu.core_type<sc_vector_subcore>, window_params = [{transform_indices = #map}, {transform_indices = #map}, {transform_indices = #map}, {transform_indices = #map1}]} {
    %mul3A = arith.constant 2 : i32
    %mul3A_0 = arith.muli %arg1, %mul3A : i32
    %add3A = arith.addi %mul3A_0, %arg0 : i32
    %mul3A_1 = arith.constant 640 : i32
    %mul3A_2 = arith.muli %arg1, %mul3A_1 : i32
    "tpu.region"() ({
      %run_scoped3A_118 = tpu.sem_alloc : memref<!tpu.dma_semaphore, #tpu.memory_space<semaphore_mem>>
      %dma_start3A_119 = arith.constant 0 : i32
      %dma_start3A_120 = tpu.memref_slice %arg14[%mul3A_2, %dma_start3A_119] : memref<10240x16xf32, #tpu.memory_space<vmem_shared>> -> memref<640x16xf32, #tpu.memory_space<vmem_shared>>
      %dma_start3A_121 = arith.constant 0 : i32
      %dma_start3A_122 = tpu.memref_slice %arg4[%mul3A_2, %dma_start3A_121] : memref<10240x16xf32, #tpu.memory_space<hbm>> -> memref<640x16xf32, #tpu.memory_space<hbm>>
      tpu.enqueue_dma source(%dma_start3A_122 : memref<640x16xf32, #tpu.memory_space<hbm>>) target(%dma_start3A_120 : memref<640x16xf32, #tpu.memory_space<vmem_shared>>) target_semaphore(%run_scoped3A_118 : memref<!tpu.dma_semaphore, #tpu.memory_space<semaphore_mem>>)
      %dma_wait3A_123 = arith.constant 0 : i32
      %dma_wait3A_124 = tpu.memref_slice %arg14[%mul3A_2, %dma_wait3A_123] : memref<10240x16xf32, #tpu.memory_space<vmem_shared>> -> memref<640x16xf32, #tpu.memory_space<vmem_shared>>
      %dma_wait3A_125 = arith.constant 0 : i32
      %dma_wait3A_126 = tpu.memref_slice %arg4[%mul3A_2, %dma_wait3A_125] : memref<10240x16xf32, #tpu.memory_space<hbm>> -> memref<640x16xf32, #tpu.memory_space<hbm>>
      tpu.wait_dma2 semaphore(%run_scoped3A_118 : memref<!tpu.dma_semaphore, #tpu.memory_space<semaphore_mem>>) src(%dma_wait3A_126 : memref<640x16xf32, #tpu.memory_space<hbm>>) dst(%dma_wait3A_124 : memref<640x16xf32, #tpu.memory_space<vmem_shared>>)
      tpu.yield
    }) : () -> ()
    %mul3A_3 = arith.constant 10000 : i32
    %mul3A_4 = arith.muli %add3A, %mul3A_3 : i32
    %run_scoped3A = arith.constant 0 : i32
    "tpu.region"() ({
      %run_scoped3A_118 = tpu.sem_alloc : memref<!tpu.dma_semaphore, #tpu.memory_space<semaphore_mem>>
      %dma_start3A_119 = tpu.memref_slice %arg3[%run_scoped3A, %mul3A_4] : memref<2x320000xi32, #tpu.memory_space<hbm>> -> memref<1x10000xi32, #tpu.memory_space<hbm>>
      %dma_start3A_120 = tpu.memref_squeeze %dma_start3A_119 : memref<1x10000xi32, #tpu.memory_space<hbm>> -> memref<10000xi32, #tpu.memory_space<hbm>>
      %dma_start3A_121 = tpu.memref_slice %arg3[%run_scoped3A, %mul3A_4] : memref<2x320000xi32, #tpu.memory_space<hbm>> -> memref<1x10000xi32, #tpu.memory_space<hbm>>
      %dma_start3A_122 = tpu.memref_squeeze %dma_start3A_121 : memref<1x10000xi32, #tpu.memory_space<hbm>> -> memref<10000xi32, #tpu.memory_space<hbm>>
      tpu.enqueue_dma source(%dma_start3A_122 : memref<10000xi32, #tpu.memory_space<hbm>>) target(%arg6 : memref<10000xi32, #tpu.memory_space<vmem>>) target_semaphore(%run_scoped3A_118 : memref<!tpu.dma_semaphore, #tpu.memory_space<semaphore_mem>>)
      %dma_wait3A_123 = tpu.memref_slice %arg3[%run_scoped3A, %mul3A_4] : memref<2x320000xi32, #tpu.memory_space<hbm>> -> memref<1x10000xi32, #tpu.memory_space<hbm>>
      %dma_wait3A_124 = tpu.memref_squeeze %dma_wait3A_123 : memref<1x10000xi32, #tpu.memory_space<hbm>> -> memref<10000xi32, #tpu.memory_space<hbm>>
      %dma_wait3A_125 = tpu.memref_slice %arg3[%run_scoped3A, %mul3A_4] : memref<2x320000xi32, #tpu.memory_space<hbm>> -> memref<1x10000xi32, #tpu.memory_space<hbm>>
      %dma_wait3A_126 = tpu.memref_squeeze %dma_wait3A_125 : memref<1x10000xi32, #tpu.memory_space<hbm>> -> memref<10000xi32, #tpu.memory_space<hbm>>
      tpu.wait_dma2 semaphore(%run_scoped3A_118 : memref<!tpu.dma_semaphore, #tpu.memory_space<semaphore_mem>>) src(%dma_wait3A_126 : memref<10000xi32, #tpu.memory_space<hbm>>) dst(%arg6 : memref<10000xi32, #tpu.memory_space<vmem>>)
      tpu.yield
    }) : () -> ()
    %mul3A_5 = arith.constant 10000 : i32
    %mul3A_6 = arith.muli %add3A, %mul3A_5 : i32
    %run_scoped3A_7 = arith.constant 1 : i32
    "tpu.region"() ({
      %run_scoped3A_118 = tpu.sem_alloc : memref<!tpu.dma_semaphore, #tpu.memory_space<semaphore_mem>>
      %dma_start3A_119 = tpu.memref_slice %arg3[%run_scoped3A_7, %mul3A_6] : memref<2x320000xi32, #tpu.memory_space<hbm>> -> memref<1x10000xi32, #tpu.memory_space<hbm>>
      %dma_start3A_120 = tpu.memref_squeeze %dma_start3A_119 : memref<1x10000xi32, #tpu.memory_space<hbm>> -> memref<10000xi32, #tpu.memory_space<hbm>>
      %dma_start3A_121 = tpu.memref_slice %arg3[%run_scoped3A_7, %mul3A_6] : memref<2x320000xi32, #tpu.memory_space<hbm>> -> memref<1x10000xi32, #tpu.memory_space<hbm>>
      %dma_start3A_122 = tpu.memref_squeeze %dma_start3A_121 : memref<1x10000xi32, #tpu.memory_space<hbm>> -> memref<10000xi32, #tpu.memory_space<hbm>>
      tpu.enqueue_dma source(%dma_start3A_122 : memref<10000xi32, #tpu.memory_space<hbm>>) target(%arg7 : memref<10000xi32, #tpu.memory_space<vmem>>) target_semaphore(%run_scoped3A_118 : memref<!tpu.dma_semaphore, #tpu.memory_space<semaphore_mem>>)
      %dma_wait3A_123 = tpu.memref_slice %arg3[%run_scoped3A_7, %mul3A_6] : memref<2x320000xi32, #tpu.memory_space<hbm>> -> memref<1x10000xi32, #tpu.memory_space<hbm>>
      %dma_wait3A_124 = tpu.memref_squeeze %dma_wait3A_123 : memref<1x10000xi32, #tpu.memory_space<hbm>> -> memref<10000xi32, #tpu.memory_space<hbm>>
      %dma_wait3A_125 = tpu.memref_slice %arg3[%run_scoped3A_7, %mul3A_6] : memref<2x320000xi32, #tpu.memory_space<hbm>> -> memref<1x10000xi32, #tpu.memory_space<hbm>>
      %dma_wait3A_126 = tpu.memref_squeeze %dma_wait3A_125 : memref<1x10000xi32, #tpu.memory_space<hbm>> -> memref<10000xi32, #tpu.memory_space<hbm>>
      tpu.wait_dma2 semaphore(%run_scoped3A_118 : memref<!tpu.dma_semaphore, #tpu.memory_space<semaphore_mem>>) src(%dma_wait3A_126 : memref<10000xi32, #tpu.memory_space<hbm>>) dst(%arg7 : memref<10000xi32, #tpu.memory_space<vmem>>)
      tpu.yield
    }) : () -> ()
    %barrier3A = arith.constant 0 : index
    tpu.barrier barrier_id(%barrier3A)
    %dma_start3A = arith.constant 0 : i32
    %dma_start3A_8 = tpu.memref_slice %arg6[%dma_start3A] : memref<10000xi32, #tpu.memory_space<vmem>> -> memref<256xi32, #tpu.memory_space<vmem>>
    %dma_start3A_9 = arith.constant 0 : i32
    %dma_start3A_10 = arith.constant 0 : i32
    %dma_start3A_11 = tpu.memref_slice %arg2[%dma_start3A_9, %dma_start3A_10] : memref<10000x16xf32, #tpu.memory_space<hbm>> -> memref<10000x16xf32, #tpu.memory_space<hbm>>
    tpu.enqueue_indirect_dma source(%dma_start3A_11 : memref<10000x16xf32, #tpu.memory_space<hbm>>) target(%arg8 : memref<256x16xf32, #tpu.memory_space<vmem>>) offsets(%dma_start3A_8 : memref<256xi32, #tpu.memory_space<vmem>>) semaphore(%arg15 : memref<!tpu.dma_semaphore, #tpu.memory_space<semaphore_mem>>)
    %dma_start3A_12 = arith.constant 256 : i32
    %dma_start3A_13 = tpu.memref_slice %arg6[%dma_start3A_12] : memref<10000xi32, #tpu.memory_space<vmem>> -> memref<256xi32, #tpu.memory_space<vmem>>
    %dma_start3A_14 = arith.constant 0 : i32
    %dma_start3A_15 = arith.constant 0 : i32
    %dma_start3A_16 = tpu.memref_slice %arg2[%dma_start3A_14, %dma_start3A_15] : memref<10000x16xf32, #tpu.memory_space<hbm>> -> memref<10000x16xf32, #tpu.memory_space<hbm>>
    tpu.enqueue_indirect_dma source(%dma_start3A_16 : memref<10000x16xf32, #tpu.memory_space<hbm>>) target(%arg9 : memref<256x16xf32, #tpu.memory_space<vmem>>) offsets(%dma_start3A_13 : memref<256xi32, #tpu.memory_space<vmem>>) semaphore(%arg16 : memref<!tpu.dma_semaphore, #tpu.memory_space<semaphore_mem>>)
    %dma_start3A_17 = arith.constant 512 : i32
    %dma_start3A_18 = tpu.memref_slice %arg6[%dma_start3A_17] : memref<10000xi32, #tpu.memory_space<vmem>> -> memref<256xi32, #tpu.memory_space<vmem>>
    %dma_start3A_19 = arith.constant 0 : i32
    %dma_start3A_20 = arith.constant 0 : i32
    %dma_start3A_21 = tpu.memref_slice %arg2[%dma_start3A_19, %dma_start3A_20] : memref<10000x16xf32, #tpu.memory_space<hbm>> -> memref<10000x16xf32, #tpu.memory_space<hbm>>
    tpu.enqueue_indirect_dma source(%dma_start3A_21 : memref<10000x16xf32, #tpu.memory_space<hbm>>) target(%arg10 : memref<256x16xf32, #tpu.memory_space<vmem>>) offsets(%dma_start3A_18 : memref<256xi32, #tpu.memory_space<vmem>>) semaphore(%arg17 : memref<!tpu.dma_semaphore, #tpu.memory_space<semaphore_mem>>)
    %dma_start3A_22 = arith.constant 768 : i32
    %dma_start3A_23 = tpu.memref_slice %arg6[%dma_start3A_22] : memref<10000xi32, #tpu.memory_space<vmem>> -> memref<256xi32, #tpu.memory_space<vmem>>
    %dma_start3A_24 = arith.constant 0 : i32
    %dma_start3A_25 = arith.constant 0 : i32
    %dma_start3A_26 = tpu.memref_slice %arg2[%dma_start3A_24, %dma_start3A_25] : memref<10000x16xf32, #tpu.memory_space<hbm>> -> memref<10000x16xf32, #tpu.memory_space<hbm>>
    tpu.enqueue_indirect_dma source(%dma_start3A_26 : memref<10000x16xf32, #tpu.memory_space<hbm>>) target(%arg11 : memref<256x16xf32, #tpu.memory_space<vmem>>) offsets(%dma_start3A_23 : memref<256xi32, #tpu.memory_space<vmem>>) semaphore(%arg18 : memref<!tpu.dma_semaphore, #tpu.memory_space<semaphore_mem>>)
    %dma_start3A_27 = arith.constant 1024 : i32
    %dma_start3A_28 = tpu.memref_slice %arg6[%dma_start3A_27] : memref<10000xi32, #tpu.memory_space<vmem>> -> memref<256xi32, #tpu.memory_space<vmem>>
    %dma_start3A_29 = arith.constant 0 : i32
    %dma_start3A_30 = arith.constant 0 : i32
    %dma_start3A_31 = tpu.memref_slice %arg2[%dma_start3A_29, %dma_start3A_30] : memref<10000x16xf32, #tpu.memory_space<hbm>> -> memref<10000x16xf32, #tpu.memory_space<hbm>>
    tpu.enqueue_indirect_dma source(%dma_start3A_31 : memref<10000x16xf32, #tpu.memory_space<hbm>>) target(%arg12 : memref<256x16xf32, #tpu.memory_space<vmem>>) offsets(%dma_start3A_28 : memref<256xi32, #tpu.memory_space<vmem>>) semaphore(%arg19 : memref<!tpu.dma_semaphore, #tpu.memory_space<semaphore_mem>>)
    %dma_start3A_32 = arith.constant 1280 : i32
    %dma_start3A_33 = tpu.memref_slice %arg6[%dma_start3A_32] : memref<10000xi32, #tpu.memory_space<vmem>> -> memref<256xi32, #tpu.memory_space<vmem>>
    %dma_start3A_34 = arith.constant 0 : i32
    %dma_start3A_35 = arith.constant 0 : i32
    %dma_start3A_36 = tpu.memref_slice %arg2[%dma_start3A_34, %dma_start3A_35] : memref<10000x16xf32, #tpu.memory_space<hbm>> -> memref<10000x16xf32, #tpu.memory_space<hbm>>
    tpu.enqueue_indirect_dma source(%dma_start3A_36 : memref<10000x16xf32, #tpu.memory_space<hbm>>) target(%arg13 : memref<256x16xf32, #tpu.memory_space<vmem>>) offsets(%dma_start3A_33 : memref<256xi32, #tpu.memory_space<vmem>>) semaphore(%arg20 : memref<!tpu.dma_semaphore, #tpu.memory_space<semaphore_mem>>)
    %scan3A = arith.constant 0 : i32
    %scan3A_37 = arith.constant 0 : i32
    %scan3A_38 = arith.constant 5 : i32
    %scan3A_39 = arith.addi %scan3A_37, %scan3A_38 : i32
    %scan3A_40 = arith.constant 1 : i32
    scf.for %scan3A_118 = %scan3A_37 to %scan3A_39 step %scan3A_40  : i32 {
      %mul3A_119 = arith.constant 6 : i32
      %mul3A_120 = arith.muli %mul3A_119, %scan3A_118 : i32
      %add3A_121 = arith.constant 0 : i32
      %add3A_122 = arith.addi %mul3A_120, %add3A_121 : i32
      %mul3A_123 = arith.constant 256 : i32
      %mul3A_124 = arith.muli %add3A_122, %mul3A_123 : i32
      %dma_wait3A_125 = tpu.memref_slice %arg6[%mul3A_124] : memref<10000xi32, #tpu.memory_space<vmem>> -> memref<256xi32, #tpu.memory_space<vmem>>
      %dma_wait3A_126 = arith.constant 0 : i32
      %dma_wait3A_127 = arith.constant 0 : i32
      %dma_wait3A_128 = tpu.memref_slice %arg2[%dma_wait3A_126, %dma_wait3A_127] : memref<10000x16xf32, #tpu.memory_space<hbm>> -> memref<10000x16xf32, #tpu.memory_space<hbm>>
      tpu.wait_indirect_dma semaphore(%arg15 : memref<!tpu.dma_semaphore, #tpu.memory_space<semaphore_mem>>) src(%dma_wait3A_128 : memref<10000x16xf32, #tpu.memory_space<hbm>>) dst(%arg8 : memref<256x16xf32, #tpu.memory_space<vmem>>)
      %mul3A_129 = arith.constant 256 : i32
      %mul3A_130 = arith.muli %add3A_122, %mul3A_129 : i32
      "tpu.region"() ({
        %run_scoped3A_239 = tpu.sem_alloc : memref<!tpu.dma_semaphore, #tpu.memory_space<semaphore_mem>>
        %dma_start3A_240 = tpu.memref_slice %arg7[%mul3A_130] : memref<10000xi32, #tpu.memory_space<vmem>> -> memref<256xi32, #tpu.memory_space<vmem>>
        %dma_start3A_241 = arith.constant 0 : i32
        %dma_start3A_242 = arith.constant 0 : i32
        %dma_start3A_243 = tpu.memref_slice %arg14[%dma_start3A_241, %dma_start3A_242] : memref<10240x16xf32, #tpu.memory_space<vmem_shared>> -> memref<10240x16xf32, #tpu.memory_space<vmem_shared>>
        tpu.enqueue_indirect_dma source(%arg8 : memref<256x16xf32, #tpu.memory_space<vmem>>) target(%dma_start3A_243 : memref<10240x16xf32, #tpu.memory_space<vmem_shared>>) offsets(%dma_start3A_240 : memref<256xi32, #tpu.memory_space<vmem>>) semaphore(%run_scoped3A_239 : memref<!tpu.dma_semaphore, #tpu.memory_space<semaphore_mem>>) {add = true}
        %dma_wait3A_244 = tpu.memref_slice %arg7[%mul3A_130] : memref<10000xi32, #tpu.memory_space<vmem>> -> memref<256xi32, #tpu.memory_space<vmem>>
        %dma_wait3A_245 = arith.constant 0 : i32
        %dma_wait3A_246 = arith.constant 0 : i32
        %dma_wait3A_247 = tpu.memref_slice %arg14[%dma_wait3A_245, %dma_wait3A_246] : memref<10240x16xf32, #tpu.memory_space<vmem_shared>> -> memref<10240x16xf32, #tpu.memory_space<vmem_shared>>
        tpu.wait_indirect_dma semaphore(%run_scoped3A_239 : memref<!tpu.dma_semaphore, #tpu.memory_space<semaphore_mem>>) src(%arg8 : memref<256x16xf32, #tpu.memory_space<vmem>>) dst(%dma_wait3A_247 : memref<10240x16xf32, #tpu.memory_space<vmem_shared>>)
        tpu.yield
      }) : () -> ()
      %add3A_131 = arith.constant 6 : i32
      %add3A_132 = arith.addi %add3A_122, %add3A_131 : i32
      %mul3A_133 = arith.constant 256 : i32
      %mul3A_134 = arith.muli %add3A_132, %mul3A_133 : i32
      %dma_start3A_135 = tpu.memref_slice %arg6[%mul3A_134] : memref<10000xi32, #tpu.memory_space<vmem>> -> memref<256xi32, #tpu.memory_space<vmem>>
      %dma_start3A_136 = arith.constant 0 : i32
      %dma_start3A_137 = arith.constant 0 : i32
      %dma_start3A_138 = tpu.memref_slice %arg2[%dma_start3A_136, %dma_start3A_137] : memref<10000x16xf32, #tpu.memory_space<hbm>> -> memref<10000x16xf32, #tpu.memory_space<hbm>>
      tpu.enqueue_indirect_dma source(%dma_start3A_138 : memref<10000x16xf32, #tpu.memory_space<hbm>>) target(%arg8 : memref<256x16xf32, #tpu.memory_space<vmem>>) offsets(%dma_start3A_135 : memref<256xi32, #tpu.memory_space<vmem>>) semaphore(%arg15 : memref<!tpu.dma_semaphore, #tpu.memory_space<semaphore_mem>>)
      %mul3A_139 = arith.constant 6 : i32
      %mul3A_140 = arith.muli %mul3A_139, %scan3A_118 : i32
      %add3A_141 = arith.constant 1 : i32
      %add3A_142 = arith.addi %mul3A_140, %add3A_141 : i32
      %mul3A_143 = arith.constant 256 : i32
      %mul3A_144 = arith.muli %add3A_142, %mul3A_143 : i32
      %dma_wait3A_145 = tpu.memref_slice %arg6[%mul3A_144] : memref<10000xi32, #tpu.memory_space<vmem>> -> memref<256xi32, #tpu.memory_space<vmem>>
      %dma_wait3A_146 = arith.constant 0 : i32
      %dma_wait3A_147 = arith.constant 0 : i32
      %dma_wait3A_148 = tpu.memref_slice %arg2[%dma_wait3A_146, %dma_wait3A_147] : memref<10000x16xf32, #tpu.memory_space<hbm>> -> memref<10000x16xf32, #tpu.memory_space<hbm>>
      tpu.wait_indirect_dma semaphore(%arg16 : memref<!tpu.dma_semaphore, #tpu.memory_space<semaphore_mem>>) src(%dma_wait3A_148 : memref<10000x16xf32, #tpu.memory_space<hbm>>) dst(%arg9 : memref<256x16xf32, #tpu.memory_space<vmem>>)
      %mul3A_149 = arith.constant 256 : i32
      %mul3A_150 = arith.muli %add3A_142, %mul3A_149 : i32
      "tpu.region"() ({
        %run_scoped3A_239 = tpu.sem_alloc : memref<!tpu.dma_semaphore, #tpu.memory_space<semaphore_mem>>
        %dma_start3A_240 = tpu.memref_slice %arg7[%mul3A_150] : memref<10000xi32, #tpu.memory_space<vmem>> -> memref<256xi32, #tpu.memory_space<vmem>>
        %dma_start3A_241 = arith.constant 0 : i32
        %dma_start3A_242 = arith.constant 0 : i32
        %dma_start3A_243 = tpu.memref_slice %arg14[%dma_start3A_241, %dma_start3A_242] : memref<10240x16xf32, #tpu.memory_space<vmem_shared>> -> memref<10240x16xf32, #tpu.memory_space<vmem_shared>>
        tpu.enqueue_indirect_dma source(%arg9 : memref<256x16xf32, #tpu.memory_space<vmem>>) target(%dma_start3A_243 : memref<10240x16xf32, #tpu.memory_space<vmem_shared>>) offsets(%dma_start3A_240 : memref<256xi32, #tpu.memory_space<vmem>>) semaphore(%run_scoped3A_239 : memref<!tpu.dma_semaphore, #tpu.memory_space<semaphore_mem>>) {add = true}
        %dma_wait3A_244 = tpu.memref_slice %arg7[%mul3A_150] : memref<10000xi32, #tpu.memory_space<vmem>> -> memref<256xi32, #tpu.memory_space<vmem>>
        %dma_wait3A_245 = arith.constant 0 : i32
        %dma_wait3A_246 = arith.constant 0 : i32
        %dma_wait3A_247 = tpu.memref_slice %arg14[%dma_wait3A_245, %dma_wait3A_246] : memref<10240x16xf32, #tpu.memory_space<vmem_shared>> -> memref<10240x16xf32, #tpu.memory_space<vmem_shared>>
        tpu.wait_indirect_dma semaphore(%run_scoped3A_239 : memref<!tpu.dma_semaphore, #tpu.memory_space<semaphore_mem>>) src(%arg9 : memref<256x16xf32, #tpu.memory_space<vmem>>) dst(%dma_wait3A_247 : memref<10240x16xf32, #tpu.memory_space<vmem_shared>>)
        tpu.yield
      }) : () -> ()
      %add3A_151 = arith.constant 6 : i32
      %add3A_152 = arith.addi %add3A_142, %add3A_151 : i32
      %mul3A_153 = arith.constant 256 : i32
      %mul3A_154 = arith.muli %add3A_152, %mul3A_153 : i32
      %dma_start3A_155 = tpu.memref_slice %arg6[%mul3A_154] : memref<10000xi32, #tpu.memory_space<vmem>> -> memref<256xi32, #tpu.memory_space<vmem>>
      %dma_start3A_156 = arith.constant 0 : i32
      %dma_start3A_157 = arith.constant 0 : i32
      %dma_start3A_158 = tpu.memref_slice %arg2[%dma_start3A_156, %dma_start3A_157] : memref<10000x16xf32, #tpu.memory_space<hbm>> -> memref<10000x16xf32, #tpu.memory_space<hbm>>
      tpu.enqueue_indirect_dma source(%dma_start3A_158 : memref<10000x16xf32, #tpu.memory_space<hbm>>) target(%arg9 : memref<256x16xf32, #tpu.memory_space<vmem>>) offsets(%dma_start3A_155 : memref<256xi32, #tpu.memory_space<vmem>>) semaphore(%arg16 : memref<!tpu.dma_semaphore, #tpu.memory_space<semaphore_mem>>)
      %mul3A_159 = arith.constant 6 : i32
      %mul3A_160 = arith.muli %mul3A_159, %scan3A_118 : i32
      %add3A_161 = arith.constant 2 : i32
      %add3A_162 = arith.addi %mul3A_160, %add3A_161 : i32
      %mul3A_163 = arith.constant 256 : i32
      %mul3A_164 = arith.muli %add3A_162, %mul3A_163 : i32
      %dma_wait3A_165 = tpu.memref_slice %arg6[%mul3A_164] : memref<10000xi32, #tpu.memory_space<vmem>> -> memref<256xi32, #tpu.memory_space<vmem>>
      %dma_wait3A_166 = arith.constant 0 : i32
      %dma_wait3A_167 = arith.constant 0 : i32
      %dma_wait3A_168 = tpu.memref_slice %arg2[%dma_wait3A_166, %dma_wait3A_167] : memref<10000x16xf32, #tpu.memory_space<hbm>> -> memref<10000x16xf32, #tpu.memory_space<hbm>>
      tpu.wait_indirect_dma semaphore(%arg17 : memref<!tpu.dma_semaphore, #tpu.memory_space<semaphore_mem>>) src(%dma_wait3A_168 : memref<10000x16xf32, #tpu.memory_space<hbm>>) dst(%arg10 : memref<256x16xf32, #tpu.memory_space<vmem>>)
      %mul3A_169 = arith.constant 256 : i32
      %mul3A_170 = arith.muli %add3A_162, %mul3A_169 : i32
      "tpu.region"() ({
        %run_scoped3A_239 = tpu.sem_alloc : memref<!tpu.dma_semaphore, #tpu.memory_space<semaphore_mem>>
        %dma_start3A_240 = tpu.memref_slice %arg7[%mul3A_170] : memref<10000xi32, #tpu.memory_space<vmem>> -> memref<256xi32, #tpu.memory_space<vmem>>
        %dma_start3A_241 = arith.constant 0 : i32
        %dma_start3A_242 = arith.constant 0 : i32
        %dma_start3A_243 = tpu.memref_slice %arg14[%dma_start3A_241, %dma_start3A_242] : memref<10240x16xf32, #tpu.memory_space<vmem_shared>> -> memref<10240x16xf32, #tpu.memory_space<vmem_shared>>
        tpu.enqueue_indirect_dma source(%arg10 : memref<256x16xf32, #tpu.memory_space<vmem>>) target(%dma_start3A_243 : memref<10240x16xf32, #tpu.memory_space<vmem_shared>>) offsets(%dma_start3A_240 : memref<256xi32, #tpu.memory_space<vmem>>) semaphore(%run_scoped3A_239 : memref<!tpu.dma_semaphore, #tpu.memory_space<semaphore_mem>>) {add = true}
        %dma_wait3A_244 = tpu.memref_slice %arg7[%mul3A_170] : memref<10000xi32, #tpu.memory_space<vmem>> -> memref<256xi32, #tpu.memory_space<vmem>>
        %dma_wait3A_245 = arith.constant 0 : i32
        %dma_wait3A_246 = arith.constant 0 : i32
        %dma_wait3A_247 = tpu.memref_slice %arg14[%dma_wait3A_245, %dma_wait3A_246] : memref<10240x16xf32, #tpu.memory_space<vmem_shared>> -> memref<10240x16xf32, #tpu.memory_space<vmem_shared>>
        tpu.wait_indirect_dma semaphore(%run_scoped3A_239 : memref<!tpu.dma_semaphore, #tpu.memory_space<semaphore_mem>>) src(%arg10 : memref<256x16xf32, #tpu.memory_space<vmem>>) dst(%dma_wait3A_247 : memref<10240x16xf32, #tpu.memory_space<vmem_shared>>)
        tpu.yield
      }) : () -> ()
      %add3A_171 = arith.constant 6 : i32
      %add3A_172 = arith.addi %add3A_162, %add3A_171 : i32
      %mul3A_173 = arith.constant 256 : i32
      %mul3A_174 = arith.muli %add3A_172, %mul3A_173 : i32
      %dma_start3A_175 = tpu.memref_slice %arg6[%mul3A_174] : memref<10000xi32, #tpu.memory_space<vmem>> -> memref<256xi32, #tpu.memory_space<vmem>>
      %dma_start3A_176 = arith.constant 0 : i32
      %dma_start3A_177 = arith.constant 0 : i32
      %dma_start3A_178 = tpu.memref_slice %arg2[%dma_start3A_176, %dma_start3A_177] : memref<10000x16xf32, #tpu.memory_space<hbm>> -> memref<10000x16xf32, #tpu.memory_space<hbm>>
      tpu.enqueue_indirect_dma source(%dma_start3A_178 : memref<10000x16xf32, #tpu.memory_space<hbm>>) target(%arg10 : memref<256x16xf32, #tpu.memory_space<vmem>>) offsets(%dma_start3A_175 : memref<256xi32, #tpu.memory_space<vmem>>) semaphore(%arg17 : memref<!tpu.dma_semaphore, #tpu.memory_space<semaphore_mem>>)
      %mul3A_179 = arith.constant 6 : i32
      %mul3A_180 = arith.muli %mul3A_179, %scan3A_118 : i32
      %add3A_181 = arith.constant 3 : i32
      %add3A_182 = arith.addi %mul3A_180, %add3A_181 : i32
      %mul3A_183 = arith.constant 256 : i32
      %mul3A_184 = arith.muli %add3A_182, %mul3A_183 : i32
      %dma_wait3A_185 = tpu.memref_slice %arg6[%mul3A_184] : memref<10000xi32, #tpu.memory_space<vmem>> -> memref<256xi32, #tpu.memory_space<vmem>>
      %dma_wait3A_186 = arith.constant 0 : i32
      %dma_wait3A_187 = arith.constant 0 : i32
      %dma_wait3A_188 = tpu.memref_slice %arg2[%dma_wait3A_186, %dma_wait3A_187] : memref<10000x16xf32, #tpu.memory_space<hbm>> -> memref<10000x16xf32, #tpu.memory_space<hbm>>
      tpu.wait_indirect_dma semaphore(%arg18 : memref<!tpu.dma_semaphore, #tpu.memory_space<semaphore_mem>>) src(%dma_wait3A_188 : memref<10000x16xf32, #tpu.memory_space<hbm>>) dst(%arg11 : memref<256x16xf32, #tpu.memory_space<vmem>>)
      %mul3A_189 = arith.constant 256 : i32
      %mul3A_190 = arith.muli %add3A_182, %mul3A_189 : i32
      "tpu.region"() ({
        %run_scoped3A_239 = tpu.sem_alloc : memref<!tpu.dma_semaphore, #tpu.memory_space<semaphore_mem>>
        %dma_start3A_240 = tpu.memref_slice %arg7[%mul3A_190] : memref<10000xi32, #tpu.memory_space<vmem>> -> memref<256xi32, #tpu.memory_space<vmem>>
        %dma_start3A_241 = arith.constant 0 : i32
        %dma_start3A_242 = arith.constant 0 : i32
        %dma_start3A_243 = tpu.memref_slice %arg14[%dma_start3A_241, %dma_start3A_242] : memref<10240x16xf32, #tpu.memory_space<vmem_shared>> -> memref<10240x16xf32, #tpu.memory_space<vmem_shared>>
        tpu.enqueue_indirect_dma source(%arg11 : memref<256x16xf32, #tpu.memory_space<vmem>>) target(%dma_start3A_243 : memref<10240x16xf32, #tpu.memory_space<vmem_shared>>) offsets(%dma_start3A_240 : memref<256xi32, #tpu.memory_space<vmem>>) semaphore(%run_scoped3A_239 : memref<!tpu.dma_semaphore, #tpu.memory_space<semaphore_mem>>) {add = true}
        %dma_wait3A_244 = tpu.memref_slice %arg7[%mul3A_190] : memref<10000xi32, #tpu.memory_space<vmem>> -> memref<256xi32, #tpu.memory_space<vmem>>
        %dma_wait3A_245 = arith.constant 0 : i32
        %dma_wait3A_246 = arith.constant 0 : i32
        %dma_wait3A_247 = tpu.memref_slice %arg14[%dma_wait3A_245, %dma_wait3A_246] : memref<10240x16xf32, #tpu.memory_space<vmem_shared>> -> memref<10240x16xf32, #tpu.memory_space<vmem_shared>>
        tpu.wait_indirect_dma semaphore(%run_scoped3A_239 : memref<!tpu.dma_semaphore, #tpu.memory_space<semaphore_mem>>) src(%arg11 : memref<256x16xf32, #tpu.memory_space<vmem>>) dst(%dma_wait3A_247 : memref<10240x16xf32, #tpu.memory_space<vmem_shared>>)
        tpu.yield
      }) : () -> ()
      %add3A_191 = arith.constant 6 : i32
      %add3A_192 = arith.addi %add3A_182, %add3A_191 : i32
      %mul3A_193 = arith.constant 256 : i32
      %mul3A_194 = arith.muli %add3A_192, %mul3A_193 : i32
      %dma_start3A_195 = tpu.memref_slice %arg6[%mul3A_194] : memref<10000xi32, #tpu.memory_space<vmem>> -> memref<256xi32, #tpu.memory_space<vmem>>
      %dma_start3A_196 = arith.constant 0 : i32
      %dma_start3A_197 = arith.constant 0 : i32
      %dma_start3A_198 = tpu.memref_slice %arg2[%dma_start3A_196, %dma_start3A_197] : memref<10000x16xf32, #tpu.memory_space<hbm>> -> memref<10000x16xf32, #tpu.memory_space<hbm>>
      tpu.enqueue_indirect_dma source(%dma_start3A_198 : memref<10000x16xf32, #tpu.memory_space<hbm>>) target(%arg11 : memref<256x16xf32, #tpu.memory_space<vmem>>) offsets(%dma_start3A_195 : memref<256xi32, #tpu.memory_space<vmem>>) semaphore(%arg18 : memref<!tpu.dma_semaphore, #tpu.memory_space<semaphore_mem>>)
      %mul3A_199 = arith.constant 6 : i32
      %mul3A_200 = arith.muli %mul3A_199, %scan3A_118 : i32
      %add3A_201 = arith.constant 4 : i32
      %add3A_202 = arith.addi %mul3A_200, %add3A_201 : i32
      %mul3A_203 = arith.constant 256 : i32
      %mul3A_204 = arith.muli %add3A_202, %mul3A_203 : i32
      %dma_wait3A_205 = tpu.memref_slice %arg6[%mul3A_204] : memref<10000xi32, #tpu.memory_space<vmem>> -> memref<256xi32, #tpu.memory_space<vmem>>
      %dma_wait3A_206 = arith.constant 0 : i32
      %dma_wait3A_207 = arith.constant 0 : i32
      %dma_wait3A_208 = tpu.memref_slice %arg2[%dma_wait3A_206, %dma_wait3A_207] : memref<10000x16xf32, #tpu.memory_space<hbm>> -> memref<10000x16xf32, #tpu.memory_space<hbm>>
      tpu.wait_indirect_dma semaphore(%arg19 : memref<!tpu.dma_semaphore, #tpu.memory_space<semaphore_mem>>) src(%dma_wait3A_208 : memref<10000x16xf32, #tpu.memory_space<hbm>>) dst(%arg12 : memref<256x16xf32, #tpu.memory_space<vmem>>)
      %mul3A_209 = arith.constant 256 : i32
      %mul3A_210 = arith.muli %add3A_202, %mul3A_209 : i32
      "tpu.region"() ({
        %run_scoped3A_239 = tpu.sem_alloc : memref<!tpu.dma_semaphore, #tpu.memory_space<semaphore_mem>>
        %dma_start3A_240 = tpu.memref_slice %arg7[%mul3A_210] : memref<10000xi32, #tpu.memory_space<vmem>> -> memref<256xi32, #tpu.memory_space<vmem>>
        %dma_start3A_241 = arith.constant 0 : i32
        %dma_start3A_242 = arith.constant 0 : i32
        %dma_start3A_243 = tpu.memref_slice %arg14[%dma_start3A_241, %dma_start3A_242] : memref<10240x16xf32, #tpu.memory_space<vmem_shared>> -> memref<10240x16xf32, #tpu.memory_space<vmem_shared>>
        tpu.enqueue_indirect_dma source(%arg12 : memref<256x16xf32, #tpu.memory_space<vmem>>) target(%dma_start3A_243 : memref<10240x16xf32, #tpu.memory_space<vmem_shared>>) offsets(%dma_start3A_240 : memref<256xi32, #tpu.memory_space<vmem>>) semaphore(%run_scoped3A_239 : memref<!tpu.dma_semaphore, #tpu.memory_space<semaphore_mem>>) {add = true}
        %dma_wait3A_244 = tpu.memref_slice %arg7[%mul3A_210] : memref<10000xi32, #tpu.memory_space<vmem>> -> memref<256xi32, #tpu.memory_space<vmem>>
        %dma_wait3A_245 = arith.constant 0 : i32
        %dma_wait3A_246 = arith.constant 0 : i32
        %dma_wait3A_247 = tpu.memref_slice %arg14[%dma_wait3A_245, %dma_wait3A_246] : memref<10240x16xf32, #tpu.memory_space<vmem_shared>> -> memref<10240x16xf32, #tpu.memory_space<vmem_shared>>
        tpu.wait_indirect_dma semaphore(%run_scoped3A_239 : memref<!tpu.dma_semaphore, #tpu.memory_space<semaphore_mem>>) src(%arg12 : memref<256x16xf32, #tpu.memory_space<vmem>>) dst(%dma_wait3A_247 : memref<10240x16xf32, #tpu.memory_space<vmem_shared>>)
        tpu.yield
      }) : () -> ()
      %add3A_211 = arith.constant 6 : i32
      %add3A_212 = arith.addi %add3A_202, %add3A_211 : i32
      %mul3A_213 = arith.constant 256 : i32
      %mul3A_214 = arith.muli %add3A_212, %mul3A_213 : i32
      %dma_start3A_215 = tpu.memref_slice %arg6[%mul3A_214] : memref<10000xi32, #tpu.memory_space<vmem>> -> memref<256xi32, #tpu.memory_space<vmem>>
      %dma_start3A_216 = arith.constant 0 : i32
      %dma_start3A_217 = arith.constant 0 : i32
      %dma_start3A_218 = tpu.memref_slice %arg2[%dma_start3A_216, %dma_start3A_217] : memref<10000x16xf32, #tpu.memory_space<hbm>> -> memref<10000x16xf32, #tpu.memory_space<hbm>>
      tpu.enqueue_indirect_dma source(%dma_start3A_218 : memref<10000x16xf32, #tpu.memory_space<hbm>>) target(%arg12 : memref<256x16xf32, #tpu.memory_space<vmem>>) offsets(%dma_start3A_215 : memref<256xi32, #tpu.memory_space<vmem>>) semaphore(%arg19 : memref<!tpu.dma_semaphore, #tpu.memory_space<semaphore_mem>>)
      %mul3A_219 = arith.constant 6 : i32
      %mul3A_220 = arith.muli %mul3A_219, %scan3A_118 : i32
      %add3A_221 = arith.constant 5 : i32
      %add3A_222 = arith.addi %mul3A_220, %add3A_221 : i32
      %mul3A_223 = arith.constant 256 : i32
      %mul3A_224 = arith.muli %add3A_222, %mul3A_223 : i32
      %dma_wait3A_225 = tpu.memref_slice %arg6[%mul3A_224] : memref<10000xi32, #tpu.memory_space<vmem>> -> memref<256xi32, #tpu.memory_space<vmem>>
      %dma_wait3A_226 = arith.constant 0 : i32
      %dma_wait3A_227 = arith.constant 0 : i32
      %dma_wait3A_228 = tpu.memref_slice %arg2[%dma_wait3A_226, %dma_wait3A_227] : memref<10000x16xf32, #tpu.memory_space<hbm>> -> memref<10000x16xf32, #tpu.memory_space<hbm>>
      tpu.wait_indirect_dma semaphore(%arg20 : memref<!tpu.dma_semaphore, #tpu.memory_space<semaphore_mem>>) src(%dma_wait3A_228 : memref<10000x16xf32, #tpu.memory_space<hbm>>) dst(%arg13 : memref<256x16xf32, #tpu.memory_space<vmem>>)
      %mul3A_229 = arith.constant 256 : i32
      %mul3A_230 = arith.muli %add3A_222, %mul3A_229 : i32
      "tpu.region"() ({
        %run_scoped3A_239 = tpu.sem_alloc : memref<!tpu.dma_semaphore, #tpu.memory_space<semaphore_mem>>
        %dma_start3A_240 = tpu.memref_slice %arg7[%mul3A_230] : memref<10000xi32, #tpu.memory_space<vmem>> -> memref<256xi32, #tpu.memory_space<vmem>>
        %dma_start3A_241 = arith.constant 0 : i32
        %dma_start3A_242 = arith.constant 0 : i32
        %dma_start3A_243 = tpu.memref_slice %arg14[%dma_start3A_241, %dma_start3A_242] : memref<10240x16xf32, #tpu.memory_space<vmem_shared>> -> memref<10240x16xf32, #tpu.memory_space<vmem_shared>>
        tpu.enqueue_indirect_dma source(%arg13 : memref<256x16xf32, #tpu.memory_space<vmem>>) target(%dma_start3A_243 : memref<10240x16xf32, #tpu.memory_space<vmem_shared>>) offsets(%dma_start3A_240 : memref<256xi32, #tpu.memory_space<vmem>>) semaphore(%run_scoped3A_239 : memref<!tpu.dma_semaphore, #tpu.memory_space<semaphore_mem>>) {add = true}
        %dma_wait3A_244 = tpu.memref_slice %arg7[%mul3A_230] : memref<10000xi32, #tpu.memory_space<vmem>> -> memref<256xi32, #tpu.memory_space<vmem>>
        %dma_wait3A_245 = arith.constant 0 : i32
        %dma_wait3A_246 = arith.constant 0 : i32
        %dma_wait3A_247 = tpu.memref_slice %arg14[%dma_wait3A_245, %dma_wait3A_246] : memref<10240x16xf32, #tpu.memory_space<vmem_shared>> -> memref<10240x16xf32, #tpu.memory_space<vmem_shared>>
        tpu.wait_indirect_dma semaphore(%run_scoped3A_239 : memref<!tpu.dma_semaphore, #tpu.memory_space<semaphore_mem>>) src(%arg13 : memref<256x16xf32, #tpu.memory_space<vmem>>) dst(%dma_wait3A_247 : memref<10240x16xf32, #tpu.memory_space<vmem_shared>>)
        tpu.yield
      }) : () -> ()
      %add3A_231 = arith.constant 6 : i32
      %add3A_232 = arith.addi %add3A_222, %add3A_231 : i32
      %mul3A_233 = arith.constant 256 : i32
      %mul3A_234 = arith.muli %add3A_232, %mul3A_233 : i32
      %dma_start3A_235 = tpu.memref_slice %arg6[%mul3A_234] : memref<10000xi32, #tpu.memory_space<vmem>> -> memref<256xi32, #tpu.memory_space<vmem>>
      %dma_start3A_236 = arith.constant 0 : i32
      %dma_start3A_237 = arith.constant 0 : i32
      %dma_start3A_238 = tpu.memref_slice %arg2[%dma_start3A_236, %dma_start3A_237] : memref<10000x16xf32, #tpu.memory_space<hbm>> -> memref<10000x16xf32, #tpu.memory_space<hbm>>
      tpu.enqueue_indirect_dma source(%dma_start3A_238 : memref<10000x16xf32, #tpu.memory_space<hbm>>) target(%arg13 : memref<256x16xf32, #tpu.memory_space<vmem>>) offsets(%dma_start3A_235 : memref<256xi32, #tpu.memory_space<vmem>>) semaphore(%arg20 : memref<!tpu.dma_semaphore, #tpu.memory_space<semaphore_mem>>)
    }
    %scan3A_41 = arith.constant 5 : i32
    %dma_wait3A = arith.constant 7680 : i32
    %dma_wait3A_42 = tpu.memref_slice %arg6[%dma_wait3A] : memref<10000xi32, #tpu.memory_space<vmem>> -> memref<256xi32, #tpu.memory_space<vmem>>
    %dma_wait3A_43 = arith.constant 0 : i32
    %dma_wait3A_44 = arith.constant 0 : i32
    %dma_wait3A_45 = tpu.memref_slice %arg2[%dma_wait3A_43, %dma_wait3A_44] : memref<10000x16xf32, #tpu.memory_space<hbm>> -> memref<10000x16xf32, #tpu.memory_space<hbm>>
    tpu.wait_indirect_dma semaphore(%arg15 : memref<!tpu.dma_semaphore, #tpu.memory_space<semaphore_mem>>) src(%dma_wait3A_45 : memref<10000x16xf32, #tpu.memory_space<hbm>>) dst(%arg8 : memref<256x16xf32, #tpu.memory_space<vmem>>)
    "tpu.region"() ({
      %run_scoped3A_118 = tpu.sem_alloc : memref<!tpu.dma_semaphore, #tpu.memory_space<semaphore_mem>>
      %dma_start3A_119 = arith.constant 7680 : i32
      %dma_start3A_120 = tpu.memref_slice %arg7[%dma_start3A_119] : memref<10000xi32, #tpu.memory_space<vmem>> -> memref<256xi32, #tpu.memory_space<vmem>>
      %dma_start3A_121 = arith.constant 0 : i32
      %dma_start3A_122 = arith.constant 0 : i32
      %dma_start3A_123 = tpu.memref_slice %arg14[%dma_start3A_121, %dma_start3A_122] : memref<10240x16xf32, #tpu.memory_space<vmem_shared>> -> memref<10240x16xf32, #tpu.memory_space<vmem_shared>>
      tpu.enqueue_indirect_dma source(%arg8 : memref<256x16xf32, #tpu.memory_space<vmem>>) target(%dma_start3A_123 : memref<10240x16xf32, #tpu.memory_space<vmem_shared>>) offsets(%dma_start3A_120 : memref<256xi32, #tpu.memory_space<vmem>>) semaphore(%run_scoped3A_118 : memref<!tpu.dma_semaphore, #tpu.memory_space<semaphore_mem>>) {add = true}
      %dma_wait3A_124 = arith.constant 7680 : i32
      %dma_wait3A_125 = tpu.memref_slice %arg7[%dma_wait3A_124] : memref<10000xi32, #tpu.memory_space<vmem>> -> memref<256xi32, #tpu.memory_space<vmem>>
      %dma_wait3A_126 = arith.constant 0 : i32
      %dma_wait3A_127 = arith.constant 0 : i32
      %dma_wait3A_128 = tpu.memref_slice %arg14[%dma_wait3A_126, %dma_wait3A_127] : memref<10240x16xf32, #tpu.memory_space<vmem_shared>> -> memref<10240x16xf32, #tpu.memory_space<vmem_shared>>
      tpu.wait_indirect_dma semaphore(%run_scoped3A_118 : memref<!tpu.dma_semaphore, #tpu.memory_space<semaphore_mem>>) src(%arg8 : memref<256x16xf32, #tpu.memory_space<vmem>>) dst(%dma_wait3A_128 : memref<10240x16xf32, #tpu.memory_space<vmem_shared>>)
      tpu.yield
    }) : () -> ()
    %dma_wait3A_46 = arith.constant 7936 : i32
    %dma_wait3A_47 = tpu.memref_slice %arg6[%dma_wait3A_46] : memref<10000xi32, #tpu.memory_space<vmem>> -> memref<256xi32, #tpu.memory_space<vmem>>
    %dma_wait3A_48 = arith.constant 0 : i32
    %dma_wait3A_49 = arith.constant 0 : i32
    %dma_wait3A_50 = tpu.memref_slice %arg2[%dma_wait3A_48, %dma_wait3A_49] : memref<10000x16xf32, #tpu.memory_space<hbm>> -> memref<10000x16xf32, #tpu.memory_space<hbm>>
    tpu.wait_indirect_dma semaphore(%arg16 : memref<!tpu.dma_semaphore, #tpu.memory_space<semaphore_mem>>) src(%dma_wait3A_50 : memref<10000x16xf32, #tpu.memory_space<hbm>>) dst(%arg9 : memref<256x16xf32, #tpu.memory_space<vmem>>)
    "tpu.region"() ({
      %run_scoped3A_118 = tpu.sem_alloc : memref<!tpu.dma_semaphore, #tpu.memory_space<semaphore_mem>>
      %dma_start3A_119 = arith.constant 7936 : i32
      %dma_start3A_120 = tpu.memref_slice %arg7[%dma_start3A_119] : memref<10000xi32, #tpu.memory_space<vmem>> -> memref<256xi32, #tpu.memory_space<vmem>>
      %dma_start3A_121 = arith.constant 0 : i32
      %dma_start3A_122 = arith.constant 0 : i32
      %dma_start3A_123 = tpu.memref_slice %arg14[%dma_start3A_121, %dma_start3A_122] : memref<10240x16xf32, #tpu.memory_space<vmem_shared>> -> memref<10240x16xf32, #tpu.memory_space<vmem_shared>>
      tpu.enqueue_indirect_dma source(%arg9 : memref<256x16xf32, #tpu.memory_space<vmem>>) target(%dma_start3A_123 : memref<10240x16xf32, #tpu.memory_space<vmem_shared>>) offsets(%dma_start3A_120 : memref<256xi32, #tpu.memory_space<vmem>>) semaphore(%run_scoped3A_118 : memref<!tpu.dma_semaphore, #tpu.memory_space<semaphore_mem>>) {add = true}
      %dma_wait3A_124 = arith.constant 7936 : i32
      %dma_wait3A_125 = tpu.memref_slice %arg7[%dma_wait3A_124] : memref<10000xi32, #tpu.memory_space<vmem>> -> memref<256xi32, #tpu.memory_space<vmem>>
      %dma_wait3A_126 = arith.constant 0 : i32
      %dma_wait3A_127 = arith.constant 0 : i32
      %dma_wait3A_128 = tpu.memref_slice %arg14[%dma_wait3A_126, %dma_wait3A_127] : memref<10240x16xf32, #tpu.memory_space<vmem_shared>> -> memref<10240x16xf32, #tpu.memory_space<vmem_shared>>
      tpu.wait_indirect_dma semaphore(%run_scoped3A_118 : memref<!tpu.dma_semaphore, #tpu.memory_space<semaphore_mem>>) src(%arg9 : memref<256x16xf32, #tpu.memory_space<vmem>>) dst(%dma_wait3A_128 : memref<10240x16xf32, #tpu.memory_space<vmem_shared>>)
      tpu.yield
    }) : () -> ()
    %dma_wait3A_51 = arith.constant 8192 : i32
    %dma_wait3A_52 = tpu.memref_slice %arg6[%dma_wait3A_51] : memref<10000xi32, #tpu.memory_space<vmem>> -> memref<256xi32, #tpu.memory_space<vmem>>
    %dma_wait3A_53 = arith.constant 0 : i32
    %dma_wait3A_54 = arith.constant 0 : i32
    %dma_wait3A_55 = tpu.memref_slice %arg2[%dma_wait3A_53, %dma_wait3A_54] : memref<10000x16xf32, #tpu.memory_space<hbm>> -> memref<10000x16xf32, #tpu.memory_space<hbm>>
    tpu.wait_indirect_dma semaphore(%arg17 : memref<!tpu.dma_semaphore, #tpu.memory_space<semaphore_mem>>) src(%dma_wait3A_55 : memref<10000x16xf32, #tpu.memory_space<hbm>>) dst(%arg10 : memref<256x16xf32, #tpu.memory_space<vmem>>)
    "tpu.region"() ({
      %run_scoped3A_118 = tpu.sem_alloc : memref<!tpu.dma_semaphore, #tpu.memory_space<semaphore_mem>>
      %dma_start3A_119 = arith.constant 8192 : i32
      %dma_start3A_120 = tpu.memref_slice %arg7[%dma_start3A_119] : memref<10000xi32, #tpu.memory_space<vmem>> -> memref<256xi32, #tpu.memory_space<vmem>>
      %dma_start3A_121 = arith.constant 0 : i32
      %dma_start3A_122 = arith.constant 0 : i32
      %dma_start3A_123 = tpu.memref_slice %arg14[%dma_start3A_121, %dma_start3A_122] : memref<10240x16xf32, #tpu.memory_space<vmem_shared>> -> memref<10240x16xf32, #tpu.memory_space<vmem_shared>>
      tpu.enqueue_indirect_dma source(%arg10 : memref<256x16xf32, #tpu.memory_space<vmem>>) target(%dma_start3A_123 : memref<10240x16xf32, #tpu.memory_space<vmem_shared>>) offsets(%dma_start3A_120 : memref<256xi32, #tpu.memory_space<vmem>>) semaphore(%run_scoped3A_118 : memref<!tpu.dma_semaphore, #tpu.memory_space<semaphore_mem>>) {add = true}
      %dma_wait3A_124 = arith.constant 8192 : i32
      %dma_wait3A_125 = tpu.memref_slice %arg7[%dma_wait3A_124] : memref<10000xi32, #tpu.memory_space<vmem>> -> memref<256xi32, #tpu.memory_space<vmem>>
      %dma_wait3A_126 = arith.constant 0 : i32
      %dma_wait3A_127 = arith.constant 0 : i32
      %dma_wait3A_128 = tpu.memref_slice %arg14[%dma_wait3A_126, %dma_wait3A_127] : memref<10240x16xf32, #tpu.memory_space<vmem_shared>> -> memref<10240x16xf32, #tpu.memory_space<vmem_shared>>
      tpu.wait_indirect_dma semaphore(%run_scoped3A_118 : memref<!tpu.dma_semaphore, #tpu.memory_space<semaphore_mem>>) src(%arg10 : memref<256x16xf32, #tpu.memory_space<vmem>>) dst(%dma_wait3A_128 : memref<10240x16xf32, #tpu.memory_space<vmem_shared>>)
      tpu.yield
    }) : () -> ()
    %dma_wait3A_56 = arith.constant 8448 : i32
    %dma_wait3A_57 = tpu.memref_slice %arg6[%dma_wait3A_56] : memref<10000xi32, #tpu.memory_space<vmem>> -> memref<256xi32, #tpu.memory_space<vmem>>
    %dma_wait3A_58 = arith.constant 0 : i32
    %dma_wait3A_59 = arith.constant 0 : i32
    %dma_wait3A_60 = tpu.memref_slice %arg2[%dma_wait3A_58, %dma_wait3A_59] : memref<10000x16xf32, #tpu.memory_space<hbm>> -> memref<10000x16xf32, #tpu.memory_space<hbm>>
    tpu.wait_indirect_dma semaphore(%arg18 : memref<!tpu.dma_semaphore, #tpu.memory_space<semaphore_mem>>) src(%dma_wait3A_60 : memref<10000x16xf32, #tpu.memory_space<hbm>>) dst(%arg11 : memref<256x16xf32, #tpu.memory_space<vmem>>)
    "tpu.region"() ({
      %run_scoped3A_118 = tpu.sem_alloc : memref<!tpu.dma_semaphore, #tpu.memory_space<semaphore_mem>>
      %dma_start3A_119 = arith.constant 8448 : i32
      %dma_start3A_120 = tpu.memref_slice %arg7[%dma_start3A_119] : memref<10000xi32, #tpu.memory_space<vmem>> -> memref<256xi32, #tpu.memory_space<vmem>>
      %dma_start3A_121 = arith.constant 0 : i32
      %dma_start3A_122 = arith.constant 0 : i32
      %dma_start3A_123 = tpu.memref_slice %arg14[%dma_start3A_121, %dma_start3A_122] : memref<10240x16xf32, #tpu.memory_space<vmem_shared>> -> memref<10240x16xf32, #tpu.memory_space<vmem_shared>>
      tpu.enqueue_indirect_dma source(%arg11 : memref<256x16xf32, #tpu.memory_space<vmem>>) target(%dma_start3A_123 : memref<10240x16xf32, #tpu.memory_space<vmem_shared>>) offsets(%dma_start3A_120 : memref<256xi32, #tpu.memory_space<vmem>>) semaphore(%run_scoped3A_118 : memref<!tpu.dma_semaphore, #tpu.memory_space<semaphore_mem>>) {add = true}
      %dma_wait3A_124 = arith.constant 8448 : i32
      %dma_wait3A_125 = tpu.memref_slice %arg7[%dma_wait3A_124] : memref<10000xi32, #tpu.memory_space<vmem>> -> memref<256xi32, #tpu.memory_space<vmem>>
      %dma_wait3A_126 = arith.constant 0 : i32
      %dma_wait3A_127 = arith.constant 0 : i32
      %dma_wait3A_128 = tpu.memref_slice %arg14[%dma_wait3A_126, %dma_wait3A_127] : memref<10240x16xf32, #tpu.memory_space<vmem_shared>> -> memref<10240x16xf32, #tpu.memory_space<vmem_shared>>
      tpu.wait_indirect_dma semaphore(%run_scoped3A_118 : memref<!tpu.dma_semaphore, #tpu.memory_space<semaphore_mem>>) src(%arg11 : memref<256x16xf32, #tpu.memory_space<vmem>>) dst(%dma_wait3A_128 : memref<10240x16xf32, #tpu.memory_space<vmem_shared>>)
      tpu.yield
    }) : () -> ()
    %dma_wait3A_61 = arith.constant 8704 : i32
    %dma_wait3A_62 = tpu.memref_slice %arg6[%dma_wait3A_61] : memref<10000xi32, #tpu.memory_space<vmem>> -> memref<256xi32, #tpu.memory_space<vmem>>
    %dma_wait3A_63 = arith.constant 0 : i32
    %dma_wait3A_64 = arith.constant 0 : i32
    %dma_wait3A_65 = tpu.memref_slice %arg2[%dma_wait3A_63, %dma_wait3A_64] : memref<10000x16xf32, #tpu.memory_space<hbm>> -> memref<10000x16xf32, #tpu.memory_space<hbm>>
    tpu.wait_indirect_dma semaphore(%arg19 : memref<!tpu.dma_semaphore, #tpu.memory_space<semaphore_mem>>) src(%dma_wait3A_65 : memref<10000x16xf32, #tpu.memory_space<hbm>>) dst(%arg12 : memref<256x16xf32, #tpu.memory_space<vmem>>)
    "tpu.region"() ({
      %run_scoped3A_118 = tpu.sem_alloc : memref<!tpu.dma_semaphore, #tpu.memory_space<semaphore_mem>>
      %dma_start3A_119 = arith.constant 8704 : i32
      %dma_start3A_120 = tpu.memref_slice %arg7[%dma_start3A_119] : memref<10000xi32, #tpu.memory_space<vmem>> -> memref<256xi32, #tpu.memory_space<vmem>>
      %dma_start3A_121 = arith.constant 0 : i32
      %dma_start3A_122 = arith.constant 0 : i32
      %dma_start3A_123 = tpu.memref_slice %arg14[%dma_start3A_121, %dma_start3A_122] : memref<10240x16xf32, #tpu.memory_space<vmem_shared>> -> memref<10240x16xf32, #tpu.memory_space<vmem_shared>>
      tpu.enqueue_indirect_dma source(%arg12 : memref<256x16xf32, #tpu.memory_space<vmem>>) target(%dma_start3A_123 : memref<10240x16xf32, #tpu.memory_space<vmem_shared>>) offsets(%dma_start3A_120 : memref<256xi32, #tpu.memory_space<vmem>>) semaphore(%run_scoped3A_118 : memref<!tpu.dma_semaphore, #tpu.memory_space<semaphore_mem>>) {add = true}
      %dma_wait3A_124 = arith.constant 8704 : i32
      %dma_wait3A_125 = tpu.memref_slice %arg7[%dma_wait3A_124] : memref<10000xi32, #tpu.memory_space<vmem>> -> memref<256xi32, #tpu.memory_space<vmem>>
      %dma_wait3A_126 = arith.constant 0 : i32
      %dma_wait3A_127 = arith.constant 0 : i32
      %dma_wait3A_128 = tpu.memref_slice %arg14[%dma_wait3A_126, %dma_wait3A_127] : memref<10240x16xf32, #tpu.memory_space<vmem_shared>> -> memref<10240x16xf32, #tpu.memory_space<vmem_shared>>
      tpu.wait_indirect_dma semaphore(%run_scoped3A_118 : memref<!tpu.dma_semaphore, #tpu.memory_space<semaphore_mem>>) src(%arg12 : memref<256x16xf32, #tpu.memory_space<vmem>>) dst(%dma_wait3A_128 : memref<10240x16xf32, #tpu.memory_space<vmem_shared>>)
      tpu.yield
    }) : () -> ()
    %dma_wait3A_66 = arith.constant 8960 : i32
    %dma_wait3A_67 = tpu.memref_slice %arg6[%dma_wait3A_66] : memref<10000xi32, #tpu.memory_space<vmem>> -> memref<256xi32, #tpu.memory_space<vmem>>
    %dma_wait3A_68 = arith.constant 0 : i32
    %dma_wait3A_69 = arith.constant 0 : i32
    %dma_wait3A_70 = tpu.memref_slice %arg2[%dma_wait3A_68, %dma_wait3A_69] : memref<10000x16xf32, #tpu.memory_space<hbm>> -> memref<10000x16xf32, #tpu.memory_space<hbm>>
    tpu.wait_indirect_dma semaphore(%arg20 : memref<!tpu.dma_semaphore, #tpu.memory_space<semaphore_mem>>) src(%dma_wait3A_70 : memref<10000x16xf32, #tpu.memory_space<hbm>>) dst(%arg13 : memref<256x16xf32, #tpu.memory_space<vmem>>)
    "tpu.region"() ({
      %run_scoped3A_118 = tpu.sem_alloc : memref<!tpu.dma_semaphore, #tpu.memory_space<semaphore_mem>>
      %dma_start3A_119 = arith.constant 8960 : i32
      %dma_start3A_120 = tpu.memref_slice %arg7[%dma_start3A_119] : memref<10000xi32, #tpu.memory_space<vmem>> -> memref<256xi32, #tpu.memory_space<vmem>>
      %dma_start3A_121 = arith.constant 0 : i32
      %dma_start3A_122 = arith.constant 0 : i32
      %dma_start3A_123 = tpu.memref_slice %arg14[%dma_start3A_121, %dma_start3A_122] : memref<10240x16xf32, #tpu.memory_space<vmem_shared>> -> memref<10240x16xf32, #tpu.memory_space<vmem_shared>>
      tpu.enqueue_indirect_dma source(%arg13 : memref<256x16xf32, #tpu.memory_space<vmem>>) target(%dma_start3A_123 : memref<10240x16xf32, #tpu.memory_space<vmem_shared>>) offsets(%dma_start3A_120 : memref<256xi32, #tpu.memory_space<vmem>>) semaphore(%run_scoped3A_118 : memref<!tpu.dma_semaphore, #tpu.memory_space<semaphore_mem>>) {add = true}
      %dma_wait3A_124 = arith.constant 8960 : i32
      %dma_wait3A_125 = tpu.memref_slice %arg7[%dma_wait3A_124] : memref<10000xi32, #tpu.memory_space<vmem>> -> memref<256xi32, #tpu.memory_space<vmem>>
      %dma_wait3A_126 = arith.constant 0 : i32
      %dma_wait3A_127 = arith.constant 0 : i32
      %dma_wait3A_128 = tpu.memref_slice %arg14[%dma_wait3A_126, %dma_wait3A_127] : memref<10240x16xf32, #tpu.memory_space<vmem_shared>> -> memref<10240x16xf32, #tpu.memory_space<vmem_shared>>
      tpu.wait_indirect_dma semaphore(%run_scoped3A_118 : memref<!tpu.dma_semaphore, #tpu.memory_space<semaphore_mem>>) src(%arg13 : memref<256x16xf32, #tpu.memory_space<vmem>>) dst(%dma_wait3A_128 : memref<10240x16xf32, #tpu.memory_space<vmem_shared>>)
      tpu.yield
    }) : () -> ()
    %dma_start3A_71 = arith.constant 9216 : i32
    %dma_start3A_72 = tpu.memref_slice %arg6[%dma_start3A_71] : memref<10000xi32, #tpu.memory_space<vmem>> -> memref<256xi32, #tpu.memory_space<vmem>>
    %dma_start3A_73 = arith.constant 0 : i32
    %dma_start3A_74 = arith.constant 0 : i32
    %dma_start3A_75 = tpu.memref_slice %arg2[%dma_start3A_73, %dma_start3A_74] : memref<10000x16xf32, #tpu.memory_space<hbm>> -> memref<10000x16xf32, #tpu.memory_space<hbm>>
    tpu.enqueue_indirect_dma source(%dma_start3A_75 : memref<10000x16xf32, #tpu.memory_space<hbm>>) target(%arg8 : memref<256x16xf32, #tpu.memory_space<vmem>>) offsets(%dma_start3A_72 : memref<256xi32, #tpu.memory_space<vmem>>) semaphore(%arg15 : memref<!tpu.dma_semaphore, #tpu.memory_space<semaphore_mem>>)
    %dma_wait3A_76 = arith.constant 9216 : i32
    %dma_wait3A_77 = tpu.memref_slice %arg6[%dma_wait3A_76] : memref<10000xi32, #tpu.memory_space<vmem>> -> memref<256xi32, #tpu.memory_space<vmem>>
    %dma_wait3A_78 = arith.constant 0 : i32
    %dma_wait3A_79 = arith.constant 0 : i32
    %dma_wait3A_80 = tpu.memref_slice %arg2[%dma_wait3A_78, %dma_wait3A_79] : memref<10000x16xf32, #tpu.memory_space<hbm>> -> memref<10000x16xf32, #tpu.memory_space<hbm>>
    tpu.wait_indirect_dma semaphore(%arg15 : memref<!tpu.dma_semaphore, #tpu.memory_space<semaphore_mem>>) src(%dma_wait3A_80 : memref<10000x16xf32, #tpu.memory_space<hbm>>) dst(%arg8 : memref<256x16xf32, #tpu.memory_space<vmem>>)
    "tpu.region"() ({
      %run_scoped3A_118 = tpu.sem_alloc : memref<!tpu.dma_semaphore, #tpu.memory_space<semaphore_mem>>
      %dma_start3A_119 = arith.constant 9216 : i32
      %dma_start3A_120 = tpu.memref_slice %arg7[%dma_start3A_119] : memref<10000xi32, #tpu.memory_space<vmem>> -> memref<256xi32, #tpu.memory_space<vmem>>
      %dma_start3A_121 = arith.constant 0 : i32
      %dma_start3A_122 = arith.constant 0 : i32
      %dma_start3A_123 = tpu.memref_slice %arg14[%dma_start3A_121, %dma_start3A_122] : memref<10240x16xf32, #tpu.memory_space<vmem_shared>> -> memref<10240x16xf32, #tpu.memory_space<vmem_shared>>
      tpu.enqueue_indirect_dma source(%arg8 : memref<256x16xf32, #tpu.memory_space<vmem>>) target(%dma_start3A_123 : memref<10240x16xf32, #tpu.memory_space<vmem_shared>>) offsets(%dma_start3A_120 : memref<256xi32, #tpu.memory_space<vmem>>) semaphore(%run_scoped3A_118 : memref<!tpu.dma_semaphore, #tpu.memory_space<semaphore_mem>>) {add = true}
      %dma_wait3A_124 = arith.constant 9216 : i32
      %dma_wait3A_125 = tpu.memref_slice %arg7[%dma_wait3A_124] : memref<10000xi32, #tpu.memory_space<vmem>> -> memref<256xi32, #tpu.memory_space<vmem>>
      %dma_wait3A_126 = arith.constant 0 : i32
      %dma_wait3A_127 = arith.constant 0 : i32
      %dma_wait3A_128 = tpu.memref_slice %arg14[%dma_wait3A_126, %dma_wait3A_127] : memref<10240x16xf32, #tpu.memory_space<vmem_shared>> -> memref<10240x16xf32, #tpu.memory_space<vmem_shared>>
      tpu.wait_indirect_dma semaphore(%run_scoped3A_118 : memref<!tpu.dma_semaphore, #tpu.memory_space<semaphore_mem>>) src(%arg8 : memref<256x16xf32, #tpu.memory_space<vmem>>) dst(%dma_wait3A_128 : memref<10240x16xf32, #tpu.memory_space<vmem_shared>>)
      tpu.yield
    }) : () -> ()
    %dma_start3A_81 = arith.constant 9472 : i32
    %dma_start3A_82 = tpu.memref_slice %arg6[%dma_start3A_81] : memref<10000xi32, #tpu.memory_space<vmem>> -> memref<256xi32, #tpu.memory_space<vmem>>
    %dma_start3A_83 = arith.constant 0 : i32
    %dma_start3A_84 = arith.constant 0 : i32
    %dma_start3A_85 = tpu.memref_slice %arg2[%dma_start3A_83, %dma_start3A_84] : memref<10000x16xf32, #tpu.memory_space<hbm>> -> memref<10000x16xf32, #tpu.memory_space<hbm>>
    tpu.enqueue_indirect_dma source(%dma_start3A_85 : memref<10000x16xf32, #tpu.memory_space<hbm>>) target(%arg8 : memref<256x16xf32, #tpu.memory_space<vmem>>) offsets(%dma_start3A_82 : memref<256xi32, #tpu.memory_space<vmem>>) semaphore(%arg15 : memref<!tpu.dma_semaphore, #tpu.memory_space<semaphore_mem>>)
    %dma_wait3A_86 = arith.constant 9472 : i32
    %dma_wait3A_87 = tpu.memref_slice %arg6[%dma_wait3A_86] : memref<10000xi32, #tpu.memory_space<vmem>> -> memref<256xi32, #tpu.memory_space<vmem>>
    %dma_wait3A_88 = arith.constant 0 : i32
    %dma_wait3A_89 = arith.constant 0 : i32
    %dma_wait3A_90 = tpu.memref_slice %arg2[%dma_wait3A_88, %dma_wait3A_89] : memref<10000x16xf32, #tpu.memory_space<hbm>> -> memref<10000x16xf32, #tpu.memory_space<hbm>>
    tpu.wait_indirect_dma semaphore(%arg15 : memref<!tpu.dma_semaphore, #tpu.memory_space<semaphore_mem>>) src(%dma_wait3A_90 : memref<10000x16xf32, #tpu.memory_space<hbm>>) dst(%arg8 : memref<256x16xf32, #tpu.memory_space<vmem>>)
    "tpu.region"() ({
      %run_scoped3A_118 = tpu.sem_alloc : memref<!tpu.dma_semaphore, #tpu.memory_space<semaphore_mem>>
      %dma_start3A_119 = arith.constant 9472 : i32
      %dma_start3A_120 = tpu.memref_slice %arg7[%dma_start3A_119] : memref<10000xi32, #tpu.memory_space<vmem>> -> memref<256xi32, #tpu.memory_space<vmem>>
      %dma_start3A_121 = arith.constant 0 : i32
      %dma_start3A_122 = arith.constant 0 : i32
      %dma_start3A_123 = tpu.memref_slice %arg14[%dma_start3A_121, %dma_start3A_122] : memref<10240x16xf32, #tpu.memory_space<vmem_shared>> -> memref<10240x16xf32, #tpu.memory_space<vmem_shared>>
      tpu.enqueue_indirect_dma source(%arg8 : memref<256x16xf32, #tpu.memory_space<vmem>>) target(%dma_start3A_123 : memref<10240x16xf32, #tpu.memory_space<vmem_shared>>) offsets(%dma_start3A_120 : memref<256xi32, #tpu.memory_space<vmem>>) semaphore(%run_scoped3A_118 : memref<!tpu.dma_semaphore, #tpu.memory_space<semaphore_mem>>) {add = true}
      %dma_wait3A_124 = arith.constant 9472 : i32
      %dma_wait3A_125 = tpu.memref_slice %arg7[%dma_wait3A_124] : memref<10000xi32, #tpu.memory_space<vmem>> -> memref<256xi32, #tpu.memory_space<vmem>>
      %dma_wait3A_126 = arith.constant 0 : i32
      %dma_wait3A_127 = arith.constant 0 : i32
      %dma_wait3A_128 = tpu.memref_slice %arg14[%dma_wait3A_126, %dma_wait3A_127] : memref<10240x16xf32, #tpu.memory_space<vmem_shared>> -> memref<10240x16xf32, #tpu.memory_space<vmem_shared>>
      tpu.wait_indirect_dma semaphore(%run_scoped3A_118 : memref<!tpu.dma_semaphore, #tpu.memory_space<semaphore_mem>>) src(%arg8 : memref<256x16xf32, #tpu.memory_space<vmem>>) dst(%dma_wait3A_128 : memref<10240x16xf32, #tpu.memory_space<vmem_shared>>)
      tpu.yield
    }) : () -> ()
    %dma_start3A_91 = arith.constant 9728 : i32
    %dma_start3A_92 = tpu.memref_slice %arg6[%dma_start3A_91] : memref<10000xi32, #tpu.memory_space<vmem>> -> memref<256xi32, #tpu.memory_space<vmem>>
    %dma_start3A_93 = arith.constant 0 : i32
    %dma_start3A_94 = arith.constant 0 : i32
    %dma_start3A_95 = tpu.memref_slice %arg2[%dma_start3A_93, %dma_start3A_94] : memref<10000x16xf32, #tpu.memory_space<hbm>> -> memref<10000x16xf32, #tpu.memory_space<hbm>>
    tpu.enqueue_indirect_dma source(%dma_start3A_95 : memref<10000x16xf32, #tpu.memory_space<hbm>>) target(%arg8 : memref<256x16xf32, #tpu.memory_space<vmem>>) offsets(%dma_start3A_92 : memref<256xi32, #tpu.memory_space<vmem>>) semaphore(%arg15 : memref<!tpu.dma_semaphore, #tpu.memory_space<semaphore_mem>>)
    %dma_wait3A_96 = arith.constant 9728 : i32
    %dma_wait3A_97 = tpu.memref_slice %arg6[%dma_wait3A_96] : memref<10000xi32, #tpu.memory_space<vmem>> -> memref<256xi32, #tpu.memory_space<vmem>>
    %dma_wait3A_98 = arith.constant 0 : i32
    %dma_wait3A_99 = arith.constant 0 : i32
    %dma_wait3A_100 = tpu.memref_slice %arg2[%dma_wait3A_98, %dma_wait3A_99] : memref<10000x16xf32, #tpu.memory_space<hbm>> -> memref<10000x16xf32, #tpu.memory_space<hbm>>
    tpu.wait_indirect_dma semaphore(%arg15 : memref<!tpu.dma_semaphore, #tpu.memory_space<semaphore_mem>>) src(%dma_wait3A_100 : memref<10000x16xf32, #tpu.memory_space<hbm>>) dst(%arg8 : memref<256x16xf32, #tpu.memory_space<vmem>>)
    "tpu.region"() ({
      %run_scoped3A_118 = tpu.sem_alloc : memref<!tpu.dma_semaphore, #tpu.memory_space<semaphore_mem>>
      %dma_start3A_119 = arith.constant 9728 : i32
      %dma_start3A_120 = tpu.memref_slice %arg7[%dma_start3A_119] : memref<10000xi32, #tpu.memory_space<vmem>> -> memref<256xi32, #tpu.memory_space<vmem>>
      %dma_start3A_121 = arith.constant 0 : i32
      %dma_start3A_122 = arith.constant 0 : i32
      %dma_start3A_123 = tpu.memref_slice %arg14[%dma_start3A_121, %dma_start3A_122] : memref<10240x16xf32, #tpu.memory_space<vmem_shared>> -> memref<10240x16xf32, #tpu.memory_space<vmem_shared>>
      tpu.enqueue_indirect_dma source(%arg8 : memref<256x16xf32, #tpu.memory_space<vmem>>) target(%dma_start3A_123 : memref<10240x16xf32, #tpu.memory_space<vmem_shared>>) offsets(%dma_start3A_120 : memref<256xi32, #tpu.memory_space<vmem>>) semaphore(%run_scoped3A_118 : memref<!tpu.dma_semaphore, #tpu.memory_space<semaphore_mem>>) {add = true}
      %dma_wait3A_124 = arith.constant 9728 : i32
      %dma_wait3A_125 = tpu.memref_slice %arg7[%dma_wait3A_124] : memref<10000xi32, #tpu.memory_space<vmem>> -> memref<256xi32, #tpu.memory_space<vmem>>
      %dma_wait3A_126 = arith.constant 0 : i32
      %dma_wait3A_127 = arith.constant 0 : i32
      %dma_wait3A_128 = tpu.memref_slice %arg14[%dma_wait3A_126, %dma_wait3A_127] : memref<10240x16xf32, #tpu.memory_space<vmem_shared>> -> memref<10240x16xf32, #tpu.memory_space<vmem_shared>>
      tpu.wait_indirect_dma semaphore(%run_scoped3A_118 : memref<!tpu.dma_semaphore, #tpu.memory_space<semaphore_mem>>) src(%arg8 : memref<256x16xf32, #tpu.memory_space<vmem>>) dst(%dma_wait3A_128 : memref<10240x16xf32, #tpu.memory_space<vmem_shared>>)
      tpu.yield
    }) : () -> ()
    %dma_start3A_101 = arith.constant 0 : i32
    %dma_start3A_102 = arith.constant 0 : i32
    %dma_start3A_103 = tpu.memref_slice %arg8[%dma_start3A_101, %dma_start3A_102] : memref<256x16xf32, #tpu.memory_space<vmem>> -> memref<16x16xf32, #tpu.memory_space<vmem>>
    %dma_start3A_104 = arith.constant 9984 : i32
    %dma_start3A_105 = tpu.memref_slice %arg6[%dma_start3A_104] : memref<10000xi32, #tpu.memory_space<vmem>> -> memref<16xi32, #tpu.memory_space<vmem>>
    %dma_start3A_106 = arith.constant 0 : i32
    %dma_start3A_107 = arith.constant 0 : i32
    %dma_start3A_108 = tpu.memref_slice %arg2[%dma_start3A_106, %dma_start3A_107] : memref<10000x16xf32, #tpu.memory_space<hbm>> -> memref<10000x16xf32, #tpu.memory_space<hbm>>
    tpu.enqueue_indirect_dma source(%dma_start3A_108 : memref<10000x16xf32, #tpu.memory_space<hbm>>) target(%dma_start3A_103 : memref<16x16xf32, #tpu.memory_space<vmem>>) offsets(%dma_start3A_105 : memref<16xi32, #tpu.memory_space<vmem>>) semaphore(%arg15 : memref<!tpu.dma_semaphore, #tpu.memory_space<semaphore_mem>>)
    %dma_wait3A_109 = arith.constant 0 : i32
    %dma_wait3A_110 = arith.constant 0 : i32
    %dma_wait3A_111 = tpu.memref_slice %arg8[%dma_wait3A_109, %dma_wait3A_110] : memref<256x16xf32, #tpu.memory_space<vmem>> -> memref<16x16xf32, #tpu.memory_space<vmem>>
    %dma_wait3A_112 = arith.constant 9984 : i32
    %dma_wait3A_113 = tpu.memref_slice %arg6[%dma_wait3A_112] : memref<10000xi32, #tpu.memory_space<vmem>> -> memref<16xi32, #tpu.memory_space<vmem>>
    %dma_wait3A_114 = arith.constant 0 : i32
    %dma_wait3A_115 = arith.constant 0 : i32
    %dma_wait3A_116 = tpu.memref_slice %arg2[%dma_wait3A_114, %dma_wait3A_115] : memref<10000x16xf32, #tpu.memory_space<hbm>> -> memref<10000x16xf32, #tpu.memory_space<hbm>>
    tpu.wait_indirect_dma semaphore(%arg15 : memref<!tpu.dma_semaphore, #tpu.memory_space<semaphore_mem>>) src(%dma_wait3A_116 : memref<10000x16xf32, #tpu.memory_space<hbm>>) dst(%dma_wait3A_111 : memref<16x16xf32, #tpu.memory_space<vmem>>)
    "tpu.region"() ({
      %run_scoped3A_118 = tpu.sem_alloc : memref<!tpu.dma_semaphore, #tpu.memory_space<semaphore_mem>>
      %dma_start3A_119 = arith.constant 0 : i32
      %dma_start3A_120 = arith.constant 0 : i32
      %dma_start3A_121 = tpu.memref_slice %arg8[%dma_start3A_119, %dma_start3A_120] : memref<256x16xf32, #tpu.memory_space<vmem>> -> memref<16x16xf32, #tpu.memory_space<vmem>>
      %dma_start3A_122 = arith.constant 9984 : i32
      %dma_start3A_123 = tpu.memref_slice %arg7[%dma_start3A_122] : memref<10000xi32, #tpu.memory_space<vmem>> -> memref<16xi32, #tpu.memory_space<vmem>>
      %dma_start3A_124 = arith.constant 0 : i32
      %dma_start3A_125 = arith.constant 0 : i32
      %dma_start3A_126 = tpu.memref_slice %arg14[%dma_start3A_124, %dma_start3A_125] : memref<10240x16xf32, #tpu.memory_space<vmem_shared>> -> memref<10240x16xf32, #tpu.memory_space<vmem_shared>>
      tpu.enqueue_indirect_dma source(%dma_start3A_121 : memref<16x16xf32, #tpu.memory_space<vmem>>) target(%dma_start3A_126 : memref<10240x16xf32, #tpu.memory_space<vmem_shared>>) offsets(%dma_start3A_123 : memref<16xi32, #tpu.memory_space<vmem>>) semaphore(%run_scoped3A_118 : memref<!tpu.dma_semaphore, #tpu.memory_space<semaphore_mem>>) {add = true}
      %dma_wait3A_127 = arith.constant 0 : i32
      %dma_wait3A_128 = arith.constant 0 : i32
      %dma_wait3A_129 = tpu.memref_slice %arg8[%dma_wait3A_127, %dma_wait3A_128] : memref<256x16xf32, #tpu.memory_space<vmem>> -> memref<16x16xf32, #tpu.memory_space<vmem>>
      %dma_wait3A_130 = arith.constant 9984 : i32
      %dma_wait3A_131 = tpu.memref_slice %arg7[%dma_wait3A_130] : memref<10000xi32, #tpu.memory_space<vmem>> -> memref<16xi32, #tpu.memory_space<vmem>>
      %dma_wait3A_132 = arith.constant 0 : i32
      %dma_wait3A_133 = arith.constant 0 : i32
      %dma_wait3A_134 = tpu.memref_slice %arg14[%dma_wait3A_132, %dma_wait3A_133] : memref<10240x16xf32, #tpu.memory_space<vmem_shared>> -> memref<10240x16xf32, #tpu.memory_space<vmem_shared>>
      tpu.wait_indirect_dma semaphore(%run_scoped3A_118 : memref<!tpu.dma_semaphore, #tpu.memory_space<semaphore_mem>>) src(%dma_wait3A_129 : memref<16x16xf32, #tpu.memory_space<vmem>>) dst(%dma_wait3A_134 : memref<10240x16xf32, #tpu.memory_space<vmem_shared>>)
      tpu.yield
    }) : () -> ()
    %barrier3A_117 = arith.constant 0 : index
    tpu.barrier barrier_id(%barrier3A_117)
    "tpu.region"() ({
      %run_scoped3A_118 = tpu.sem_alloc : memref<!tpu.dma_semaphore, #tpu.memory_space<semaphore_mem>>
      %dma_start3A_119 = arith.constant 0 : i32
      %dma_start3A_120 = tpu.memref_slice %arg5[%arg0, %mul3A_2, %dma_start3A_119] : memref<2x10240x16xf32, #tpu.memory_space<hbm>> -> memref<1x640x16xf32, #tpu.memory_space<hbm>>
      %dma_start3A_121 = tpu.memref_squeeze %dma_start3A_120 : memref<1x640x16xf32, #tpu.memory_space<hbm>> -> memref<640x16xf32, #tpu.memory_space<hbm>>
      %dma_start3A_122 = arith.constant 0 : i32
      %dma_start3A_123 = tpu.memref_slice %arg14[%mul3A_2, %dma_start3A_122] : memref<10240x16xf32, #tpu.memory_space<vmem_shared>> -> memref<640x16xf32, #tpu.memory_space<vmem_shared>>
      tpu.enqueue_dma source(%dma_start3A_123 : memref<640x16xf32, #tpu.memory_space<vmem_shared>>) target(%dma_start3A_121 : memref<640x16xf32, #tpu.memory_space<hbm>>) target_semaphore(%run_scoped3A_118 : memref<!tpu.dma_semaphore, #tpu.memory_space<semaphore_mem>>)
      %dma_wait3A_124 = arith.constant 0 : i32
      %dma_wait3A_125 = tpu.memref_slice %arg5[%arg0, %mul3A_2, %dma_wait3A_124] : memref<2x10240x16xf32, #tpu.memory_space<hbm>> -> memref<1x640x16xf32, #tpu.memory_space<hbm>>
      %dma_wait3A_126 = tpu.memref_squeeze %dma_wait3A_125 : memref<1x640x16xf32, #tpu.memory_space<hbm>> -> memref<640x16xf32, #tpu.memory_space<hbm>>
      %dma_wait3A_127 = arith.constant 0 : i32
      %dma_wait3A_128 = tpu.memref_slice %arg14[%mul3A_2, %dma_wait3A_127] : memref<10240x16xf32, #tpu.memory_space<vmem_shared>> -> memref<640x16xf32, #tpu.memory_space<vmem_shared>>
      tpu.wait_dma2 semaphore(%run_scoped3A_118 : memref<!tpu.dma_semaphore, #tpu.memory_space<semaphore_mem>>) src(%dma_wait3A_128 : memref<640x16xf32, #tpu.memory_space<vmem_shared>>) dst(%dma_wait3A_126 : memref<640x16xf32, #tpu.memory_space<hbm>>)
      tpu.yield
    }) : () -> ()
    return
  }
}

#map = affine_map<(d0, d1) -> (0, 0)>
#map1 = affine_map<(d0, d1) -> (0)>
module attributes {stable_mosaic.version = 14 : i64} {
  func.func @deg_kernel(%arg0: i32, %arg1: i32, %arg2: memref<2x320000xi32, #tpu.memory_space<hbm>>, %arg3: memref<10240xf32, #tpu.memory_space<hbm>>, %arg4: memref<2x10240xf32, #tpu.memory_space<hbm>>, %arg5: memref<10000xi32, #tpu.memory_space<vmem>>, %arg6: memref<256xf32, #tpu.memory_space<vmem>>, %arg7: memref<10240xf32, #tpu.memory_space<vmem_shared>>, %arg8: memref<!tpu.dma_semaphore, #tpu.memory_space<semaphore_mem>>, %arg9: memref<!tpu.dma_semaphore, #tpu.memory_space<semaphore_mem>>, %arg10: memref<!tpu.dma_semaphore, #tpu.memory_space<semaphore_mem>>, %arg11: memref<!tpu.dma_semaphore, #tpu.memory_space<semaphore_mem>>, %arg12: memref<!tpu.dma_semaphore, #tpu.memory_space<semaphore_mem>>, %arg13: memref<!tpu.dma_semaphore, #tpu.memory_space<semaphore_mem>>) attributes {dimension_semantics = [#tpu.dimension_semantics<core_parallel>, #tpu.dimension_semantics<subcore_parallel>], iteration_bounds = array<i64: 2, 16>, scalar_prefetch = 0 : i64, scratch_operands = 9 : i64, tpu.core_type = #tpu.core_type<sc_vector_subcore>, window_params = [{transform_indices = #map}, {transform_indices = #map1}, {transform_indices = #map}]} {
    %mul3A = arith.constant 2 : i32
    %mul3A_0 = arith.muli %arg1, %mul3A : i32
    %add3A = arith.addi %mul3A_0, %arg0 : i32
    %mul3A_1 = arith.constant 640 : i32
    %mul3A_2 = arith.muli %arg1, %mul3A_1 : i32
    %broadcast_in_dim3A = arith.constant 1.000000e+00 : f32
    %broadcast_in_dim3A_3 = vector.broadcast %broadcast_in_dim3A : f32 to vector<16xf32>
    %swap3A = arith.constant 0 : index
    %swap3A_4 = tpu.vector_load %arg6[%swap3A] {strides = array<i32>} : memref<256xf32, #tpu.memory_space<vmem>>, vector<16xf32>,
    %swap3A_5 = vector.shape_cast %swap3A_4 : vector<16xf32> to vector<16xf32>
    %swap3A_6 = vector.shape_cast %broadcast_in_dim3A_3 : vector<16xf32> to vector<16xf32>
    tpu.vector_store %arg6[%swap3A], %swap3A_6 {strides = array<i32>} : memref<256xf32, #tpu.memory_space<vmem>>, vector<16xf32>,
    %broadcast_in_dim3A_7 = arith.constant 1.000000e+00 : f32
    %broadcast_in_dim3A_8 = vector.broadcast %broadcast_in_dim3A_7 : f32 to vector<16xf32>
    %swap3A_9 = arith.constant 16 : index
    %swap3A_10 = tpu.vector_load %arg6[%swap3A_9] {strides = array<i32>} : memref<256xf32, #tpu.memory_space<vmem>>, vector<16xf32>,
    %swap3A_11 = vector.shape_cast %swap3A_10 : vector<16xf32> to vector<16xf32>
    %swap3A_12 = vector.shape_cast %broadcast_in_dim3A_8 : vector<16xf32> to vector<16xf32>
    tpu.vector_store %arg6[%swap3A_9], %swap3A_12 {strides = array<i32>} : memref<256xf32, #tpu.memory_space<vmem>>, vector<16xf32>,
    %broadcast_in_dim3A_13 = arith.constant 1.000000e+00 : f32
    %broadcast_in_dim3A_14 = vector.broadcast %broadcast_in_dim3A_13 : f32 to vector<16xf32>
    %swap3A_15 = arith.constant 32 : index
    %swap3A_16 = tpu.vector_load %arg6[%swap3A_15] {strides = array<i32>} : memref<256xf32, #tpu.memory_space<vmem>>, vector<16xf32>,
    %swap3A_17 = vector.shape_cast %swap3A_16 : vector<16xf32> to vector<16xf32>
    %swap3A_18 = vector.shape_cast %broadcast_in_dim3A_14 : vector<16xf32> to vector<16xf32>
    tpu.vector_store %arg6[%swap3A_15], %swap3A_18 {strides = array<i32>} : memref<256xf32, #tpu.memory_space<vmem>>, vector<16xf32>,
    %broadcast_in_dim3A_19 = arith.constant 1.000000e+00 : f32
    %broadcast_in_dim3A_20 = vector.broadcast %broadcast_in_dim3A_19 : f32 to vector<16xf32>
    %swap3A_21 = arith.constant 48 : index
    %swap3A_22 = tpu.vector_load %arg6[%swap3A_21] {strides = array<i32>} : memref<256xf32, #tpu.memory_space<vmem>>, vector<16xf32>,
    %swap3A_23 = vector.shape_cast %swap3A_22 : vector<16xf32> to vector<16xf32>
    %swap3A_24 = vector.shape_cast %broadcast_in_dim3A_20 : vector<16xf32> to vector<16xf32>
    tpu.vector_store %arg6[%swap3A_21], %swap3A_24 {strides = array<i32>} : memref<256xf32, #tpu.memory_space<vmem>>, vector<16xf32>,
    %broadcast_in_dim3A_25 = arith.constant 1.000000e+00 : f32
    %broadcast_in_dim3A_26 = vector.broadcast %broadcast_in_dim3A_25 : f32 to vector<16xf32>
    %swap3A_27 = arith.constant 64 : index
    %swap3A_28 = tpu.vector_load %arg6[%swap3A_27] {strides = array<i32>} : memref<256xf32, #tpu.memory_space<vmem>>, vector<16xf32>,
    %swap3A_29 = vector.shape_cast %swap3A_28 : vector<16xf32> to vector<16xf32>
    %swap3A_30 = vector.shape_cast %broadcast_in_dim3A_26 : vector<16xf32> to vector<16xf32>
    tpu.vector_store %arg6[%swap3A_27], %swap3A_30 {strides = array<i32>} : memref<256xf32, #tpu.memory_space<vmem>>, vector<16xf32>,
    %broadcast_in_dim3A_31 = arith.constant 1.000000e+00 : f32
    %broadcast_in_dim3A_32 = vector.broadcast %broadcast_in_dim3A_31 : f32 to vector<16xf32>
    %swap3A_33 = arith.constant 80 : index
    %swap3A_34 = tpu.vector_load %arg6[%swap3A_33] {strides = array<i32>} : memref<256xf32, #tpu.memory_space<vmem>>, vector<16xf32>,
    %swap3A_35 = vector.shape_cast %swap3A_34 : vector<16xf32> to vector<16xf32>
    %swap3A_36 = vector.shape_cast %broadcast_in_dim3A_32 : vector<16xf32> to vector<16xf32>
    tpu.vector_store %arg6[%swap3A_33], %swap3A_36 {strides = array<i32>} : memref<256xf32, #tpu.memory_space<vmem>>, vector<16xf32>,
    %broadcast_in_dim3A_37 = arith.constant 1.000000e+00 : f32
    %broadcast_in_dim3A_38 = vector.broadcast %broadcast_in_dim3A_37 : f32 to vector<16xf32>
    %swap3A_39 = arith.constant 96 : index
    %swap3A_40 = tpu.vector_load %arg6[%swap3A_39] {strides = array<i32>} : memref<256xf32, #tpu.memory_space<vmem>>, vector<16xf32>,
    %swap3A_41 = vector.shape_cast %swap3A_40 : vector<16xf32> to vector<16xf32>
    %swap3A_42 = vector.shape_cast %broadcast_in_dim3A_38 : vector<16xf32> to vector<16xf32>
    tpu.vector_store %arg6[%swap3A_39], %swap3A_42 {strides = array<i32>} : memref<256xf32, #tpu.memory_space<vmem>>, vector<16xf32>,
    %broadcast_in_dim3A_43 = arith.constant 1.000000e+00 : f32
    %broadcast_in_dim3A_44 = vector.broadcast %broadcast_in_dim3A_43 : f32 to vector<16xf32>
    %swap3A_45 = arith.constant 112 : index
    %swap3A_46 = tpu.vector_load %arg6[%swap3A_45] {strides = array<i32>} : memref<256xf32, #tpu.memory_space<vmem>>, vector<16xf32>,
    %swap3A_47 = vector.shape_cast %swap3A_46 : vector<16xf32> to vector<16xf32>
    %swap3A_48 = vector.shape_cast %broadcast_in_dim3A_44 : vector<16xf32> to vector<16xf32>
    tpu.vector_store %arg6[%swap3A_45], %swap3A_48 {strides = array<i32>} : memref<256xf32, #tpu.memory_space<vmem>>, vector<16xf32>,
    %broadcast_in_dim3A_49 = arith.constant 1.000000e+00 : f32
    %broadcast_in_dim3A_50 = vector.broadcast %broadcast_in_dim3A_49 : f32 to vector<16xf32>
    %swap3A_51 = arith.constant 128 : index
    %swap3A_52 = tpu.vector_load %arg6[%swap3A_51] {strides = array<i32>} : memref<256xf32, #tpu.memory_space<vmem>>, vector<16xf32>,
    %swap3A_53 = vector.shape_cast %swap3A_52 : vector<16xf32> to vector<16xf32>
    %swap3A_54 = vector.shape_cast %broadcast_in_dim3A_50 : vector<16xf32> to vector<16xf32>
    tpu.vector_store %arg6[%swap3A_51], %swap3A_54 {strides = array<i32>} : memref<256xf32, #tpu.memory_space<vmem>>, vector<16xf32>,
    %broadcast_in_dim3A_55 = arith.constant 1.000000e+00 : f32
    %broadcast_in_dim3A_56 = vector.broadcast %broadcast_in_dim3A_55 : f32 to vector<16xf32>
    %swap3A_57 = arith.constant 144 : index
    %swap3A_58 = tpu.vector_load %arg6[%swap3A_57] {strides = array<i32>} : memref<256xf32, #tpu.memory_space<vmem>>, vector<16xf32>,
    %swap3A_59 = vector.shape_cast %swap3A_58 : vector<16xf32> to vector<16xf32>
    %swap3A_60 = vector.shape_cast %broadcast_in_dim3A_56 : vector<16xf32> to vector<16xf32>
    tpu.vector_store %arg6[%swap3A_57], %swap3A_60 {strides = array<i32>} : memref<256xf32, #tpu.memory_space<vmem>>, vector<16xf32>,
    %broadcast_in_dim3A_61 = arith.constant 1.000000e+00 : f32
    %broadcast_in_dim3A_62 = vector.broadcast %broadcast_in_dim3A_61 : f32 to vector<16xf32>
    %swap3A_63 = arith.constant 160 : index
    %swap3A_64 = tpu.vector_load %arg6[%swap3A_63] {strides = array<i32>} : memref<256xf32, #tpu.memory_space<vmem>>, vector<16xf32>,
    %swap3A_65 = vector.shape_cast %swap3A_64 : vector<16xf32> to vector<16xf32>
    %swap3A_66 = vector.shape_cast %broadcast_in_dim3A_62 : vector<16xf32> to vector<16xf32>
    tpu.vector_store %arg6[%swap3A_63], %swap3A_66 {strides = array<i32>} : memref<256xf32, #tpu.memory_space<vmem>>, vector<16xf32>,
    %broadcast_in_dim3A_67 = arith.constant 1.000000e+00 : f32
    %broadcast_in_dim3A_68 = vector.broadcast %broadcast_in_dim3A_67 : f32 to vector<16xf32>
    %swap3A_69 = arith.constant 176 : index
    %swap3A_70 = tpu.vector_load %arg6[%swap3A_69] {strides = array<i32>} : memref<256xf32, #tpu.memory_space<vmem>>, vector<16xf32>,
    %swap3A_71 = vector.shape_cast %swap3A_70 : vector<16xf32> to vector<16xf32>
    %swap3A_72 = vector.shape_cast %broadcast_in_dim3A_68 : vector<16xf32> to vector<16xf32>
    tpu.vector_store %arg6[%swap3A_69], %swap3A_72 {strides = array<i32>} : memref<256xf32, #tpu.memory_space<vmem>>, vector<16xf32>,
    %broadcast_in_dim3A_73 = arith.constant 1.000000e+00 : f32
    %broadcast_in_dim3A_74 = vector.broadcast %broadcast_in_dim3A_73 : f32 to vector<16xf32>
    %swap3A_75 = arith.constant 192 : index
    %swap3A_76 = tpu.vector_load %arg6[%swap3A_75] {strides = array<i32>} : memref<256xf32, #tpu.memory_space<vmem>>, vector<16xf32>,
    %swap3A_77 = vector.shape_cast %swap3A_76 : vector<16xf32> to vector<16xf32>
    %swap3A_78 = vector.shape_cast %broadcast_in_dim3A_74 : vector<16xf32> to vector<16xf32>
    tpu.vector_store %arg6[%swap3A_75], %swap3A_78 {strides = array<i32>} : memref<256xf32, #tpu.memory_space<vmem>>, vector<16xf32>,
    %broadcast_in_dim3A_79 = arith.constant 1.000000e+00 : f32
    %broadcast_in_dim3A_80 = vector.broadcast %broadcast_in_dim3A_79 : f32 to vector<16xf32>
    %swap3A_81 = arith.constant 208 : index
    %swap3A_82 = tpu.vector_load %arg6[%swap3A_81] {strides = array<i32>} : memref<256xf32, #tpu.memory_space<vmem>>, vector<16xf32>,
    %swap3A_83 = vector.shape_cast %swap3A_82 : vector<16xf32> to vector<16xf32>
    %swap3A_84 = vector.shape_cast %broadcast_in_dim3A_80 : vector<16xf32> to vector<16xf32>
    tpu.vector_store %arg6[%swap3A_81], %swap3A_84 {strides = array<i32>} : memref<256xf32, #tpu.memory_space<vmem>>, vector<16xf32>,
    %broadcast_in_dim3A_85 = arith.constant 1.000000e+00 : f32
    %broadcast_in_dim3A_86 = vector.broadcast %broadcast_in_dim3A_85 : f32 to vector<16xf32>
    %swap3A_87 = arith.constant 224 : index
    %swap3A_88 = tpu.vector_load %arg6[%swap3A_87] {strides = array<i32>} : memref<256xf32, #tpu.memory_space<vmem>>, vector<16xf32>,
    %swap3A_89 = vector.shape_cast %swap3A_88 : vector<16xf32> to vector<16xf32>
    %swap3A_90 = vector.shape_cast %broadcast_in_dim3A_86 : vector<16xf32> to vector<16xf32>
    tpu.vector_store %arg6[%swap3A_87], %swap3A_90 {strides = array<i32>} : memref<256xf32, #tpu.memory_space<vmem>>, vector<16xf32>,
    %broadcast_in_dim3A_91 = arith.constant 1.000000e+00 : f32
    %broadcast_in_dim3A_92 = vector.broadcast %broadcast_in_dim3A_91 : f32 to vector<16xf32>
    %swap3A_93 = arith.constant 240 : index
    %swap3A_94 = tpu.vector_load %arg6[%swap3A_93] {strides = array<i32>} : memref<256xf32, #tpu.memory_space<vmem>>, vector<16xf32>,
    %swap3A_95 = vector.shape_cast %swap3A_94 : vector<16xf32> to vector<16xf32>
    %swap3A_96 = vector.shape_cast %broadcast_in_dim3A_92 : vector<16xf32> to vector<16xf32>
    tpu.vector_store %arg6[%swap3A_93], %swap3A_96 {strides = array<i32>} : memref<256xf32, #tpu.memory_space<vmem>>, vector<16xf32>,
    "tpu.region"() ({
      %run_scoped3A_151 = tpu.sem_alloc : memref<!tpu.dma_semaphore, #tpu.memory_space<semaphore_mem>>
      %dma_start3A_152 = tpu.memref_slice %arg7[%mul3A_2] : memref<10240xf32, #tpu.memory_space<vmem_shared>> -> memref<640xf32, #tpu.memory_space<vmem_shared>>
      %dma_start3A_153 = tpu.memref_slice %arg3[%mul3A_2] : memref<10240xf32, #tpu.memory_space<hbm>> -> memref<640xf32, #tpu.memory_space<hbm>>
      tpu.enqueue_dma source(%dma_start3A_153 : memref<640xf32, #tpu.memory_space<hbm>>) target(%dma_start3A_152 : memref<640xf32, #tpu.memory_space<vmem_shared>>) target_semaphore(%run_scoped3A_151 : memref<!tpu.dma_semaphore, #tpu.memory_space<semaphore_mem>>)
      %dma_wait3A_154 = tpu.memref_slice %arg7[%mul3A_2] : memref<10240xf32, #tpu.memory_space<vmem_shared>> -> memref<640xf32, #tpu.memory_space<vmem_shared>>
      %dma_wait3A_155 = tpu.memref_slice %arg3[%mul3A_2] : memref<10240xf32, #tpu.memory_space<hbm>> -> memref<640xf32, #tpu.memory_space<hbm>>
      tpu.wait_dma2 semaphore(%run_scoped3A_151 : memref<!tpu.dma_semaphore, #tpu.memory_space<semaphore_mem>>) src(%dma_wait3A_155 : memref<640xf32, #tpu.memory_space<hbm>>) dst(%dma_wait3A_154 : memref<640xf32, #tpu.memory_space<vmem_shared>>)
      tpu.yield
    }) : () -> ()
    %mul3A_97 = arith.constant 10000 : i32
    %mul3A_98 = arith.muli %add3A, %mul3A_97 : i32
    %run_scoped3A = arith.constant 1 : i32
    "tpu.region"() ({
      %run_scoped3A_151 = tpu.sem_alloc : memref<!tpu.dma_semaphore, #tpu.memory_space<semaphore_mem>>
      %dma_start3A_152 = tpu.memref_slice %arg2[%run_scoped3A, %mul3A_98] : memref<2x320000xi32, #tpu.memory_space<hbm>> -> memref<1x10000xi32, #tpu.memory_space<hbm>>
      %dma_start3A_153 = tpu.memref_squeeze %dma_start3A_152 : memref<1x10000xi32, #tpu.memory_space<hbm>> -> memref<10000xi32, #tpu.memory_space<hbm>>
      %dma_start3A_154 = tpu.memref_slice %arg2[%run_scoped3A, %mul3A_98] : memref<2x320000xi32, #tpu.memory_space<hbm>> -> memref<1x10000xi32, #tpu.memory_space<hbm>>
      %dma_start3A_155 = tpu.memref_squeeze %dma_start3A_154 : memref<1x10000xi32, #tpu.memory_space<hbm>> -> memref<10000xi32, #tpu.memory_space<hbm>>
      tpu.enqueue_dma source(%dma_start3A_155 : memref<10000xi32, #tpu.memory_space<hbm>>) target(%arg5 : memref<10000xi32, #tpu.memory_space<vmem>>) target_semaphore(%run_scoped3A_151 : memref<!tpu.dma_semaphore, #tpu.memory_space<semaphore_mem>>)
      %dma_wait3A_156 = tpu.memref_slice %arg2[%run_scoped3A, %mul3A_98] : memref<2x320000xi32, #tpu.memory_space<hbm>> -> memref<1x10000xi32, #tpu.memory_space<hbm>>
      %dma_wait3A_157 = tpu.memref_squeeze %dma_wait3A_156 : memref<1x10000xi32, #tpu.memory_space<hbm>> -> memref<10000xi32, #tpu.memory_space<hbm>>
      %dma_wait3A_158 = tpu.memref_slice %arg2[%run_scoped3A, %mul3A_98] : memref<2x320000xi32, #tpu.memory_space<hbm>> -> memref<1x10000xi32, #tpu.memory_space<hbm>>
      %dma_wait3A_159 = tpu.memref_squeeze %dma_wait3A_158 : memref<1x10000xi32, #tpu.memory_space<hbm>> -> memref<10000xi32, #tpu.memory_space<hbm>>
      tpu.wait_dma2 semaphore(%run_scoped3A_151 : memref<!tpu.dma_semaphore, #tpu.memory_space<semaphore_mem>>) src(%dma_wait3A_159 : memref<10000xi32, #tpu.memory_space<hbm>>) dst(%arg5 : memref<10000xi32, #tpu.memory_space<vmem>>)
      tpu.yield
    }) : () -> ()
    %barrier3A = arith.constant 0 : index
    tpu.barrier barrier_id(%barrier3A)
    %dma_start3A = arith.constant 0 : i32
    %dma_start3A_99 = tpu.memref_slice %arg5[%dma_start3A] : memref<10000xi32, #tpu.memory_space<vmem>> -> memref<256xi32, #tpu.memory_space<vmem>>
    %dma_start3A_100 = arith.constant 0 : i32
    %dma_start3A_101 = tpu.memref_slice %arg7[%dma_start3A_100] : memref<10240xf32, #tpu.memory_space<vmem_shared>> -> memref<10240xf32, #tpu.memory_space<vmem_shared>>
    tpu.enqueue_indirect_dma source(%arg6 : memref<256xf32, #tpu.memory_space<vmem>>) target(%dma_start3A_101 : memref<10240xf32, #tpu.memory_space<vmem_shared>>) offsets(%dma_start3A_99 : memref<256xi32, #tpu.memory_space<vmem>>) semaphore(%arg8 : memref<!tpu.dma_semaphore, #tpu.memory_space<semaphore_mem>>) {add = true}
    %dma_start3A_102 = arith.constant 256 : i32
    %dma_start3A_103 = tpu.memref_slice %arg5[%dma_start3A_102] : memref<10000xi32, #tpu.memory_space<vmem>> -> memref<256xi32, #tpu.memory_space<vmem>>
    %dma_start3A_104 = arith.constant 0 : i32
    %dma_start3A_105 = tpu.memref_slice %arg7[%dma_start3A_104] : memref<10240xf32, #tpu.memory_space<vmem_shared>> -> memref<10240xf32, #tpu.memory_space<vmem_shared>>
    tpu.enqueue_indirect_dma source(%arg6 : memref<256xf32, #tpu.memory_space<vmem>>) target(%dma_start3A_105 : memref<10240xf32, #tpu.memory_space<vmem_shared>>) offsets(%dma_start3A_103 : memref<256xi32, #tpu.memory_space<vmem>>) semaphore(%arg9 : memref<!tpu.dma_semaphore, #tpu.memory_space<semaphore_mem>>) {add = true}
    %dma_start3A_106 = arith.constant 512 : i32
    %dma_start3A_107 = tpu.memref_slice %arg5[%dma_start3A_106] : memref<10000xi32, #tpu.memory_space<vmem>> -> memref<256xi32, #tpu.memory_space<vmem>>
    %dma_start3A_108 = arith.constant 0 : i32
    %dma_start3A_109 = tpu.memref_slice %arg7[%dma_start3A_108] : memref<10240xf32, #tpu.memory_space<vmem_shared>> -> memref<10240xf32, #tpu.memory_space<vmem_shared>>
    tpu.enqueue_indirect_dma source(%arg6 : memref<256xf32, #tpu.memory_space<vmem>>) target(%dma_start3A_109 : memref<10240xf32, #tpu.memory_space<vmem_shared>>) offsets(%dma_start3A_107 : memref<256xi32, #tpu.memory_space<vmem>>) semaphore(%arg10 : memref<!tpu.dma_semaphore, #tpu.memory_space<semaphore_mem>>) {add = true}
    %dma_start3A_110 = arith.constant 768 : i32
    %dma_start3A_111 = tpu.memref_slice %arg5[%dma_start3A_110] : memref<10000xi32, #tpu.memory_space<vmem>> -> memref<256xi32, #tpu.memory_space<vmem>>
    %dma_start3A_112 = arith.constant 0 : i32
    %dma_start3A_113 = tpu.memref_slice %arg7[%dma_start3A_112] : memref<10240xf32, #tpu.memory_space<vmem_shared>> -> memref<10240xf32, #tpu.memory_space<vmem_shared>>
    tpu.enqueue_indirect_dma source(%arg6 : memref<256xf32, #tpu.memory_space<vmem>>) target(%dma_start3A_113 : memref<10240xf32, #tpu.memory_space<vmem_shared>>) offsets(%dma_start3A_111 : memref<256xi32, #tpu.memory_space<vmem>>) semaphore(%arg11 : memref<!tpu.dma_semaphore, #tpu.memory_space<semaphore_mem>>) {add = true}
    %dma_start3A_114 = arith.constant 1024 : i32
    %dma_start3A_115 = tpu.memref_slice %arg5[%dma_start3A_114] : memref<10000xi32, #tpu.memory_space<vmem>> -> memref<256xi32, #tpu.memory_space<vmem>>
    %dma_start3A_116 = arith.constant 0 : i32
    %dma_start3A_117 = tpu.memref_slice %arg7[%dma_start3A_116] : memref<10240xf32, #tpu.memory_space<vmem_shared>> -> memref<10240xf32, #tpu.memory_space<vmem_shared>>
    tpu.enqueue_indirect_dma source(%arg6 : memref<256xf32, #tpu.memory_space<vmem>>) target(%dma_start3A_117 : memref<10240xf32, #tpu.memory_space<vmem_shared>>) offsets(%dma_start3A_115 : memref<256xi32, #tpu.memory_space<vmem>>) semaphore(%arg12 : memref<!tpu.dma_semaphore, #tpu.memory_space<semaphore_mem>>) {add = true}
    %dma_start3A_118 = arith.constant 1280 : i32
    %dma_start3A_119 = tpu.memref_slice %arg5[%dma_start3A_118] : memref<10000xi32, #tpu.memory_space<vmem>> -> memref<256xi32, #tpu.memory_space<vmem>>
    %dma_start3A_120 = arith.constant 0 : i32
    %dma_start3A_121 = tpu.memref_slice %arg7[%dma_start3A_120] : memref<10240xf32, #tpu.memory_space<vmem_shared>> -> memref<10240xf32, #tpu.memory_space<vmem_shared>>
    tpu.enqueue_indirect_dma source(%arg6 : memref<256xf32, #tpu.memory_space<vmem>>) target(%dma_start3A_121 : memref<10240xf32, #tpu.memory_space<vmem_shared>>) offsets(%dma_start3A_119 : memref<256xi32, #tpu.memory_space<vmem>>) semaphore(%arg13 : memref<!tpu.dma_semaphore, #tpu.memory_space<semaphore_mem>>) {add = true}
    %scan3A = arith.constant 0 : i32
    %scan3A_122 = arith.constant 0 : i32
    %scan3A_123 = arith.constant 5 : i32
    %scan3A_124 = arith.addi %scan3A_122, %scan3A_123 : i32
    %scan3A_125 = arith.constant 1 : i32
    scf.for %scan3A_151 = %scan3A_122 to %scan3A_124 step %scan3A_125  : i32 {
      %mul3A_152 = arith.constant 6 : i32
      %mul3A_153 = arith.muli %mul3A_152, %scan3A_151 : i32
      %add3A_154 = arith.constant 0 : i32
      %add3A_155 = arith.addi %mul3A_153, %add3A_154 : i32
      %mul3A_156 = arith.constant 256 : i32
      %mul3A_157 = arith.muli %add3A_155, %mul3A_156 : i32
      %dma_wait3A_158 = tpu.memref_slice %arg5[%mul3A_157] : memref<10000xi32, #tpu.memory_space<vmem>> -> memref<256xi32, #tpu.memory_space<vmem>>
      %dma_wait3A_159 = arith.constant 0 : i32
      %dma_wait3A_160 = tpu.memref_slice %arg7[%dma_wait3A_159] : memref<10240xf32, #tpu.memory_space<vmem_shared>> -> memref<10240xf32, #tpu.memory_space<vmem_shared>>
      tpu.wait_indirect_dma semaphore(%arg8 : memref<!tpu.dma_semaphore, #tpu.memory_space<semaphore_mem>>) src(%arg6 : memref<256xf32, #tpu.memory_space<vmem>>) dst(%dma_wait3A_160 : memref<10240xf32, #tpu.memory_space<vmem_shared>>)
      %add3A_161 = arith.constant 6 : i32
      %add3A_162 = arith.addi %add3A_155, %add3A_161 : i32
      %mul3A_163 = arith.constant 256 : i32
      %mul3A_164 = arith.muli %add3A_162, %mul3A_163 : i32
      %dma_start3A_165 = tpu.memref_slice %arg5[%mul3A_164] : memref<10000xi32, #tpu.memory_space<vmem>> -> memref<256xi32, #tpu.memory_space<vmem>>
      %dma_start3A_166 = arith.constant 0 : i32
      %dma_start3A_167 = tpu.memref_slice %arg7[%dma_start3A_166] : memref<10240xf32, #tpu.memory_space<vmem_shared>> -> memref<10240xf32, #tpu.memory_space<vmem_shared>>
      tpu.enqueue_indirect_dma source(%arg6 : memref<256xf32, #tpu.memory_space<vmem>>) target(%dma_start3A_167 : memref<10240xf32, #tpu.memory_space<vmem_shared>>) offsets(%dma_start3A_165 : memref<256xi32, #tpu.memory_space<vmem>>) semaphore(%arg8 : memref<!tpu.dma_semaphore, #tpu.memory_space<semaphore_mem>>) {add = true}
      %mul3A_168 = arith.constant 6 : i32
      %mul3A_169 = arith.muli %mul3A_168, %scan3A_151 : i32
      %add3A_170 = arith.constant 1 : i32
      %add3A_171 = arith.addi %mul3A_169, %add3A_170 : i32
      %mul3A_172 = arith.constant 256 : i32
      %mul3A_173 = arith.muli %add3A_171, %mul3A_172 : i32
      %dma_wait3A_174 = tpu.memref_slice %arg5[%mul3A_173] : memref<10000xi32, #tpu.memory_space<vmem>> -> memref<256xi32, #tpu.memory_space<vmem>>
      %dma_wait3A_175 = arith.constant 0 : i32
      %dma_wait3A_176 = tpu.memref_slice %arg7[%dma_wait3A_175] : memref<10240xf32, #tpu.memory_space<vmem_shared>> -> memref<10240xf32, #tpu.memory_space<vmem_shared>>
      tpu.wait_indirect_dma semaphore(%arg9 : memref<!tpu.dma_semaphore, #tpu.memory_space<semaphore_mem>>) src(%arg6 : memref<256xf32, #tpu.memory_space<vmem>>) dst(%dma_wait3A_176 : memref<10240xf32, #tpu.memory_space<vmem_shared>>)
      %add3A_177 = arith.constant 6 : i32
      %add3A_178 = arith.addi %add3A_171, %add3A_177 : i32
      %mul3A_179 = arith.constant 256 : i32
      %mul3A_180 = arith.muli %add3A_178, %mul3A_179 : i32
      %dma_start3A_181 = tpu.memref_slice %arg5[%mul3A_180] : memref<10000xi32, #tpu.memory_space<vmem>> -> memref<256xi32, #tpu.memory_space<vmem>>
      %dma_start3A_182 = arith.constant 0 : i32
      %dma_start3A_183 = tpu.memref_slice %arg7[%dma_start3A_182] : memref<10240xf32, #tpu.memory_space<vmem_shared>> -> memref<10240xf32, #tpu.memory_space<vmem_shared>>
      tpu.enqueue_indirect_dma source(%arg6 : memref<256xf32, #tpu.memory_space<vmem>>) target(%dma_start3A_183 : memref<10240xf32, #tpu.memory_space<vmem_shared>>) offsets(%dma_start3A_181 : memref<256xi32, #tpu.memory_space<vmem>>) semaphore(%arg9 : memref<!tpu.dma_semaphore, #tpu.memory_space<semaphore_mem>>) {add = true}
      %mul3A_184 = arith.constant 6 : i32
      %mul3A_185 = arith.muli %mul3A_184, %scan3A_151 : i32
      %add3A_186 = arith.constant 2 : i32
      %add3A_187 = arith.addi %mul3A_185, %add3A_186 : i32
      %mul3A_188 = arith.constant 256 : i32
      %mul3A_189 = arith.muli %add3A_187, %mul3A_188 : i32
      %dma_wait3A_190 = tpu.memref_slice %arg5[%mul3A_189] : memref<10000xi32, #tpu.memory_space<vmem>> -> memref<256xi32, #tpu.memory_space<vmem>>
      %dma_wait3A_191 = arith.constant 0 : i32
      %dma_wait3A_192 = tpu.memref_slice %arg7[%dma_wait3A_191] : memref<10240xf32, #tpu.memory_space<vmem_shared>> -> memref<10240xf32, #tpu.memory_space<vmem_shared>>
      tpu.wait_indirect_dma semaphore(%arg10 : memref<!tpu.dma_semaphore, #tpu.memory_space<semaphore_mem>>) src(%arg6 : memref<256xf32, #tpu.memory_space<vmem>>) dst(%dma_wait3A_192 : memref<10240xf32, #tpu.memory_space<vmem_shared>>)
      %add3A_193 = arith.constant 6 : i32
      %add3A_194 = arith.addi %add3A_187, %add3A_193 : i32
      %mul3A_195 = arith.constant 256 : i32
      %mul3A_196 = arith.muli %add3A_194, %mul3A_195 : i32
      %dma_start3A_197 = tpu.memref_slice %arg5[%mul3A_196] : memref<10000xi32, #tpu.memory_space<vmem>> -> memref<256xi32, #tpu.memory_space<vmem>>
      %dma_start3A_198 = arith.constant 0 : i32
      %dma_start3A_199 = tpu.memref_slice %arg7[%dma_start3A_198] : memref<10240xf32, #tpu.memory_space<vmem_shared>> -> memref<10240xf32, #tpu.memory_space<vmem_shared>>
      tpu.enqueue_indirect_dma source(%arg6 : memref<256xf32, #tpu.memory_space<vmem>>) target(%dma_start3A_199 : memref<10240xf32, #tpu.memory_space<vmem_shared>>) offsets(%dma_start3A_197 : memref<256xi32, #tpu.memory_space<vmem>>) semaphore(%arg10 : memref<!tpu.dma_semaphore, #tpu.memory_space<semaphore_mem>>) {add = true}
      %mul3A_200 = arith.constant 6 : i32
      %mul3A_201 = arith.muli %mul3A_200, %scan3A_151 : i32
      %add3A_202 = arith.constant 3 : i32
      %add3A_203 = arith.addi %mul3A_201, %add3A_202 : i32
      %mul3A_204 = arith.constant 256 : i32
      %mul3A_205 = arith.muli %add3A_203, %mul3A_204 : i32
      %dma_wait3A_206 = tpu.memref_slice %arg5[%mul3A_205] : memref<10000xi32, #tpu.memory_space<vmem>> -> memref<256xi32, #tpu.memory_space<vmem>>
      %dma_wait3A_207 = arith.constant 0 : i32
      %dma_wait3A_208 = tpu.memref_slice %arg7[%dma_wait3A_207] : memref<10240xf32, #tpu.memory_space<vmem_shared>> -> memref<10240xf32, #tpu.memory_space<vmem_shared>>
      tpu.wait_indirect_dma semaphore(%arg11 : memref<!tpu.dma_semaphore, #tpu.memory_space<semaphore_mem>>) src(%arg6 : memref<256xf32, #tpu.memory_space<vmem>>) dst(%dma_wait3A_208 : memref<10240xf32, #tpu.memory_space<vmem_shared>>)
      %add3A_209 = arith.constant 6 : i32
      %add3A_210 = arith.addi %add3A_203, %add3A_209 : i32
      %mul3A_211 = arith.constant 256 : i32
      %mul3A_212 = arith.muli %add3A_210, %mul3A_211 : i32
      %dma_start3A_213 = tpu.memref_slice %arg5[%mul3A_212] : memref<10000xi32, #tpu.memory_space<vmem>> -> memref<256xi32, #tpu.memory_space<vmem>>
      %dma_start3A_214 = arith.constant 0 : i32
      %dma_start3A_215 = tpu.memref_slice %arg7[%dma_start3A_214] : memref<10240xf32, #tpu.memory_space<vmem_shared>> -> memref<10240xf32, #tpu.memory_space<vmem_shared>>
      tpu.enqueue_indirect_dma source(%arg6 : memref<256xf32, #tpu.memory_space<vmem>>) target(%dma_start3A_215 : memref<10240xf32, #tpu.memory_space<vmem_shared>>) offsets(%dma_start3A_213 : memref<256xi32, #tpu.memory_space<vmem>>) semaphore(%arg11 : memref<!tpu.dma_semaphore, #tpu.memory_space<semaphore_mem>>) {add = true}
      %mul3A_216 = arith.constant 6 : i32
      %mul3A_217 = arith.muli %mul3A_216, %scan3A_151 : i32
      %add3A_218 = arith.constant 4 : i32
      %add3A_219 = arith.addi %mul3A_217, %add3A_218 : i32
      %mul3A_220 = arith.constant 256 : i32
      %mul3A_221 = arith.muli %add3A_219, %mul3A_220 : i32
      %dma_wait3A_222 = tpu.memref_slice %arg5[%mul3A_221] : memref<10000xi32, #tpu.memory_space<vmem>> -> memref<256xi32, #tpu.memory_space<vmem>>
      %dma_wait3A_223 = arith.constant 0 : i32
      %dma_wait3A_224 = tpu.memref_slice %arg7[%dma_wait3A_223] : memref<10240xf32, #tpu.memory_space<vmem_shared>> -> memref<10240xf32, #tpu.memory_space<vmem_shared>>
      tpu.wait_indirect_dma semaphore(%arg12 : memref<!tpu.dma_semaphore, #tpu.memory_space<semaphore_mem>>) src(%arg6 : memref<256xf32, #tpu.memory_space<vmem>>) dst(%dma_wait3A_224 : memref<10240xf32, #tpu.memory_space<vmem_shared>>)
      %add3A_225 = arith.constant 6 : i32
      %add3A_226 = arith.addi %add3A_219, %add3A_225 : i32
      %mul3A_227 = arith.constant 256 : i32
      %mul3A_228 = arith.muli %add3A_226, %mul3A_227 : i32
      %dma_start3A_229 = tpu.memref_slice %arg5[%mul3A_228] : memref<10000xi32, #tpu.memory_space<vmem>> -> memref<256xi32, #tpu.memory_space<vmem>>
      %dma_start3A_230 = arith.constant 0 : i32
      %dma_start3A_231 = tpu.memref_slice %arg7[%dma_start3A_230] : memref<10240xf32, #tpu.memory_space<vmem_shared>> -> memref<10240xf32, #tpu.memory_space<vmem_shared>>
      tpu.enqueue_indirect_dma source(%arg6 : memref<256xf32, #tpu.memory_space<vmem>>) target(%dma_start3A_231 : memref<10240xf32, #tpu.memory_space<vmem_shared>>) offsets(%dma_start3A_229 : memref<256xi32, #tpu.memory_space<vmem>>) semaphore(%arg12 : memref<!tpu.dma_semaphore, #tpu.memory_space<semaphore_mem>>) {add = true}
      %mul3A_232 = arith.constant 6 : i32
      %mul3A_233 = arith.muli %mul3A_232, %scan3A_151 : i32
      %add3A_234 = arith.constant 5 : i32
      %add3A_235 = arith.addi %mul3A_233, %add3A_234 : i32
      %mul3A_236 = arith.constant 256 : i32
      %mul3A_237 = arith.muli %add3A_235, %mul3A_236 : i32
      %dma_wait3A_238 = tpu.memref_slice %arg5[%mul3A_237] : memref<10000xi32, #tpu.memory_space<vmem>> -> memref<256xi32, #tpu.memory_space<vmem>>
      %dma_wait3A_239 = arith.constant 0 : i32
      %dma_wait3A_240 = tpu.memref_slice %arg7[%dma_wait3A_239] : memref<10240xf32, #tpu.memory_space<vmem_shared>> -> memref<10240xf32, #tpu.memory_space<vmem_shared>>
      tpu.wait_indirect_dma semaphore(%arg13 : memref<!tpu.dma_semaphore, #tpu.memory_space<semaphore_mem>>) src(%arg6 : memref<256xf32, #tpu.memory_space<vmem>>) dst(%dma_wait3A_240 : memref<10240xf32, #tpu.memory_space<vmem_shared>>)
      %add3A_241 = arith.constant 6 : i32
      %add3A_242 = arith.addi %add3A_235, %add3A_241 : i32
      %mul3A_243 = arith.constant 256 : i32
      %mul3A_244 = arith.muli %add3A_242, %mul3A_243 : i32
      %dma_start3A_245 = tpu.memref_slice %arg5[%mul3A_244] : memref<10000xi32, #tpu.memory_space<vmem>> -> memref<256xi32, #tpu.memory_space<vmem>>
      %dma_start3A_246 = arith.constant 0 : i32
      %dma_start3A_247 = tpu.memref_slice %arg7[%dma_start3A_246] : memref<10240xf32, #tpu.memory_space<vmem_shared>> -> memref<10240xf32, #tpu.memory_space<vmem_shared>>
      tpu.enqueue_indirect_dma source(%arg6 : memref<256xf32, #tpu.memory_space<vmem>>) target(%dma_start3A_247 : memref<10240xf32, #tpu.memory_space<vmem_shared>>) offsets(%dma_start3A_245 : memref<256xi32, #tpu.memory_space<vmem>>) semaphore(%arg13 : memref<!tpu.dma_semaphore, #tpu.memory_space<semaphore_mem>>) {add = true}
    }
    %scan3A_126 = arith.constant 5 : i32
    %dma_wait3A = arith.constant 7680 : i32
    %dma_wait3A_127 = tpu.memref_slice %arg5[%dma_wait3A] : memref<10000xi32, #tpu.memory_space<vmem>> -> memref<256xi32, #tpu.memory_space<vmem>>
    %dma_wait3A_128 = arith.constant 0 : i32
    %dma_wait3A_129 = tpu.memref_slice %arg7[%dma_wait3A_128] : memref<10240xf32, #tpu.memory_space<vmem_shared>> -> memref<10240xf32, #tpu.memory_space<vmem_shared>>
    tpu.wait_indirect_dma semaphore(%arg8 : memref<!tpu.dma_semaphore, #tpu.memory_space<semaphore_mem>>) src(%arg6 : memref<256xf32, #tpu.memory_space<vmem>>) dst(%dma_wait3A_129 : memref<10240xf32, #tpu.memory_space<vmem_shared>>)
    %dma_wait3A_130 = arith.constant 7936 : i32
    %dma_wait3A_131 = tpu.memref_slice %arg5[%dma_wait3A_130] : memref<10000xi32, #tpu.memory_space<vmem>> -> memref<256xi32, #tpu.memory_space<vmem>>
    %dma_wait3A_132 = arith.constant 0 : i32
    %dma_wait3A_133 = tpu.memref_slice %arg7[%dma_wait3A_132] : memref<10240xf32, #tpu.memory_space<vmem_shared>> -> memref<10240xf32, #tpu.memory_space<vmem_shared>>
    tpu.wait_indirect_dma semaphore(%arg9 : memref<!tpu.dma_semaphore, #tpu.memory_space<semaphore_mem>>) src(%arg6 : memref<256xf32, #tpu.memory_space<vmem>>) dst(%dma_wait3A_133 : memref<10240xf32, #tpu.memory_space<vmem_shared>>)
    %dma_wait3A_134 = arith.constant 8192 : i32
    %dma_wait3A_135 = tpu.memref_slice %arg5[%dma_wait3A_134] : memref<10000xi32, #tpu.memory_space<vmem>> -> memref<256xi32, #tpu.memory_space<vmem>>
    %dma_wait3A_136 = arith.constant 0 : i32
    %dma_wait3A_137 = tpu.memref_slice %arg7[%dma_wait3A_136] : memref<10240xf32, #tpu.memory_space<vmem_shared>> -> memref<10240xf32, #tpu.memory_space<vmem_shared>>
    tpu.wait_indirect_dma semaphore(%arg10 : memref<!tpu.dma_semaphore, #tpu.memory_space<semaphore_mem>>) src(%arg6 : memref<256xf32, #tpu.memory_space<vmem>>) dst(%dma_wait3A_137 : memref<10240xf32, #tpu.memory_space<vmem_shared>>)
    %dma_wait3A_138 = arith.constant 8448 : i32
    %dma_wait3A_139 = tpu.memref_slice %arg5[%dma_wait3A_138] : memref<10000xi32, #tpu.memory_space<vmem>> -> memref<256xi32, #tpu.memory_space<vmem>>
    %dma_wait3A_140 = arith.constant 0 : i32
    %dma_wait3A_141 = tpu.memref_slice %arg7[%dma_wait3A_140] : memref<10240xf32, #tpu.memory_space<vmem_shared>> -> memref<10240xf32, #tpu.memory_space<vmem_shared>>
    tpu.wait_indirect_dma semaphore(%arg11 : memref<!tpu.dma_semaphore, #tpu.memory_space<semaphore_mem>>) src(%arg6 : memref<256xf32, #tpu.memory_space<vmem>>) dst(%dma_wait3A_141 : memref<10240xf32, #tpu.memory_space<vmem_shared>>)
    %dma_wait3A_142 = arith.constant 8704 : i32
    %dma_wait3A_143 = tpu.memref_slice %arg5[%dma_wait3A_142] : memref<10000xi32, #tpu.memory_space<vmem>> -> memref<256xi32, #tpu.memory_space<vmem>>
    %dma_wait3A_144 = arith.constant 0 : i32
    %dma_wait3A_145 = tpu.memref_slice %arg7[%dma_wait3A_144] : memref<10240xf32, #tpu.memory_space<vmem_shared>> -> memref<10240xf32, #tpu.memory_space<vmem_shared>>
    tpu.wait_indirect_dma semaphore(%arg12 : memref<!tpu.dma_semaphore, #tpu.memory_space<semaphore_mem>>) src(%arg6 : memref<256xf32, #tpu.memory_space<vmem>>) dst(%dma_wait3A_145 : memref<10240xf32, #tpu.memory_space<vmem_shared>>)
    %dma_wait3A_146 = arith.constant 8960 : i32
    %dma_wait3A_147 = tpu.memref_slice %arg5[%dma_wait3A_146] : memref<10000xi32, #tpu.memory_space<vmem>> -> memref<256xi32, #tpu.memory_space<vmem>>
    %dma_wait3A_148 = arith.constant 0 : i32
    %dma_wait3A_149 = tpu.memref_slice %arg7[%dma_wait3A_148] : memref<10240xf32, #tpu.memory_space<vmem_shared>> -> memref<10240xf32, #tpu.memory_space<vmem_shared>>
    tpu.wait_indirect_dma semaphore(%arg13 : memref<!tpu.dma_semaphore, #tpu.memory_space<semaphore_mem>>) src(%arg6 : memref<256xf32, #tpu.memory_space<vmem>>) dst(%dma_wait3A_149 : memref<10240xf32, #tpu.memory_space<vmem_shared>>)
    "tpu.region"() ({
      %run_scoped3A_151 = tpu.sem_alloc : memref<!tpu.dma_semaphore, #tpu.memory_space<semaphore_mem>>
      %dma_start3A_152 = arith.constant 9216 : i32
      %dma_start3A_153 = tpu.memref_slice %arg5[%dma_start3A_152] : memref<10000xi32, #tpu.memory_space<vmem>> -> memref<256xi32, #tpu.memory_space<vmem>>
      %dma_start3A_154 = arith.constant 0 : i32
      %dma_start3A_155 = tpu.memref_slice %arg7[%dma_start3A_154] : memref<10240xf32, #tpu.memory_space<vmem_shared>> -> memref<10240xf32, #tpu.memory_space<vmem_shared>>
      tpu.enqueue_indirect_dma source(%arg6 : memref<256xf32, #tpu.memory_space<vmem>>) target(%dma_start3A_155 : memref<10240xf32, #tpu.memory_space<vmem_shared>>) offsets(%dma_start3A_153 : memref<256xi32, #tpu.memory_space<vmem>>) semaphore(%run_scoped3A_151 : memref<!tpu.dma_semaphore, #tpu.memory_space<semaphore_mem>>) {add = true}
      %dma_wait3A_156 = arith.constant 9216 : i32
      %dma_wait3A_157 = tpu.memref_slice %arg5[%dma_wait3A_156] : memref<10000xi32, #tpu.memory_space<vmem>> -> memref<256xi32, #tpu.memory_space<vmem>>
      %dma_wait3A_158 = arith.constant 0 : i32
      %dma_wait3A_159 = tpu.memref_slice %arg7[%dma_wait3A_158] : memref<10240xf32, #tpu.memory_space<vmem_shared>> -> memref<10240xf32, #tpu.memory_space<vmem_shared>>
      tpu.wait_indirect_dma semaphore(%run_scoped3A_151 : memref<!tpu.dma_semaphore, #tpu.memory_space<semaphore_mem>>) src(%arg6 : memref<256xf32, #tpu.memory_space<vmem>>) dst(%dma_wait3A_159 : memref<10240xf32, #tpu.memory_space<vmem_shared>>)
      tpu.yield
    }) : () -> ()
    "tpu.region"() ({
      %run_scoped3A_151 = tpu.sem_alloc : memref<!tpu.dma_semaphore, #tpu.memory_space<semaphore_mem>>
      %dma_start3A_152 = arith.constant 9472 : i32
      %dma_start3A_153 = tpu.memref_slice %arg5[%dma_start3A_152] : memref<10000xi32, #tpu.memory_space<vmem>> -> memref<256xi32, #tpu.memory_space<vmem>>
      %dma_start3A_154 = arith.constant 0 : i32
      %dma_start3A_155 = tpu.memref_slice %arg7[%dma_start3A_154] : memref<10240xf32, #tpu.memory_space<vmem_shared>> -> memref<10240xf32, #tpu.memory_space<vmem_shared>>
      tpu.enqueue_indirect_dma source(%arg6 : memref<256xf32, #tpu.memory_space<vmem>>) target(%dma_start3A_155 : memref<10240xf32, #tpu.memory_space<vmem_shared>>) offsets(%dma_start3A_153 : memref<256xi32, #tpu.memory_space<vmem>>) semaphore(%run_scoped3A_151 : memref<!tpu.dma_semaphore, #tpu.memory_space<semaphore_mem>>) {add = true}
      %dma_wait3A_156 = arith.constant 9472 : i32
      %dma_wait3A_157 = tpu.memref_slice %arg5[%dma_wait3A_156] : memref<10000xi32, #tpu.memory_space<vmem>> -> memref<256xi32, #tpu.memory_space<vmem>>
      %dma_wait3A_158 = arith.constant 0 : i32
      %dma_wait3A_159 = tpu.memref_slice %arg7[%dma_wait3A_158] : memref<10240xf32, #tpu.memory_space<vmem_shared>> -> memref<10240xf32, #tpu.memory_space<vmem_shared>>
      tpu.wait_indirect_dma semaphore(%run_scoped3A_151 : memref<!tpu.dma_semaphore, #tpu.memory_space<semaphore_mem>>) src(%arg6 : memref<256xf32, #tpu.memory_space<vmem>>) dst(%dma_wait3A_159 : memref<10240xf32, #tpu.memory_space<vmem_shared>>)
      tpu.yield
    }) : () -> ()
    "tpu.region"() ({
      %run_scoped3A_151 = tpu.sem_alloc : memref<!tpu.dma_semaphore, #tpu.memory_space<semaphore_mem>>
      %dma_start3A_152 = arith.constant 9728 : i32
      %dma_start3A_153 = tpu.memref_slice %arg5[%dma_start3A_152] : memref<10000xi32, #tpu.memory_space<vmem>> -> memref<256xi32, #tpu.memory_space<vmem>>
      %dma_start3A_154 = arith.constant 0 : i32
      %dma_start3A_155 = tpu.memref_slice %arg7[%dma_start3A_154] : memref<10240xf32, #tpu.memory_space<vmem_shared>> -> memref<10240xf32, #tpu.memory_space<vmem_shared>>
      tpu.enqueue_indirect_dma source(%arg6 : memref<256xf32, #tpu.memory_space<vmem>>) target(%dma_start3A_155 : memref<10240xf32, #tpu.memory_space<vmem_shared>>) offsets(%dma_start3A_153 : memref<256xi32, #tpu.memory_space<vmem>>) semaphore(%run_scoped3A_151 : memref<!tpu.dma_semaphore, #tpu.memory_space<semaphore_mem>>) {add = true}
      %dma_wait3A_156 = arith.constant 9728 : i32
      %dma_wait3A_157 = tpu.memref_slice %arg5[%dma_wait3A_156] : memref<10000xi32, #tpu.memory_space<vmem>> -> memref<256xi32, #tpu.memory_space<vmem>>
      %dma_wait3A_158 = arith.constant 0 : i32
      %dma_wait3A_159 = tpu.memref_slice %arg7[%dma_wait3A_158] : memref<10240xf32, #tpu.memory_space<vmem_shared>> -> memref<10240xf32, #tpu.memory_space<vmem_shared>>
      tpu.wait_indirect_dma semaphore(%run_scoped3A_151 : memref<!tpu.dma_semaphore, #tpu.memory_space<semaphore_mem>>) src(%arg6 : memref<256xf32, #tpu.memory_space<vmem>>) dst(%dma_wait3A_159 : memref<10240xf32, #tpu.memory_space<vmem_shared>>)
      tpu.yield
    }) : () -> ()
    "tpu.region"() ({
      %run_scoped3A_151 = tpu.sem_alloc : memref<!tpu.dma_semaphore, #tpu.memory_space<semaphore_mem>>
      %dma_start3A_152 = arith.constant 0 : i32
      %dma_start3A_153 = tpu.memref_slice %arg6[%dma_start3A_152] : memref<256xf32, #tpu.memory_space<vmem>> -> memref<16xf32, #tpu.memory_space<vmem>>
      %dma_start3A_154 = arith.constant 9984 : i32
      %dma_start3A_155 = tpu.memref_slice %arg5[%dma_start3A_154] : memref<10000xi32, #tpu.memory_space<vmem>> -> memref<16xi32, #tpu.memory_space<vmem>>
      %dma_start3A_156 = arith.constant 0 : i32
      %dma_start3A_157 = tpu.memref_slice %arg7[%dma_start3A_156] : memref<10240xf32, #tpu.memory_space<vmem_shared>> -> memref<10240xf32, #tpu.memory_space<vmem_shared>>
      tpu.enqueue_indirect_dma source(%dma_start3A_153 : memref<16xf32, #tpu.memory_space<vmem>>) target(%dma_start3A_157 : memref<10240xf32, #tpu.memory_space<vmem_shared>>) offsets(%dma_start3A_155 : memref<16xi32, #tpu.memory_space<vmem>>) semaphore(%run_scoped3A_151 : memref<!tpu.dma_semaphore, #tpu.memory_space<semaphore_mem>>) {add = true}
      %dma_wait3A_158 = arith.constant 0 : i32
      %dma_wait3A_159 = tpu.memref_slice %arg6[%dma_wait3A_158] : memref<256xf32, #tpu.memory_space<vmem>> -> memref<16xf32, #tpu.memory_space<vmem>>
      %dma_wait3A_160 = arith.constant 9984 : i32
      %dma_wait3A_161 = tpu.memref_slice %arg5[%dma_wait3A_160] : memref<10000xi32, #tpu.memory_space<vmem>> -> memref<16xi32, #tpu.memory_space<vmem>>
      %dma_wait3A_162 = arith.constant 0 : i32
      %dma_wait3A_163 = tpu.memref_slice %arg7[%dma_wait3A_162] : memref<10240xf32, #tpu.memory_space<vmem_shared>> -> memref<10240xf32, #tpu.memory_space<vmem_shared>>
      tpu.wait_indirect_dma semaphore(%run_scoped3A_151 : memref<!tpu.dma_semaphore, #tpu.memory_space<semaphore_mem>>) src(%dma_wait3A_159 : memref<16xf32, #tpu.memory_space<vmem>>) dst(%dma_wait3A_163 : memref<10240xf32, #tpu.memory_space<vmem_shared>>)
      tpu.yield
    }) : () -> ()
    %barrier3A_150 = arith.constant 0 : index
    tpu.barrier barrier_id(%barrier3A_150)
    "tpu.region"() ({
      %run_scoped3A_151 = tpu.sem_alloc : memref<!tpu.dma_semaphore, #tpu.memory_space<semaphore_mem>>
      %dma_start3A_152 = tpu.memref_slice %arg4[%arg0, %mul3A_2] : memref<2x10240xf32, #tpu.memory_space<hbm>> -> memref<1x640xf32, #tpu.memory_space<hbm>>
      %dma_start3A_153 = tpu.memref_squeeze %dma_start3A_152 : memref<1x640xf32, #tpu.memory_space<hbm>> -> memref<640xf32, #tpu.memory_space<hbm>>
      %dma_start3A_154 = tpu.memref_slice %arg7[%mul3A_2] : memref<10240xf32, #tpu.memory_space<vmem_shared>> -> memref<640xf32, #tpu.memory_space<vmem_shared>>
      tpu.enqueue_dma source(%dma_start3A_154 : memref<640xf32, #tpu.memory_space<vmem_shared>>) target(%dma_start3A_153 : memref<640xf32, #tpu.memory_space<hbm>>) target_semaphore(%run_scoped3A_151 : memref<!tpu.dma_semaphore, #tpu.memory_space<semaphore_mem>>)
      %dma_wait3A_155 = tpu.memref_slice %arg4[%arg0, %mul3A_2] : memref<2x10240xf32, #tpu.memory_space<hbm>> -> memref<1x640xf32, #tpu.memory_space<hbm>>
      %dma_wait3A_156 = tpu.memref_squeeze %dma_wait3A_155 : memref<1x640xf32, #tpu.memory_space<hbm>> -> memref<640xf32, #tpu.memory_space<hbm>>
      %dma_wait3A_157 = tpu.memref_slice %arg7[%mul3A_2] : memref<10240xf32, #tpu.memory_space<vmem_shared>> -> memref<640xf32, #tpu.memory_space<vmem_shared>>
      tpu.wait_dma2 semaphore(%run_scoped3A_151 : memref<!tpu.dma_semaphore, #tpu.memory_space<semaphore_mem>>) src(%dma_wait3A_157 : memref<640xf32, #tpu.memory_space<vmem_shared>>) dst(%dma_wait3A_156 : memref<640xf32, #tpu.memory_space<hbm>>)
      tpu.yield
    }) : () -> ()
    return
  }
}

#map = affine_map<(d0, d1) -> (0, 0)>
#map1 = affine_map<(d0, d1) -> (0, 0, 0)>
module attributes {stable_mosaic.version = 14 : i64} {
  func.func @mp_kernel(%arg0: i32, %arg1: i32, %arg2: memref<10000x32xf32, #tpu.memory_space<hbm>>, %arg3: memref<2x320000xi32, #tpu.memory_space<hbm>>, %arg4: memref<10240x32xf32, #tpu.memory_space<hbm>>, %arg5: memref<2x10240x32xf32, #tpu.memory_space<hbm>>, %arg6: memref<10000xi32, #tpu.memory_space<vmem>>, %arg7: memref<10000xi32, #tpu.memory_space<vmem>>, %arg8: memref<256x32xf32, #tpu.memory_space<vmem>>, %arg9: memref<256x32xf32, #tpu.memory_space<vmem>>, %arg10: memref<256x32xf32, #tpu.memory_space<vmem>>, %arg11: memref<256x32xf32, #tpu.memory_space<vmem>>, %arg12: memref<256x32xf32, #tpu.memory_space<vmem>>, %arg13: memref<256x32xf32, #tpu.memory_space<vmem>>, %arg14: memref<10240x32xf32, #tpu.memory_space<vmem_shared>>, %arg15: memref<!tpu.dma_semaphore, #tpu.memory_space<semaphore_mem>>, %arg16: memref<!tpu.dma_semaphore, #tpu.memory_space<semaphore_mem>>, %arg17: memref<!tpu.dma_semaphore, #tpu.memory_space<semaphore_mem>>, %arg18: memref<!tpu.dma_semaphore, #tpu.memory_space<semaphore_mem>>, %arg19: memref<!tpu.dma_semaphore, #tpu.memory_space<semaphore_mem>>, %arg20: memref<!tpu.dma_semaphore, #tpu.memory_space<semaphore_mem>>) attributes {dimension_semantics = [#tpu.dimension_semantics<core_parallel>, #tpu.dimension_semantics<subcore_parallel>], iteration_bounds = array<i64: 2, 16>, scalar_prefetch = 0 : i64, scratch_operands = 15 : i64, tpu.core_type = #tpu.core_type<sc_vector_subcore>, window_params = [{transform_indices = #map}, {transform_indices = #map}, {transform_indices = #map}, {transform_indices = #map1}]} {
    %mul3A = arith.constant 2 : i32
    %mul3A_0 = arith.muli %arg1, %mul3A : i32
    %add3A = arith.addi %mul3A_0, %arg0 : i32
    %mul3A_1 = arith.constant 640 : i32
    %mul3A_2 = arith.muli %arg1, %mul3A_1 : i32
    "tpu.region"() ({
      %run_scoped3A_118 = tpu.sem_alloc : memref<!tpu.dma_semaphore, #tpu.memory_space<semaphore_mem>>
      %dma_start3A_119 = arith.constant 0 : i32
      %dma_start3A_120 = tpu.memref_slice %arg14[%mul3A_2, %dma_start3A_119] : memref<10240x32xf32, #tpu.memory_space<vmem_shared>> -> memref<640x32xf32, #tpu.memory_space<vmem_shared>>
      %dma_start3A_121 = arith.constant 0 : i32
      %dma_start3A_122 = tpu.memref_slice %arg4[%mul3A_2, %dma_start3A_121] : memref<10240x32xf32, #tpu.memory_space<hbm>> -> memref<640x32xf32, #tpu.memory_space<hbm>>
      tpu.enqueue_dma source(%dma_start3A_122 : memref<640x32xf32, #tpu.memory_space<hbm>>) target(%dma_start3A_120 : memref<640x32xf32, #tpu.memory_space<vmem_shared>>) target_semaphore(%run_scoped3A_118 : memref<!tpu.dma_semaphore, #tpu.memory_space<semaphore_mem>>)
      %dma_wait3A_123 = arith.constant 0 : i32
      %dma_wait3A_124 = tpu.memref_slice %arg14[%mul3A_2, %dma_wait3A_123] : memref<10240x32xf32, #tpu.memory_space<vmem_shared>> -> memref<640x32xf32, #tpu.memory_space<vmem_shared>>
      %dma_wait3A_125 = arith.constant 0 : i32
      %dma_wait3A_126 = tpu.memref_slice %arg4[%mul3A_2, %dma_wait3A_125] : memref<10240x32xf32, #tpu.memory_space<hbm>> -> memref<640x32xf32, #tpu.memory_space<hbm>>
      tpu.wait_dma2 semaphore(%run_scoped3A_118 : memref<!tpu.dma_semaphore, #tpu.memory_space<semaphore_mem>>) src(%dma_wait3A_126 : memref<640x32xf32, #tpu.memory_space<hbm>>) dst(%dma_wait3A_124 : memref<640x32xf32, #tpu.memory_space<vmem_shared>>)
      tpu.yield
    }) : () -> ()
    %mul3A_3 = arith.constant 10000 : i32
    %mul3A_4 = arith.muli %add3A, %mul3A_3 : i32
    %run_scoped3A = arith.constant 0 : i32
    "tpu.region"() ({
      %run_scoped3A_118 = tpu.sem_alloc : memref<!tpu.dma_semaphore, #tpu.memory_space<semaphore_mem>>
      %dma_start3A_119 = tpu.memref_slice %arg3[%run_scoped3A, %mul3A_4] : memref<2x320000xi32, #tpu.memory_space<hbm>> -> memref<1x10000xi32, #tpu.memory_space<hbm>>
      %dma_start3A_120 = tpu.memref_squeeze %dma_start3A_119 : memref<1x10000xi32, #tpu.memory_space<hbm>> -> memref<10000xi32, #tpu.memory_space<hbm>>
      %dma_start3A_121 = tpu.memref_slice %arg3[%run_scoped3A, %mul3A_4] : memref<2x320000xi32, #tpu.memory_space<hbm>> -> memref<1x10000xi32, #tpu.memory_space<hbm>>
      %dma_start3A_122 = tpu.memref_squeeze %dma_start3A_121 : memref<1x10000xi32, #tpu.memory_space<hbm>> -> memref<10000xi32, #tpu.memory_space<hbm>>
      tpu.enqueue_dma source(%dma_start3A_122 : memref<10000xi32, #tpu.memory_space<hbm>>) target(%arg6 : memref<10000xi32, #tpu.memory_space<vmem>>) target_semaphore(%run_scoped3A_118 : memref<!tpu.dma_semaphore, #tpu.memory_space<semaphore_mem>>)
      %dma_wait3A_123 = tpu.memref_slice %arg3[%run_scoped3A, %mul3A_4] : memref<2x320000xi32, #tpu.memory_space<hbm>> -> memref<1x10000xi32, #tpu.memory_space<hbm>>
      %dma_wait3A_124 = tpu.memref_squeeze %dma_wait3A_123 : memref<1x10000xi32, #tpu.memory_space<hbm>> -> memref<10000xi32, #tpu.memory_space<hbm>>
      %dma_wait3A_125 = tpu.memref_slice %arg3[%run_scoped3A, %mul3A_4] : memref<2x320000xi32, #tpu.memory_space<hbm>> -> memref<1x10000xi32, #tpu.memory_space<hbm>>
      %dma_wait3A_126 = tpu.memref_squeeze %dma_wait3A_125 : memref<1x10000xi32, #tpu.memory_space<hbm>> -> memref<10000xi32, #tpu.memory_space<hbm>>
      tpu.wait_dma2 semaphore(%run_scoped3A_118 : memref<!tpu.dma_semaphore, #tpu.memory_space<semaphore_mem>>) src(%dma_wait3A_126 : memref<10000xi32, #tpu.memory_space<hbm>>) dst(%arg6 : memref<10000xi32, #tpu.memory_space<vmem>>)
      tpu.yield
    }) : () -> ()
    %mul3A_5 = arith.constant 10000 : i32
    %mul3A_6 = arith.muli %add3A, %mul3A_5 : i32
    %run_scoped3A_7 = arith.constant 1 : i32
    "tpu.region"() ({
      %run_scoped3A_118 = tpu.sem_alloc : memref<!tpu.dma_semaphore, #tpu.memory_space<semaphore_mem>>
      %dma_start3A_119 = tpu.memref_slice %arg3[%run_scoped3A_7, %mul3A_6] : memref<2x320000xi32, #tpu.memory_space<hbm>> -> memref<1x10000xi32, #tpu.memory_space<hbm>>
      %dma_start3A_120 = tpu.memref_squeeze %dma_start3A_119 : memref<1x10000xi32, #tpu.memory_space<hbm>> -> memref<10000xi32, #tpu.memory_space<hbm>>
      %dma_start3A_121 = tpu.memref_slice %arg3[%run_scoped3A_7, %mul3A_6] : memref<2x320000xi32, #tpu.memory_space<hbm>> -> memref<1x10000xi32, #tpu.memory_space<hbm>>
      %dma_start3A_122 = tpu.memref_squeeze %dma_start3A_121 : memref<1x10000xi32, #tpu.memory_space<hbm>> -> memref<10000xi32, #tpu.memory_space<hbm>>
      tpu.enqueue_dma source(%dma_start3A_122 : memref<10000xi32, #tpu.memory_space<hbm>>) target(%arg7 : memref<10000xi32, #tpu.memory_space<vmem>>) target_semaphore(%run_scoped3A_118 : memref<!tpu.dma_semaphore, #tpu.memory_space<semaphore_mem>>)
      %dma_wait3A_123 = tpu.memref_slice %arg3[%run_scoped3A_7, %mul3A_6] : memref<2x320000xi32, #tpu.memory_space<hbm>> -> memref<1x10000xi32, #tpu.memory_space<hbm>>
      %dma_wait3A_124 = tpu.memref_squeeze %dma_wait3A_123 : memref<1x10000xi32, #tpu.memory_space<hbm>> -> memref<10000xi32, #tpu.memory_space<hbm>>
      %dma_wait3A_125 = tpu.memref_slice %arg3[%run_scoped3A_7, %mul3A_6] : memref<2x320000xi32, #tpu.memory_space<hbm>> -> memref<1x10000xi32, #tpu.memory_space<hbm>>
      %dma_wait3A_126 = tpu.memref_squeeze %dma_wait3A_125 : memref<1x10000xi32, #tpu.memory_space<hbm>> -> memref<10000xi32, #tpu.memory_space<hbm>>
      tpu.wait_dma2 semaphore(%run_scoped3A_118 : memref<!tpu.dma_semaphore, #tpu.memory_space<semaphore_mem>>) src(%dma_wait3A_126 : memref<10000xi32, #tpu.memory_space<hbm>>) dst(%arg7 : memref<10000xi32, #tpu.memory_space<vmem>>)
      tpu.yield
    }) : () -> ()
    %barrier3A = arith.constant 0 : index
    tpu.barrier barrier_id(%barrier3A)
    %dma_start3A = arith.constant 0 : i32
    %dma_start3A_8 = tpu.memref_slice %arg6[%dma_start3A] : memref<10000xi32, #tpu.memory_space<vmem>> -> memref<256xi32, #tpu.memory_space<vmem>>
    %dma_start3A_9 = arith.constant 0 : i32
    %dma_start3A_10 = arith.constant 0 : i32
    %dma_start3A_11 = tpu.memref_slice %arg2[%dma_start3A_9, %dma_start3A_10] : memref<10000x32xf32, #tpu.memory_space<hbm>> -> memref<10000x32xf32, #tpu.memory_space<hbm>>
    tpu.enqueue_indirect_dma source(%dma_start3A_11 : memref<10000x32xf32, #tpu.memory_space<hbm>>) target(%arg8 : memref<256x32xf32, #tpu.memory_space<vmem>>) offsets(%dma_start3A_8 : memref<256xi32, #tpu.memory_space<vmem>>) semaphore(%arg15 : memref<!tpu.dma_semaphore, #tpu.memory_space<semaphore_mem>>)
    %dma_start3A_12 = arith.constant 256 : i32
    %dma_start3A_13 = tpu.memref_slice %arg6[%dma_start3A_12] : memref<10000xi32, #tpu.memory_space<vmem>> -> memref<256xi32, #tpu.memory_space<vmem>>
    %dma_start3A_14 = arith.constant 0 : i32
    %dma_start3A_15 = arith.constant 0 : i32
    %dma_start3A_16 = tpu.memref_slice %arg2[%dma_start3A_14, %dma_start3A_15] : memref<10000x32xf32, #tpu.memory_space<hbm>> -> memref<10000x32xf32, #tpu.memory_space<hbm>>
    tpu.enqueue_indirect_dma source(%dma_start3A_16 : memref<10000x32xf32, #tpu.memory_space<hbm>>) target(%arg9 : memref<256x32xf32, #tpu.memory_space<vmem>>) offsets(%dma_start3A_13 : memref<256xi32, #tpu.memory_space<vmem>>) semaphore(%arg16 : memref<!tpu.dma_semaphore, #tpu.memory_space<semaphore_mem>>)
    %dma_start3A_17 = arith.constant 512 : i32
    %dma_start3A_18 = tpu.memref_slice %arg6[%dma_start3A_17] : memref<10000xi32, #tpu.memory_space<vmem>> -> memref<256xi32, #tpu.memory_space<vmem>>
    %dma_start3A_19 = arith.constant 0 : i32
    %dma_start3A_20 = arith.constant 0 : i32
    %dma_start3A_21 = tpu.memref_slice %arg2[%dma_start3A_19, %dma_start3A_20] : memref<10000x32xf32, #tpu.memory_space<hbm>> -> memref<10000x32xf32, #tpu.memory_space<hbm>>
    tpu.enqueue_indirect_dma source(%dma_start3A_21 : memref<10000x32xf32, #tpu.memory_space<hbm>>) target(%arg10 : memref<256x32xf32, #tpu.memory_space<vmem>>) offsets(%dma_start3A_18 : memref<256xi32, #tpu.memory_space<vmem>>) semaphore(%arg17 : memref<!tpu.dma_semaphore, #tpu.memory_space<semaphore_mem>>)
    %dma_start3A_22 = arith.constant 768 : i32
    %dma_start3A_23 = tpu.memref_slice %arg6[%dma_start3A_22] : memref<10000xi32, #tpu.memory_space<vmem>> -> memref<256xi32, #tpu.memory_space<vmem>>
    %dma_start3A_24 = arith.constant 0 : i32
    %dma_start3A_25 = arith.constant 0 : i32
    %dma_start3A_26 = tpu.memref_slice %arg2[%dma_start3A_24, %dma_start3A_25] : memref<10000x32xf32, #tpu.memory_space<hbm>> -> memref<10000x32xf32, #tpu.memory_space<hbm>>
    tpu.enqueue_indirect_dma source(%dma_start3A_26 : memref<10000x32xf32, #tpu.memory_space<hbm>>) target(%arg11 : memref<256x32xf32, #tpu.memory_space<vmem>>) offsets(%dma_start3A_23 : memref<256xi32, #tpu.memory_space<vmem>>) semaphore(%arg18 : memref<!tpu.dma_semaphore, #tpu.memory_space<semaphore_mem>>)
    %dma_start3A_27 = arith.constant 1024 : i32
    %dma_start3A_28 = tpu.memref_slice %arg6[%dma_start3A_27] : memref<10000xi32, #tpu.memory_space<vmem>> -> memref<256xi32, #tpu.memory_space<vmem>>
    %dma_start3A_29 = arith.constant 0 : i32
    %dma_start3A_30 = arith.constant 0 : i32
    %dma_start3A_31 = tpu.memref_slice %arg2[%dma_start3A_29, %dma_start3A_30] : memref<10000x32xf32, #tpu.memory_space<hbm>> -> memref<10000x32xf32, #tpu.memory_space<hbm>>
    tpu.enqueue_indirect_dma source(%dma_start3A_31 : memref<10000x32xf32, #tpu.memory_space<hbm>>) target(%arg12 : memref<256x32xf32, #tpu.memory_space<vmem>>) offsets(%dma_start3A_28 : memref<256xi32, #tpu.memory_space<vmem>>) semaphore(%arg19 : memref<!tpu.dma_semaphore, #tpu.memory_space<semaphore_mem>>)
    %dma_start3A_32 = arith.constant 1280 : i32
    %dma_start3A_33 = tpu.memref_slice %arg6[%dma_start3A_32] : memref<10000xi32, #tpu.memory_space<vmem>> -> memref<256xi32, #tpu.memory_space<vmem>>
    %dma_start3A_34 = arith.constant 0 : i32
    %dma_start3A_35 = arith.constant 0 : i32
    %dma_start3A_36 = tpu.memref_slice %arg2[%dma_start3A_34, %dma_start3A_35] : memref<10000x32xf32, #tpu.memory_space<hbm>> -> memref<10000x32xf32, #tpu.memory_space<hbm>>
    tpu.enqueue_indirect_dma source(%dma_start3A_36 : memref<10000x32xf32, #tpu.memory_space<hbm>>) target(%arg13 : memref<256x32xf32, #tpu.memory_space<vmem>>) offsets(%dma_start3A_33 : memref<256xi32, #tpu.memory_space<vmem>>) semaphore(%arg20 : memref<!tpu.dma_semaphore, #tpu.memory_space<semaphore_mem>>)
    %scan3A = arith.constant 0 : i32
    %scan3A_37 = arith.constant 0 : i32
    %scan3A_38 = arith.constant 5 : i32
    %scan3A_39 = arith.addi %scan3A_37, %scan3A_38 : i32
    %scan3A_40 = arith.constant 1 : i32
    scf.for %scan3A_118 = %scan3A_37 to %scan3A_39 step %scan3A_40  : i32 {
      %mul3A_119 = arith.constant 6 : i32
      %mul3A_120 = arith.muli %mul3A_119, %scan3A_118 : i32
      %add3A_121 = arith.constant 0 : i32
      %add3A_122 = arith.addi %mul3A_120, %add3A_121 : i32
      %mul3A_123 = arith.constant 256 : i32
      %mul3A_124 = arith.muli %add3A_122, %mul3A_123 : i32
      %dma_wait3A_125 = tpu.memref_slice %arg6[%mul3A_124] : memref<10000xi32, #tpu.memory_space<vmem>> -> memref<256xi32, #tpu.memory_space<vmem>>
      %dma_wait3A_126 = arith.constant 0 : i32
      %dma_wait3A_127 = arith.constant 0 : i32
      %dma_wait3A_128 = tpu.memref_slice %arg2[%dma_wait3A_126, %dma_wait3A_127] : memref<10000x32xf32, #tpu.memory_space<hbm>> -> memref<10000x32xf32, #tpu.memory_space<hbm>>
      tpu.wait_indirect_dma semaphore(%arg15 : memref<!tpu.dma_semaphore, #tpu.memory_space<semaphore_mem>>) src(%dma_wait3A_128 : memref<10000x32xf32, #tpu.memory_space<hbm>>) dst(%arg8 : memref<256x32xf32, #tpu.memory_space<vmem>>)
      %mul3A_129 = arith.constant 256 : i32
      %mul3A_130 = arith.muli %add3A_122, %mul3A_129 : i32
      "tpu.region"() ({
        %run_scoped3A_239 = tpu.sem_alloc : memref<!tpu.dma_semaphore, #tpu.memory_space<semaphore_mem>>
        %dma_start3A_240 = tpu.memref_slice %arg7[%mul3A_130] : memref<10000xi32, #tpu.memory_space<vmem>> -> memref<256xi32, #tpu.memory_space<vmem>>
        %dma_start3A_241 = arith.constant 0 : i32
        %dma_start3A_242 = arith.constant 0 : i32
        %dma_start3A_243 = tpu.memref_slice %arg14[%dma_start3A_241, %dma_start3A_242] : memref<10240x32xf32, #tpu.memory_space<vmem_shared>> -> memref<10240x32xf32, #tpu.memory_space<vmem_shared>>
        tpu.enqueue_indirect_dma source(%arg8 : memref<256x32xf32, #tpu.memory_space<vmem>>) target(%dma_start3A_243 : memref<10240x32xf32, #tpu.memory_space<vmem_shared>>) offsets(%dma_start3A_240 : memref<256xi32, #tpu.memory_space<vmem>>) semaphore(%run_scoped3A_239 : memref<!tpu.dma_semaphore, #tpu.memory_space<semaphore_mem>>) {add = true}
        %dma_wait3A_244 = tpu.memref_slice %arg7[%mul3A_130] : memref<10000xi32, #tpu.memory_space<vmem>> -> memref<256xi32, #tpu.memory_space<vmem>>
        %dma_wait3A_245 = arith.constant 0 : i32
        %dma_wait3A_246 = arith.constant 0 : i32
        %dma_wait3A_247 = tpu.memref_slice %arg14[%dma_wait3A_245, %dma_wait3A_246] : memref<10240x32xf32, #tpu.memory_space<vmem_shared>> -> memref<10240x32xf32, #tpu.memory_space<vmem_shared>>
        tpu.wait_indirect_dma semaphore(%run_scoped3A_239 : memref<!tpu.dma_semaphore, #tpu.memory_space<semaphore_mem>>) src(%arg8 : memref<256x32xf32, #tpu.memory_space<vmem>>) dst(%dma_wait3A_247 : memref<10240x32xf32, #tpu.memory_space<vmem_shared>>)
        tpu.yield
      }) : () -> ()
      %add3A_131 = arith.constant 6 : i32
      %add3A_132 = arith.addi %add3A_122, %add3A_131 : i32
      %mul3A_133 = arith.constant 256 : i32
      %mul3A_134 = arith.muli %add3A_132, %mul3A_133 : i32
      %dma_start3A_135 = tpu.memref_slice %arg6[%mul3A_134] : memref<10000xi32, #tpu.memory_space<vmem>> -> memref<256xi32, #tpu.memory_space<vmem>>
      %dma_start3A_136 = arith.constant 0 : i32
      %dma_start3A_137 = arith.constant 0 : i32
      %dma_start3A_138 = tpu.memref_slice %arg2[%dma_start3A_136, %dma_start3A_137] : memref<10000x32xf32, #tpu.memory_space<hbm>> -> memref<10000x32xf32, #tpu.memory_space<hbm>>
      tpu.enqueue_indirect_dma source(%dma_start3A_138 : memref<10000x32xf32, #tpu.memory_space<hbm>>) target(%arg8 : memref<256x32xf32, #tpu.memory_space<vmem>>) offsets(%dma_start3A_135 : memref<256xi32, #tpu.memory_space<vmem>>) semaphore(%arg15 : memref<!tpu.dma_semaphore, #tpu.memory_space<semaphore_mem>>)
      %mul3A_139 = arith.constant 6 : i32
      %mul3A_140 = arith.muli %mul3A_139, %scan3A_118 : i32
      %add3A_141 = arith.constant 1 : i32
      %add3A_142 = arith.addi %mul3A_140, %add3A_141 : i32
      %mul3A_143 = arith.constant 256 : i32
      %mul3A_144 = arith.muli %add3A_142, %mul3A_143 : i32
      %dma_wait3A_145 = tpu.memref_slice %arg6[%mul3A_144] : memref<10000xi32, #tpu.memory_space<vmem>> -> memref<256xi32, #tpu.memory_space<vmem>>
      %dma_wait3A_146 = arith.constant 0 : i32
      %dma_wait3A_147 = arith.constant 0 : i32
      %dma_wait3A_148 = tpu.memref_slice %arg2[%dma_wait3A_146, %dma_wait3A_147] : memref<10000x32xf32, #tpu.memory_space<hbm>> -> memref<10000x32xf32, #tpu.memory_space<hbm>>
      tpu.wait_indirect_dma semaphore(%arg16 : memref<!tpu.dma_semaphore, #tpu.memory_space<semaphore_mem>>) src(%dma_wait3A_148 : memref<10000x32xf32, #tpu.memory_space<hbm>>) dst(%arg9 : memref<256x32xf32, #tpu.memory_space<vmem>>)
      %mul3A_149 = arith.constant 256 : i32
      %mul3A_150 = arith.muli %add3A_142, %mul3A_149 : i32
      "tpu.region"() ({
        %run_scoped3A_239 = tpu.sem_alloc : memref<!tpu.dma_semaphore, #tpu.memory_space<semaphore_mem>>
        %dma_start3A_240 = tpu.memref_slice %arg7[%mul3A_150] : memref<10000xi32, #tpu.memory_space<vmem>> -> memref<256xi32, #tpu.memory_space<vmem>>
        %dma_start3A_241 = arith.constant 0 : i32
        %dma_start3A_242 = arith.constant 0 : i32
        %dma_start3A_243 = tpu.memref_slice %arg14[%dma_start3A_241, %dma_start3A_242] : memref<10240x32xf32, #tpu.memory_space<vmem_shared>> -> memref<10240x32xf32, #tpu.memory_space<vmem_shared>>
        tpu.enqueue_indirect_dma source(%arg9 : memref<256x32xf32, #tpu.memory_space<vmem>>) target(%dma_start3A_243 : memref<10240x32xf32, #tpu.memory_space<vmem_shared>>) offsets(%dma_start3A_240 : memref<256xi32, #tpu.memory_space<vmem>>) semaphore(%run_scoped3A_239 : memref<!tpu.dma_semaphore, #tpu.memory_space<semaphore_mem>>) {add = true}
        %dma_wait3A_244 = tpu.memref_slice %arg7[%mul3A_150] : memref<10000xi32, #tpu.memory_space<vmem>> -> memref<256xi32, #tpu.memory_space<vmem>>
        %dma_wait3A_245 = arith.constant 0 : i32
        %dma_wait3A_246 = arith.constant 0 : i32
        %dma_wait3A_247 = tpu.memref_slice %arg14[%dma_wait3A_245, %dma_wait3A_246] : memref<10240x32xf32, #tpu.memory_space<vmem_shared>> -> memref<10240x32xf32, #tpu.memory_space<vmem_shared>>
        tpu.wait_indirect_dma semaphore(%run_scoped3A_239 : memref<!tpu.dma_semaphore, #tpu.memory_space<semaphore_mem>>) src(%arg9 : memref<256x32xf32, #tpu.memory_space<vmem>>) dst(%dma_wait3A_247 : memref<10240x32xf32, #tpu.memory_space<vmem_shared>>)
        tpu.yield
      }) : () -> ()
      %add3A_151 = arith.constant 6 : i32
      %add3A_152 = arith.addi %add3A_142, %add3A_151 : i32
      %mul3A_153 = arith.constant 256 : i32
      %mul3A_154 = arith.muli %add3A_152, %mul3A_153 : i32
      %dma_start3A_155 = tpu.memref_slice %arg6[%mul3A_154] : memref<10000xi32, #tpu.memory_space<vmem>> -> memref<256xi32, #tpu.memory_space<vmem>>
      %dma_start3A_156 = arith.constant 0 : i32
      %dma_start3A_157 = arith.constant 0 : i32
      %dma_start3A_158 = tpu.memref_slice %arg2[%dma_start3A_156, %dma_start3A_157] : memref<10000x32xf32, #tpu.memory_space<hbm>> -> memref<10000x32xf32, #tpu.memory_space<hbm>>
      tpu.enqueue_indirect_dma source(%dma_start3A_158 : memref<10000x32xf32, #tpu.memory_space<hbm>>) target(%arg9 : memref<256x32xf32, #tpu.memory_space<vmem>>) offsets(%dma_start3A_155 : memref<256xi32, #tpu.memory_space<vmem>>) semaphore(%arg16 : memref<!tpu.dma_semaphore, #tpu.memory_space<semaphore_mem>>)
      %mul3A_159 = arith.constant 6 : i32
      %mul3A_160 = arith.muli %mul3A_159, %scan3A_118 : i32
      %add3A_161 = arith.constant 2 : i32
      %add3A_162 = arith.addi %mul3A_160, %add3A_161 : i32
      %mul3A_163 = arith.constant 256 : i32
      %mul3A_164 = arith.muli %add3A_162, %mul3A_163 : i32
      %dma_wait3A_165 = tpu.memref_slice %arg6[%mul3A_164] : memref<10000xi32, #tpu.memory_space<vmem>> -> memref<256xi32, #tpu.memory_space<vmem>>
      %dma_wait3A_166 = arith.constant 0 : i32
      %dma_wait3A_167 = arith.constant 0 : i32
      %dma_wait3A_168 = tpu.memref_slice %arg2[%dma_wait3A_166, %dma_wait3A_167] : memref<10000x32xf32, #tpu.memory_space<hbm>> -> memref<10000x32xf32, #tpu.memory_space<hbm>>
      tpu.wait_indirect_dma semaphore(%arg17 : memref<!tpu.dma_semaphore, #tpu.memory_space<semaphore_mem>>) src(%dma_wait3A_168 : memref<10000x32xf32, #tpu.memory_space<hbm>>) dst(%arg10 : memref<256x32xf32, #tpu.memory_space<vmem>>)
      %mul3A_169 = arith.constant 256 : i32
      %mul3A_170 = arith.muli %add3A_162, %mul3A_169 : i32
      "tpu.region"() ({
        %run_scoped3A_239 = tpu.sem_alloc : memref<!tpu.dma_semaphore, #tpu.memory_space<semaphore_mem>>
        %dma_start3A_240 = tpu.memref_slice %arg7[%mul3A_170] : memref<10000xi32, #tpu.memory_space<vmem>> -> memref<256xi32, #tpu.memory_space<vmem>>
        %dma_start3A_241 = arith.constant 0 : i32
        %dma_start3A_242 = arith.constant 0 : i32
        %dma_start3A_243 = tpu.memref_slice %arg14[%dma_start3A_241, %dma_start3A_242] : memref<10240x32xf32, #tpu.memory_space<vmem_shared>> -> memref<10240x32xf32, #tpu.memory_space<vmem_shared>>
        tpu.enqueue_indirect_dma source(%arg10 : memref<256x32xf32, #tpu.memory_space<vmem>>) target(%dma_start3A_243 : memref<10240x32xf32, #tpu.memory_space<vmem_shared>>) offsets(%dma_start3A_240 : memref<256xi32, #tpu.memory_space<vmem>>) semaphore(%run_scoped3A_239 : memref<!tpu.dma_semaphore, #tpu.memory_space<semaphore_mem>>) {add = true}
        %dma_wait3A_244 = tpu.memref_slice %arg7[%mul3A_170] : memref<10000xi32, #tpu.memory_space<vmem>> -> memref<256xi32, #tpu.memory_space<vmem>>
        %dma_wait3A_245 = arith.constant 0 : i32
        %dma_wait3A_246 = arith.constant 0 : i32
        %dma_wait3A_247 = tpu.memref_slice %arg14[%dma_wait3A_245, %dma_wait3A_246] : memref<10240x32xf32, #tpu.memory_space<vmem_shared>> -> memref<10240x32xf32, #tpu.memory_space<vmem_shared>>
        tpu.wait_indirect_dma semaphore(%run_scoped3A_239 : memref<!tpu.dma_semaphore, #tpu.memory_space<semaphore_mem>>) src(%arg10 : memref<256x32xf32, #tpu.memory_space<vmem>>) dst(%dma_wait3A_247 : memref<10240x32xf32, #tpu.memory_space<vmem_shared>>)
        tpu.yield
      }) : () -> ()
      %add3A_171 = arith.constant 6 : i32
      %add3A_172 = arith.addi %add3A_162, %add3A_171 : i32
      %mul3A_173 = arith.constant 256 : i32
      %mul3A_174 = arith.muli %add3A_172, %mul3A_173 : i32
      %dma_start3A_175 = tpu.memref_slice %arg6[%mul3A_174] : memref<10000xi32, #tpu.memory_space<vmem>> -> memref<256xi32, #tpu.memory_space<vmem>>
      %dma_start3A_176 = arith.constant 0 : i32
      %dma_start3A_177 = arith.constant 0 : i32
      %dma_start3A_178 = tpu.memref_slice %arg2[%dma_start3A_176, %dma_start3A_177] : memref<10000x32xf32, #tpu.memory_space<hbm>> -> memref<10000x32xf32, #tpu.memory_space<hbm>>
      tpu.enqueue_indirect_dma source(%dma_start3A_178 : memref<10000x32xf32, #tpu.memory_space<hbm>>) target(%arg10 : memref<256x32xf32, #tpu.memory_space<vmem>>) offsets(%dma_start3A_175 : memref<256xi32, #tpu.memory_space<vmem>>) semaphore(%arg17 : memref<!tpu.dma_semaphore, #tpu.memory_space<semaphore_mem>>)
      %mul3A_179 = arith.constant 6 : i32
      %mul3A_180 = arith.muli %mul3A_179, %scan3A_118 : i32
      %add3A_181 = arith.constant 3 : i32
      %add3A_182 = arith.addi %mul3A_180, %add3A_181 : i32
      %mul3A_183 = arith.constant 256 : i32
      %mul3A_184 = arith.muli %add3A_182, %mul3A_183 : i32
      %dma_wait3A_185 = tpu.memref_slice %arg6[%mul3A_184] : memref<10000xi32, #tpu.memory_space<vmem>> -> memref<256xi32, #tpu.memory_space<vmem>>
      %dma_wait3A_186 = arith.constant 0 : i32
      %dma_wait3A_187 = arith.constant 0 : i32
      %dma_wait3A_188 = tpu.memref_slice %arg2[%dma_wait3A_186, %dma_wait3A_187] : memref<10000x32xf32, #tpu.memory_space<hbm>> -> memref<10000x32xf32, #tpu.memory_space<hbm>>
      tpu.wait_indirect_dma semaphore(%arg18 : memref<!tpu.dma_semaphore, #tpu.memory_space<semaphore_mem>>) src(%dma_wait3A_188 : memref<10000x32xf32, #tpu.memory_space<hbm>>) dst(%arg11 : memref<256x32xf32, #tpu.memory_space<vmem>>)
      %mul3A_189 = arith.constant 256 : i32
      %mul3A_190 = arith.muli %add3A_182, %mul3A_189 : i32
      "tpu.region"() ({
        %run_scoped3A_239 = tpu.sem_alloc : memref<!tpu.dma_semaphore, #tpu.memory_space<semaphore_mem>>
        %dma_start3A_240 = tpu.memref_slice %arg7[%mul3A_190] : memref<10000xi32, #tpu.memory_space<vmem>> -> memref<256xi32, #tpu.memory_space<vmem>>
        %dma_start3A_241 = arith.constant 0 : i32
        %dma_start3A_242 = arith.constant 0 : i32
        %dma_start3A_243 = tpu.memref_slice %arg14[%dma_start3A_241, %dma_start3A_242] : memref<10240x32xf32, #tpu.memory_space<vmem_shared>> -> memref<10240x32xf32, #tpu.memory_space<vmem_shared>>
        tpu.enqueue_indirect_dma source(%arg11 : memref<256x32xf32, #tpu.memory_space<vmem>>) target(%dma_start3A_243 : memref<10240x32xf32, #tpu.memory_space<vmem_shared>>) offsets(%dma_start3A_240 : memref<256xi32, #tpu.memory_space<vmem>>) semaphore(%run_scoped3A_239 : memref<!tpu.dma_semaphore, #tpu.memory_space<semaphore_mem>>) {add = true}
        %dma_wait3A_244 = tpu.memref_slice %arg7[%mul3A_190] : memref<10000xi32, #tpu.memory_space<vmem>> -> memref<256xi32, #tpu.memory_space<vmem>>
        %dma_wait3A_245 = arith.constant 0 : i32
        %dma_wait3A_246 = arith.constant 0 : i32
        %dma_wait3A_247 = tpu.memref_slice %arg14[%dma_wait3A_245, %dma_wait3A_246] : memref<10240x32xf32, #tpu.memory_space<vmem_shared>> -> memref<10240x32xf32, #tpu.memory_space<vmem_shared>>
        tpu.wait_indirect_dma semaphore(%run_scoped3A_239 : memref<!tpu.dma_semaphore, #tpu.memory_space<semaphore_mem>>) src(%arg11 : memref<256x32xf32, #tpu.memory_space<vmem>>) dst(%dma_wait3A_247 : memref<10240x32xf32, #tpu.memory_space<vmem_shared>>)
        tpu.yield
      }) : () -> ()
      %add3A_191 = arith.constant 6 : i32
      %add3A_192 = arith.addi %add3A_182, %add3A_191 : i32
      %mul3A_193 = arith.constant 256 : i32
      %mul3A_194 = arith.muli %add3A_192, %mul3A_193 : i32
      %dma_start3A_195 = tpu.memref_slice %arg6[%mul3A_194] : memref<10000xi32, #tpu.memory_space<vmem>> -> memref<256xi32, #tpu.memory_space<vmem>>
      %dma_start3A_196 = arith.constant 0 : i32
      %dma_start3A_197 = arith.constant 0 : i32
      %dma_start3A_198 = tpu.memref_slice %arg2[%dma_start3A_196, %dma_start3A_197] : memref<10000x32xf32, #tpu.memory_space<hbm>> -> memref<10000x32xf32, #tpu.memory_space<hbm>>
      tpu.enqueue_indirect_dma source(%dma_start3A_198 : memref<10000x32xf32, #tpu.memory_space<hbm>>) target(%arg11 : memref<256x32xf32, #tpu.memory_space<vmem>>) offsets(%dma_start3A_195 : memref<256xi32, #tpu.memory_space<vmem>>) semaphore(%arg18 : memref<!tpu.dma_semaphore, #tpu.memory_space<semaphore_mem>>)
      %mul3A_199 = arith.constant 6 : i32
      %mul3A_200 = arith.muli %mul3A_199, %scan3A_118 : i32
      %add3A_201 = arith.constant 4 : i32
      %add3A_202 = arith.addi %mul3A_200, %add3A_201 : i32
      %mul3A_203 = arith.constant 256 : i32
      %mul3A_204 = arith.muli %add3A_202, %mul3A_203 : i32
      %dma_wait3A_205 = tpu.memref_slice %arg6[%mul3A_204] : memref<10000xi32, #tpu.memory_space<vmem>> -> memref<256xi32, #tpu.memory_space<vmem>>
      %dma_wait3A_206 = arith.constant 0 : i32
      %dma_wait3A_207 = arith.constant 0 : i32
      %dma_wait3A_208 = tpu.memref_slice %arg2[%dma_wait3A_206, %dma_wait3A_207] : memref<10000x32xf32, #tpu.memory_space<hbm>> -> memref<10000x32xf32, #tpu.memory_space<hbm>>
      tpu.wait_indirect_dma semaphore(%arg19 : memref<!tpu.dma_semaphore, #tpu.memory_space<semaphore_mem>>) src(%dma_wait3A_208 : memref<10000x32xf32, #tpu.memory_space<hbm>>) dst(%arg12 : memref<256x32xf32, #tpu.memory_space<vmem>>)
      %mul3A_209 = arith.constant 256 : i32
      %mul3A_210 = arith.muli %add3A_202, %mul3A_209 : i32
      "tpu.region"() ({
        %run_scoped3A_239 = tpu.sem_alloc : memref<!tpu.dma_semaphore, #tpu.memory_space<semaphore_mem>>
        %dma_start3A_240 = tpu.memref_slice %arg7[%mul3A_210] : memref<10000xi32, #tpu.memory_space<vmem>> -> memref<256xi32, #tpu.memory_space<vmem>>
        %dma_start3A_241 = arith.constant 0 : i32
        %dma_start3A_242 = arith.constant 0 : i32
        %dma_start3A_243 = tpu.memref_slice %arg14[%dma_start3A_241, %dma_start3A_242] : memref<10240x32xf32, #tpu.memory_space<vmem_shared>> -> memref<10240x32xf32, #tpu.memory_space<vmem_shared>>
        tpu.enqueue_indirect_dma source(%arg12 : memref<256x32xf32, #tpu.memory_space<vmem>>) target(%dma_start3A_243 : memref<10240x32xf32, #tpu.memory_space<vmem_shared>>) offsets(%dma_start3A_240 : memref<256xi32, #tpu.memory_space<vmem>>) semaphore(%run_scoped3A_239 : memref<!tpu.dma_semaphore, #tpu.memory_space<semaphore_mem>>) {add = true}
        %dma_wait3A_244 = tpu.memref_slice %arg7[%mul3A_210] : memref<10000xi32, #tpu.memory_space<vmem>> -> memref<256xi32, #tpu.memory_space<vmem>>
        %dma_wait3A_245 = arith.constant 0 : i32
        %dma_wait3A_246 = arith.constant 0 : i32
        %dma_wait3A_247 = tpu.memref_slice %arg14[%dma_wait3A_245, %dma_wait3A_246] : memref<10240x32xf32, #tpu.memory_space<vmem_shared>> -> memref<10240x32xf32, #tpu.memory_space<vmem_shared>>
        tpu.wait_indirect_dma semaphore(%run_scoped3A_239 : memref<!tpu.dma_semaphore, #tpu.memory_space<semaphore_mem>>) src(%arg12 : memref<256x32xf32, #tpu.memory_space<vmem>>) dst(%dma_wait3A_247 : memref<10240x32xf32, #tpu.memory_space<vmem_shared>>)
        tpu.yield
      }) : () -> ()
      %add3A_211 = arith.constant 6 : i32
      %add3A_212 = arith.addi %add3A_202, %add3A_211 : i32
      %mul3A_213 = arith.constant 256 : i32
      %mul3A_214 = arith.muli %add3A_212, %mul3A_213 : i32
      %dma_start3A_215 = tpu.memref_slice %arg6[%mul3A_214] : memref<10000xi32, #tpu.memory_space<vmem>> -> memref<256xi32, #tpu.memory_space<vmem>>
      %dma_start3A_216 = arith.constant 0 : i32
      %dma_start3A_217 = arith.constant 0 : i32
      %dma_start3A_218 = tpu.memref_slice %arg2[%dma_start3A_216, %dma_start3A_217] : memref<10000x32xf32, #tpu.memory_space<hbm>> -> memref<10000x32xf32, #tpu.memory_space<hbm>>
      tpu.enqueue_indirect_dma source(%dma_start3A_218 : memref<10000x32xf32, #tpu.memory_space<hbm>>) target(%arg12 : memref<256x32xf32, #tpu.memory_space<vmem>>) offsets(%dma_start3A_215 : memref<256xi32, #tpu.memory_space<vmem>>) semaphore(%arg19 : memref<!tpu.dma_semaphore, #tpu.memory_space<semaphore_mem>>)
      %mul3A_219 = arith.constant 6 : i32
      %mul3A_220 = arith.muli %mul3A_219, %scan3A_118 : i32
      %add3A_221 = arith.constant 5 : i32
      %add3A_222 = arith.addi %mul3A_220, %add3A_221 : i32
      %mul3A_223 = arith.constant 256 : i32
      %mul3A_224 = arith.muli %add3A_222, %mul3A_223 : i32
      %dma_wait3A_225 = tpu.memref_slice %arg6[%mul3A_224] : memref<10000xi32, #tpu.memory_space<vmem>> -> memref<256xi32, #tpu.memory_space<vmem>>
      %dma_wait3A_226 = arith.constant 0 : i32
      %dma_wait3A_227 = arith.constant 0 : i32
      %dma_wait3A_228 = tpu.memref_slice %arg2[%dma_wait3A_226, %dma_wait3A_227] : memref<10000x32xf32, #tpu.memory_space<hbm>> -> memref<10000x32xf32, #tpu.memory_space<hbm>>
      tpu.wait_indirect_dma semaphore(%arg20 : memref<!tpu.dma_semaphore, #tpu.memory_space<semaphore_mem>>) src(%dma_wait3A_228 : memref<10000x32xf32, #tpu.memory_space<hbm>>) dst(%arg13 : memref<256x32xf32, #tpu.memory_space<vmem>>)
      %mul3A_229 = arith.constant 256 : i32
      %mul3A_230 = arith.muli %add3A_222, %mul3A_229 : i32
      "tpu.region"() ({
        %run_scoped3A_239 = tpu.sem_alloc : memref<!tpu.dma_semaphore, #tpu.memory_space<semaphore_mem>>
        %dma_start3A_240 = tpu.memref_slice %arg7[%mul3A_230] : memref<10000xi32, #tpu.memory_space<vmem>> -> memref<256xi32, #tpu.memory_space<vmem>>
        %dma_start3A_241 = arith.constant 0 : i32
        %dma_start3A_242 = arith.constant 0 : i32
        %dma_start3A_243 = tpu.memref_slice %arg14[%dma_start3A_241, %dma_start3A_242] : memref<10240x32xf32, #tpu.memory_space<vmem_shared>> -> memref<10240x32xf32, #tpu.memory_space<vmem_shared>>
        tpu.enqueue_indirect_dma source(%arg13 : memref<256x32xf32, #tpu.memory_space<vmem>>) target(%dma_start3A_243 : memref<10240x32xf32, #tpu.memory_space<vmem_shared>>) offsets(%dma_start3A_240 : memref<256xi32, #tpu.memory_space<vmem>>) semaphore(%run_scoped3A_239 : memref<!tpu.dma_semaphore, #tpu.memory_space<semaphore_mem>>) {add = true}
        %dma_wait3A_244 = tpu.memref_slice %arg7[%mul3A_230] : memref<10000xi32, #tpu.memory_space<vmem>> -> memref<256xi32, #tpu.memory_space<vmem>>
        %dma_wait3A_245 = arith.constant 0 : i32
        %dma_wait3A_246 = arith.constant 0 : i32
        %dma_wait3A_247 = tpu.memref_slice %arg14[%dma_wait3A_245, %dma_wait3A_246] : memref<10240x32xf32, #tpu.memory_space<vmem_shared>> -> memref<10240x32xf32, #tpu.memory_space<vmem_shared>>
        tpu.wait_indirect_dma semaphore(%run_scoped3A_239 : memref<!tpu.dma_semaphore, #tpu.memory_space<semaphore_mem>>) src(%arg13 : memref<256x32xf32, #tpu.memory_space<vmem>>) dst(%dma_wait3A_247 : memref<10240x32xf32, #tpu.memory_space<vmem_shared>>)
        tpu.yield
      }) : () -> ()
      %add3A_231 = arith.constant 6 : i32
      %add3A_232 = arith.addi %add3A_222, %add3A_231 : i32
      %mul3A_233 = arith.constant 256 : i32
      %mul3A_234 = arith.muli %add3A_232, %mul3A_233 : i32
      %dma_start3A_235 = tpu.memref_slice %arg6[%mul3A_234] : memref<10000xi32, #tpu.memory_space<vmem>> -> memref<256xi32, #tpu.memory_space<vmem>>
      %dma_start3A_236 = arith.constant 0 : i32
      %dma_start3A_237 = arith.constant 0 : i32
      %dma_start3A_238 = tpu.memref_slice %arg2[%dma_start3A_236, %dma_start3A_237] : memref<10000x32xf32, #tpu.memory_space<hbm>> -> memref<10000x32xf32, #tpu.memory_space<hbm>>
      tpu.enqueue_indirect_dma source(%dma_start3A_238 : memref<10000x32xf32, #tpu.memory_space<hbm>>) target(%arg13 : memref<256x32xf32, #tpu.memory_space<vmem>>) offsets(%dma_start3A_235 : memref<256xi32, #tpu.memory_space<vmem>>) semaphore(%arg20 : memref<!tpu.dma_semaphore, #tpu.memory_space<semaphore_mem>>)
    }
    %scan3A_41 = arith.constant 5 : i32
    %dma_wait3A = arith.constant 7680 : i32
    %dma_wait3A_42 = tpu.memref_slice %arg6[%dma_wait3A] : memref<10000xi32, #tpu.memory_space<vmem>> -> memref<256xi32, #tpu.memory_space<vmem>>
    %dma_wait3A_43 = arith.constant 0 : i32
    %dma_wait3A_44 = arith.constant 0 : i32
    %dma_wait3A_45 = tpu.memref_slice %arg2[%dma_wait3A_43, %dma_wait3A_44] : memref<10000x32xf32, #tpu.memory_space<hbm>> -> memref<10000x32xf32, #tpu.memory_space<hbm>>
    tpu.wait_indirect_dma semaphore(%arg15 : memref<!tpu.dma_semaphore, #tpu.memory_space<semaphore_mem>>) src(%dma_wait3A_45 : memref<10000x32xf32, #tpu.memory_space<hbm>>) dst(%arg8 : memref<256x32xf32, #tpu.memory_space<vmem>>)
    "tpu.region"() ({
      %run_scoped3A_118 = tpu.sem_alloc : memref<!tpu.dma_semaphore, #tpu.memory_space<semaphore_mem>>
      %dma_start3A_119 = arith.constant 7680 : i32
      %dma_start3A_120 = tpu.memref_slice %arg7[%dma_start3A_119] : memref<10000xi32, #tpu.memory_space<vmem>> -> memref<256xi32, #tpu.memory_space<vmem>>
      %dma_start3A_121 = arith.constant 0 : i32
      %dma_start3A_122 = arith.constant 0 : i32
      %dma_start3A_123 = tpu.memref_slice %arg14[%dma_start3A_121, %dma_start3A_122] : memref<10240x32xf32, #tpu.memory_space<vmem_shared>> -> memref<10240x32xf32, #tpu.memory_space<vmem_shared>>
      tpu.enqueue_indirect_dma source(%arg8 : memref<256x32xf32, #tpu.memory_space<vmem>>) target(%dma_start3A_123 : memref<10240x32xf32, #tpu.memory_space<vmem_shared>>) offsets(%dma_start3A_120 : memref<256xi32, #tpu.memory_space<vmem>>) semaphore(%run_scoped3A_118 : memref<!tpu.dma_semaphore, #tpu.memory_space<semaphore_mem>>) {add = true}
      %dma_wait3A_124 = arith.constant 7680 : i32
      %dma_wait3A_125 = tpu.memref_slice %arg7[%dma_wait3A_124] : memref<10000xi32, #tpu.memory_space<vmem>> -> memref<256xi32, #tpu.memory_space<vmem>>
      %dma_wait3A_126 = arith.constant 0 : i32
      %dma_wait3A_127 = arith.constant 0 : i32
      %dma_wait3A_128 = tpu.memref_slice %arg14[%dma_wait3A_126, %dma_wait3A_127] : memref<10240x32xf32, #tpu.memory_space<vmem_shared>> -> memref<10240x32xf32, #tpu.memory_space<vmem_shared>>
      tpu.wait_indirect_dma semaphore(%run_scoped3A_118 : memref<!tpu.dma_semaphore, #tpu.memory_space<semaphore_mem>>) src(%arg8 : memref<256x32xf32, #tpu.memory_space<vmem>>) dst(%dma_wait3A_128 : memref<10240x32xf32, #tpu.memory_space<vmem_shared>>)
      tpu.yield
    }) : () -> ()
    %dma_wait3A_46 = arith.constant 7936 : i32
    %dma_wait3A_47 = tpu.memref_slice %arg6[%dma_wait3A_46] : memref<10000xi32, #tpu.memory_space<vmem>> -> memref<256xi32, #tpu.memory_space<vmem>>
    %dma_wait3A_48 = arith.constant 0 : i32
    %dma_wait3A_49 = arith.constant 0 : i32
    %dma_wait3A_50 = tpu.memref_slice %arg2[%dma_wait3A_48, %dma_wait3A_49] : memref<10000x32xf32, #tpu.memory_space<hbm>> -> memref<10000x32xf32, #tpu.memory_space<hbm>>
    tpu.wait_indirect_dma semaphore(%arg16 : memref<!tpu.dma_semaphore, #tpu.memory_space<semaphore_mem>>) src(%dma_wait3A_50 : memref<10000x32xf32, #tpu.memory_space<hbm>>) dst(%arg9 : memref<256x32xf32, #tpu.memory_space<vmem>>)
    "tpu.region"() ({
      %run_scoped3A_118 = tpu.sem_alloc : memref<!tpu.dma_semaphore, #tpu.memory_space<semaphore_mem>>
      %dma_start3A_119 = arith.constant 7936 : i32
      %dma_start3A_120 = tpu.memref_slice %arg7[%dma_start3A_119] : memref<10000xi32, #tpu.memory_space<vmem>> -> memref<256xi32, #tpu.memory_space<vmem>>
      %dma_start3A_121 = arith.constant 0 : i32
      %dma_start3A_122 = arith.constant 0 : i32
      %dma_start3A_123 = tpu.memref_slice %arg14[%dma_start3A_121, %dma_start3A_122] : memref<10240x32xf32, #tpu.memory_space<vmem_shared>> -> memref<10240x32xf32, #tpu.memory_space<vmem_shared>>
      tpu.enqueue_indirect_dma source(%arg9 : memref<256x32xf32, #tpu.memory_space<vmem>>) target(%dma_start3A_123 : memref<10240x32xf32, #tpu.memory_space<vmem_shared>>) offsets(%dma_start3A_120 : memref<256xi32, #tpu.memory_space<vmem>>) semaphore(%run_scoped3A_118 : memref<!tpu.dma_semaphore, #tpu.memory_space<semaphore_mem>>) {add = true}
      %dma_wait3A_124 = arith.constant 7936 : i32
      %dma_wait3A_125 = tpu.memref_slice %arg7[%dma_wait3A_124] : memref<10000xi32, #tpu.memory_space<vmem>> -> memref<256xi32, #tpu.memory_space<vmem>>
      %dma_wait3A_126 = arith.constant 0 : i32
      %dma_wait3A_127 = arith.constant 0 : i32
      %dma_wait3A_128 = tpu.memref_slice %arg14[%dma_wait3A_126, %dma_wait3A_127] : memref<10240x32xf32, #tpu.memory_space<vmem_shared>> -> memref<10240x32xf32, #tpu.memory_space<vmem_shared>>
      tpu.wait_indirect_dma semaphore(%run_scoped3A_118 : memref<!tpu.dma_semaphore, #tpu.memory_space<semaphore_mem>>) src(%arg9 : memref<256x32xf32, #tpu.memory_space<vmem>>) dst(%dma_wait3A_128 : memref<10240x32xf32, #tpu.memory_space<vmem_shared>>)
      tpu.yield
    }) : () -> ()
    %dma_wait3A_51 = arith.constant 8192 : i32
    %dma_wait3A_52 = tpu.memref_slice %arg6[%dma_wait3A_51] : memref<10000xi32, #tpu.memory_space<vmem>> -> memref<256xi32, #tpu.memory_space<vmem>>
    %dma_wait3A_53 = arith.constant 0 : i32
    %dma_wait3A_54 = arith.constant 0 : i32
    %dma_wait3A_55 = tpu.memref_slice %arg2[%dma_wait3A_53, %dma_wait3A_54] : memref<10000x32xf32, #tpu.memory_space<hbm>> -> memref<10000x32xf32, #tpu.memory_space<hbm>>
    tpu.wait_indirect_dma semaphore(%arg17 : memref<!tpu.dma_semaphore, #tpu.memory_space<semaphore_mem>>) src(%dma_wait3A_55 : memref<10000x32xf32, #tpu.memory_space<hbm>>) dst(%arg10 : memref<256x32xf32, #tpu.memory_space<vmem>>)
    "tpu.region"() ({
      %run_scoped3A_118 = tpu.sem_alloc : memref<!tpu.dma_semaphore, #tpu.memory_space<semaphore_mem>>
      %dma_start3A_119 = arith.constant 8192 : i32
      %dma_start3A_120 = tpu.memref_slice %arg7[%dma_start3A_119] : memref<10000xi32, #tpu.memory_space<vmem>> -> memref<256xi32, #tpu.memory_space<vmem>>
      %dma_start3A_121 = arith.constant 0 : i32
      %dma_start3A_122 = arith.constant 0 : i32
      %dma_start3A_123 = tpu.memref_slice %arg14[%dma_start3A_121, %dma_start3A_122] : memref<10240x32xf32, #tpu.memory_space<vmem_shared>> -> memref<10240x32xf32, #tpu.memory_space<vmem_shared>>
      tpu.enqueue_indirect_dma source(%arg10 : memref<256x32xf32, #tpu.memory_space<vmem>>) target(%dma_start3A_123 : memref<10240x32xf32, #tpu.memory_space<vmem_shared>>) offsets(%dma_start3A_120 : memref<256xi32, #tpu.memory_space<vmem>>) semaphore(%run_scoped3A_118 : memref<!tpu.dma_semaphore, #tpu.memory_space<semaphore_mem>>) {add = true}
      %dma_wait3A_124 = arith.constant 8192 : i32
      %dma_wait3A_125 = tpu.memref_slice %arg7[%dma_wait3A_124] : memref<10000xi32, #tpu.memory_space<vmem>> -> memref<256xi32, #tpu.memory_space<vmem>>
      %dma_wait3A_126 = arith.constant 0 : i32
      %dma_wait3A_127 = arith.constant 0 : i32
      %dma_wait3A_128 = tpu.memref_slice %arg14[%dma_wait3A_126, %dma_wait3A_127] : memref<10240x32xf32, #tpu.memory_space<vmem_shared>> -> memref<10240x32xf32, #tpu.memory_space<vmem_shared>>
      tpu.wait_indirect_dma semaphore(%run_scoped3A_118 : memref<!tpu.dma_semaphore, #tpu.memory_space<semaphore_mem>>) src(%arg10 : memref<256x32xf32, #tpu.memory_space<vmem>>) dst(%dma_wait3A_128 : memref<10240x32xf32, #tpu.memory_space<vmem_shared>>)
      tpu.yield
    }) : () -> ()
    %dma_wait3A_56 = arith.constant 8448 : i32
    %dma_wait3A_57 = tpu.memref_slice %arg6[%dma_wait3A_56] : memref<10000xi32, #tpu.memory_space<vmem>> -> memref<256xi32, #tpu.memory_space<vmem>>
    %dma_wait3A_58 = arith.constant 0 : i32
    %dma_wait3A_59 = arith.constant 0 : i32
    %dma_wait3A_60 = tpu.memref_slice %arg2[%dma_wait3A_58, %dma_wait3A_59] : memref<10000x32xf32, #tpu.memory_space<hbm>> -> memref<10000x32xf32, #tpu.memory_space<hbm>>
    tpu.wait_indirect_dma semaphore(%arg18 : memref<!tpu.dma_semaphore, #tpu.memory_space<semaphore_mem>>) src(%dma_wait3A_60 : memref<10000x32xf32, #tpu.memory_space<hbm>>) dst(%arg11 : memref<256x32xf32, #tpu.memory_space<vmem>>)
    "tpu.region"() ({
      %run_scoped3A_118 = tpu.sem_alloc : memref<!tpu.dma_semaphore, #tpu.memory_space<semaphore_mem>>
      %dma_start3A_119 = arith.constant 8448 : i32
      %dma_start3A_120 = tpu.memref_slice %arg7[%dma_start3A_119] : memref<10000xi32, #tpu.memory_space<vmem>> -> memref<256xi32, #tpu.memory_space<vmem>>
      %dma_start3A_121 = arith.constant 0 : i32
      %dma_start3A_122 = arith.constant 0 : i32
      %dma_start3A_123 = tpu.memref_slice %arg14[%dma_start3A_121, %dma_start3A_122] : memref<10240x32xf32, #tpu.memory_space<vmem_shared>> -> memref<10240x32xf32, #tpu.memory_space<vmem_shared>>
      tpu.enqueue_indirect_dma source(%arg11 : memref<256x32xf32, #tpu.memory_space<vmem>>) target(%dma_start3A_123 : memref<10240x32xf32, #tpu.memory_space<vmem_shared>>) offsets(%dma_start3A_120 : memref<256xi32, #tpu.memory_space<vmem>>) semaphore(%run_scoped3A_118 : memref<!tpu.dma_semaphore, #tpu.memory_space<semaphore_mem>>) {add = true}
      %dma_wait3A_124 = arith.constant 8448 : i32
      %dma_wait3A_125 = tpu.memref_slice %arg7[%dma_wait3A_124] : memref<10000xi32, #tpu.memory_space<vmem>> -> memref<256xi32, #tpu.memory_space<vmem>>
      %dma_wait3A_126 = arith.constant 0 : i32
      %dma_wait3A_127 = arith.constant 0 : i32
      %dma_wait3A_128 = tpu.memref_slice %arg14[%dma_wait3A_126, %dma_wait3A_127] : memref<10240x32xf32, #tpu.memory_space<vmem_shared>> -> memref<10240x32xf32, #tpu.memory_space<vmem_shared>>
      tpu.wait_indirect_dma semaphore(%run_scoped3A_118 : memref<!tpu.dma_semaphore, #tpu.memory_space<semaphore_mem>>) src(%arg11 : memref<256x32xf32, #tpu.memory_space<vmem>>) dst(%dma_wait3A_128 : memref<10240x32xf32, #tpu.memory_space<vmem_shared>>)
      tpu.yield
    }) : () -> ()
    %dma_wait3A_61 = arith.constant 8704 : i32
    %dma_wait3A_62 = tpu.memref_slice %arg6[%dma_wait3A_61] : memref<10000xi32, #tpu.memory_space<vmem>> -> memref<256xi32, #tpu.memory_space<vmem>>
    %dma_wait3A_63 = arith.constant 0 : i32
    %dma_wait3A_64 = arith.constant 0 : i32
    %dma_wait3A_65 = tpu.memref_slice %arg2[%dma_wait3A_63, %dma_wait3A_64] : memref<10000x32xf32, #tpu.memory_space<hbm>> -> memref<10000x32xf32, #tpu.memory_space<hbm>>
    tpu.wait_indirect_dma semaphore(%arg19 : memref<!tpu.dma_semaphore, #tpu.memory_space<semaphore_mem>>) src(%dma_wait3A_65 : memref<10000x32xf32, #tpu.memory_space<hbm>>) dst(%arg12 : memref<256x32xf32, #tpu.memory_space<vmem>>)
    "tpu.region"() ({
      %run_scoped3A_118 = tpu.sem_alloc : memref<!tpu.dma_semaphore, #tpu.memory_space<semaphore_mem>>
      %dma_start3A_119 = arith.constant 8704 : i32
      %dma_start3A_120 = tpu.memref_slice %arg7[%dma_start3A_119] : memref<10000xi32, #tpu.memory_space<vmem>> -> memref<256xi32, #tpu.memory_space<vmem>>
      %dma_start3A_121 = arith.constant 0 : i32
      %dma_start3A_122 = arith.constant 0 : i32
      %dma_start3A_123 = tpu.memref_slice %arg14[%dma_start3A_121, %dma_start3A_122] : memref<10240x32xf32, #tpu.memory_space<vmem_shared>> -> memref<10240x32xf32, #tpu.memory_space<vmem_shared>>
      tpu.enqueue_indirect_dma source(%arg12 : memref<256x32xf32, #tpu.memory_space<vmem>>) target(%dma_start3A_123 : memref<10240x32xf32, #tpu.memory_space<vmem_shared>>) offsets(%dma_start3A_120 : memref<256xi32, #tpu.memory_space<vmem>>) semaphore(%run_scoped3A_118 : memref<!tpu.dma_semaphore, #tpu.memory_space<semaphore_mem>>) {add = true}
      %dma_wait3A_124 = arith.constant 8704 : i32
      %dma_wait3A_125 = tpu.memref_slice %arg7[%dma_wait3A_124] : memref<10000xi32, #tpu.memory_space<vmem>> -> memref<256xi32, #tpu.memory_space<vmem>>
      %dma_wait3A_126 = arith.constant 0 : i32
      %dma_wait3A_127 = arith.constant 0 : i32
      %dma_wait3A_128 = tpu.memref_slice %arg14[%dma_wait3A_126, %dma_wait3A_127] : memref<10240x32xf32, #tpu.memory_space<vmem_shared>> -> memref<10240x32xf32, #tpu.memory_space<vmem_shared>>
      tpu.wait_indirect_dma semaphore(%run_scoped3A_118 : memref<!tpu.dma_semaphore, #tpu.memory_space<semaphore_mem>>) src(%arg12 : memref<256x32xf32, #tpu.memory_space<vmem>>) dst(%dma_wait3A_128 : memref<10240x32xf32, #tpu.memory_space<vmem_shared>>)
      tpu.yield
    }) : () -> ()
    %dma_wait3A_66 = arith.constant 8960 : i32
    %dma_wait3A_67 = tpu.memref_slice %arg6[%dma_wait3A_66] : memref<10000xi32, #tpu.memory_space<vmem>> -> memref<256xi32, #tpu.memory_space<vmem>>
    %dma_wait3A_68 = arith.constant 0 : i32
    %dma_wait3A_69 = arith.constant 0 : i32
    %dma_wait3A_70 = tpu.memref_slice %arg2[%dma_wait3A_68, %dma_wait3A_69] : memref<10000x32xf32, #tpu.memory_space<hbm>> -> memref<10000x32xf32, #tpu.memory_space<hbm>>
    tpu.wait_indirect_dma semaphore(%arg20 : memref<!tpu.dma_semaphore, #tpu.memory_space<semaphore_mem>>) src(%dma_wait3A_70 : memref<10000x32xf32, #tpu.memory_space<hbm>>) dst(%arg13 : memref<256x32xf32, #tpu.memory_space<vmem>>)
    "tpu.region"() ({
      %run_scoped3A_118 = tpu.sem_alloc : memref<!tpu.dma_semaphore, #tpu.memory_space<semaphore_mem>>
      %dma_start3A_119 = arith.constant 8960 : i32
      %dma_start3A_120 = tpu.memref_slice %arg7[%dma_start3A_119] : memref<10000xi32, #tpu.memory_space<vmem>> -> memref<256xi32, #tpu.memory_space<vmem>>
      %dma_start3A_121 = arith.constant 0 : i32
      %dma_start3A_122 = arith.constant 0 : i32
      %dma_start3A_123 = tpu.memref_slice %arg14[%dma_start3A_121, %dma_start3A_122] : memref<10240x32xf32, #tpu.memory_space<vmem_shared>> -> memref<10240x32xf32, #tpu.memory_space<vmem_shared>>
      tpu.enqueue_indirect_dma source(%arg13 : memref<256x32xf32, #tpu.memory_space<vmem>>) target(%dma_start3A_123 : memref<10240x32xf32, #tpu.memory_space<vmem_shared>>) offsets(%dma_start3A_120 : memref<256xi32, #tpu.memory_space<vmem>>) semaphore(%run_scoped3A_118 : memref<!tpu.dma_semaphore, #tpu.memory_space<semaphore_mem>>) {add = true}
      %dma_wait3A_124 = arith.constant 8960 : i32
      %dma_wait3A_125 = tpu.memref_slice %arg7[%dma_wait3A_124] : memref<10000xi32, #tpu.memory_space<vmem>> -> memref<256xi32, #tpu.memory_space<vmem>>
      %dma_wait3A_126 = arith.constant 0 : i32
      %dma_wait3A_127 = arith.constant 0 : i32
      %dma_wait3A_128 = tpu.memref_slice %arg14[%dma_wait3A_126, %dma_wait3A_127] : memref<10240x32xf32, #tpu.memory_space<vmem_shared>> -> memref<10240x32xf32, #tpu.memory_space<vmem_shared>>
      tpu.wait_indirect_dma semaphore(%run_scoped3A_118 : memref<!tpu.dma_semaphore, #tpu.memory_space<semaphore_mem>>) src(%arg13 : memref<256x32xf32, #tpu.memory_space<vmem>>) dst(%dma_wait3A_128 : memref<10240x32xf32, #tpu.memory_space<vmem_shared>>)
      tpu.yield
    }) : () -> ()
    %dma_start3A_71 = arith.constant 9216 : i32
    %dma_start3A_72 = tpu.memref_slice %arg6[%dma_start3A_71] : memref<10000xi32, #tpu.memory_space<vmem>> -> memref<256xi32, #tpu.memory_space<vmem>>
    %dma_start3A_73 = arith.constant 0 : i32
    %dma_start3A_74 = arith.constant 0 : i32
    %dma_start3A_75 = tpu.memref_slice %arg2[%dma_start3A_73, %dma_start3A_74] : memref<10000x32xf32, #tpu.memory_space<hbm>> -> memref<10000x32xf32, #tpu.memory_space<hbm>>
    tpu.enqueue_indirect_dma source(%dma_start3A_75 : memref<10000x32xf32, #tpu.memory_space<hbm>>) target(%arg8 : memref<256x32xf32, #tpu.memory_space<vmem>>) offsets(%dma_start3A_72 : memref<256xi32, #tpu.memory_space<vmem>>) semaphore(%arg15 : memref<!tpu.dma_semaphore, #tpu.memory_space<semaphore_mem>>)
    %dma_wait3A_76 = arith.constant 9216 : i32
    %dma_wait3A_77 = tpu.memref_slice %arg6[%dma_wait3A_76] : memref<10000xi32, #tpu.memory_space<vmem>> -> memref<256xi32, #tpu.memory_space<vmem>>
    %dma_wait3A_78 = arith.constant 0 : i32
    %dma_wait3A_79 = arith.constant 0 : i32
    %dma_wait3A_80 = tpu.memref_slice %arg2[%dma_wait3A_78, %dma_wait3A_79] : memref<10000x32xf32, #tpu.memory_space<hbm>> -> memref<10000x32xf32, #tpu.memory_space<hbm>>
    tpu.wait_indirect_dma semaphore(%arg15 : memref<!tpu.dma_semaphore, #tpu.memory_space<semaphore_mem>>) src(%dma_wait3A_80 : memref<10000x32xf32, #tpu.memory_space<hbm>>) dst(%arg8 : memref<256x32xf32, #tpu.memory_space<vmem>>)
    "tpu.region"() ({
      %run_scoped3A_118 = tpu.sem_alloc : memref<!tpu.dma_semaphore, #tpu.memory_space<semaphore_mem>>
      %dma_start3A_119 = arith.constant 9216 : i32
      %dma_start3A_120 = tpu.memref_slice %arg7[%dma_start3A_119] : memref<10000xi32, #tpu.memory_space<vmem>> -> memref<256xi32, #tpu.memory_space<vmem>>
      %dma_start3A_121 = arith.constant 0 : i32
      %dma_start3A_122 = arith.constant 0 : i32
      %dma_start3A_123 = tpu.memref_slice %arg14[%dma_start3A_121, %dma_start3A_122] : memref<10240x32xf32, #tpu.memory_space<vmem_shared>> -> memref<10240x32xf32, #tpu.memory_space<vmem_shared>>
      tpu.enqueue_indirect_dma source(%arg8 : memref<256x32xf32, #tpu.memory_space<vmem>>) target(%dma_start3A_123 : memref<10240x32xf32, #tpu.memory_space<vmem_shared>>) offsets(%dma_start3A_120 : memref<256xi32, #tpu.memory_space<vmem>>) semaphore(%run_scoped3A_118 : memref<!tpu.dma_semaphore, #tpu.memory_space<semaphore_mem>>) {add = true}
      %dma_wait3A_124 = arith.constant 9216 : i32
      %dma_wait3A_125 = tpu.memref_slice %arg7[%dma_wait3A_124] : memref<10000xi32, #tpu.memory_space<vmem>> -> memref<256xi32, #tpu.memory_space<vmem>>
      %dma_wait3A_126 = arith.constant 0 : i32
      %dma_wait3A_127 = arith.constant 0 : i32
      %dma_wait3A_128 = tpu.memref_slice %arg14[%dma_wait3A_126, %dma_wait3A_127] : memref<10240x32xf32, #tpu.memory_space<vmem_shared>> -> memref<10240x32xf32, #tpu.memory_space<vmem_shared>>
      tpu.wait_indirect_dma semaphore(%run_scoped3A_118 : memref<!tpu.dma_semaphore, #tpu.memory_space<semaphore_mem>>) src(%arg8 : memref<256x32xf32, #tpu.memory_space<vmem>>) dst(%dma_wait3A_128 : memref<10240x32xf32, #tpu.memory_space<vmem_shared>>)
      tpu.yield
    }) : () -> ()
    %dma_start3A_81 = arith.constant 9472 : i32
    %dma_start3A_82 = tpu.memref_slice %arg6[%dma_start3A_81] : memref<10000xi32, #tpu.memory_space<vmem>> -> memref<256xi32, #tpu.memory_space<vmem>>
    %dma_start3A_83 = arith.constant 0 : i32
    %dma_start3A_84 = arith.constant 0 : i32
    %dma_start3A_85 = tpu.memref_slice %arg2[%dma_start3A_83, %dma_start3A_84] : memref<10000x32xf32, #tpu.memory_space<hbm>> -> memref<10000x32xf32, #tpu.memory_space<hbm>>
    tpu.enqueue_indirect_dma source(%dma_start3A_85 : memref<10000x32xf32, #tpu.memory_space<hbm>>) target(%arg8 : memref<256x32xf32, #tpu.memory_space<vmem>>) offsets(%dma_start3A_82 : memref<256xi32, #tpu.memory_space<vmem>>) semaphore(%arg15 : memref<!tpu.dma_semaphore, #tpu.memory_space<semaphore_mem>>)
    %dma_wait3A_86 = arith.constant 9472 : i32
    %dma_wait3A_87 = tpu.memref_slice %arg6[%dma_wait3A_86] : memref<10000xi32, #tpu.memory_space<vmem>> -> memref<256xi32, #tpu.memory_space<vmem>>
    %dma_wait3A_88 = arith.constant 0 : i32
    %dma_wait3A_89 = arith.constant 0 : i32
    %dma_wait3A_90 = tpu.memref_slice %arg2[%dma_wait3A_88, %dma_wait3A_89] : memref<10000x32xf32, #tpu.memory_space<hbm>> -> memref<10000x32xf32, #tpu.memory_space<hbm>>
    tpu.wait_indirect_dma semaphore(%arg15 : memref<!tpu.dma_semaphore, #tpu.memory_space<semaphore_mem>>) src(%dma_wait3A_90 : memref<10000x32xf32, #tpu.memory_space<hbm>>) dst(%arg8 : memref<256x32xf32, #tpu.memory_space<vmem>>)
    "tpu.region"() ({
      %run_scoped3A_118 = tpu.sem_alloc : memref<!tpu.dma_semaphore, #tpu.memory_space<semaphore_mem>>
      %dma_start3A_119 = arith.constant 9472 : i32
      %dma_start3A_120 = tpu.memref_slice %arg7[%dma_start3A_119] : memref<10000xi32, #tpu.memory_space<vmem>> -> memref<256xi32, #tpu.memory_space<vmem>>
      %dma_start3A_121 = arith.constant 0 : i32
      %dma_start3A_122 = arith.constant 0 : i32
      %dma_start3A_123 = tpu.memref_slice %arg14[%dma_start3A_121, %dma_start3A_122] : memref<10240x32xf32, #tpu.memory_space<vmem_shared>> -> memref<10240x32xf32, #tpu.memory_space<vmem_shared>>
      tpu.enqueue_indirect_dma source(%arg8 : memref<256x32xf32, #tpu.memory_space<vmem>>) target(%dma_start3A_123 : memref<10240x32xf32, #tpu.memory_space<vmem_shared>>) offsets(%dma_start3A_120 : memref<256xi32, #tpu.memory_space<vmem>>) semaphore(%run_scoped3A_118 : memref<!tpu.dma_semaphore, #tpu.memory_space<semaphore_mem>>) {add = true}
      %dma_wait3A_124 = arith.constant 9472 : i32
      %dma_wait3A_125 = tpu.memref_slice %arg7[%dma_wait3A_124] : memref<10000xi32, #tpu.memory_space<vmem>> -> memref<256xi32, #tpu.memory_space<vmem>>
      %dma_wait3A_126 = arith.constant 0 : i32
      %dma_wait3A_127 = arith.constant 0 : i32
      %dma_wait3A_128 = tpu.memref_slice %arg14[%dma_wait3A_126, %dma_wait3A_127] : memref<10240x32xf32, #tpu.memory_space<vmem_shared>> -> memref<10240x32xf32, #tpu.memory_space<vmem_shared>>
      tpu.wait_indirect_dma semaphore(%run_scoped3A_118 : memref<!tpu.dma_semaphore, #tpu.memory_space<semaphore_mem>>) src(%arg8 : memref<256x32xf32, #tpu.memory_space<vmem>>) dst(%dma_wait3A_128 : memref<10240x32xf32, #tpu.memory_space<vmem_shared>>)
      tpu.yield
    }) : () -> ()
    %dma_start3A_91 = arith.constant 9728 : i32
    %dma_start3A_92 = tpu.memref_slice %arg6[%dma_start3A_91] : memref<10000xi32, #tpu.memory_space<vmem>> -> memref<256xi32, #tpu.memory_space<vmem>>
    %dma_start3A_93 = arith.constant 0 : i32
    %dma_start3A_94 = arith.constant 0 : i32
    %dma_start3A_95 = tpu.memref_slice %arg2[%dma_start3A_93, %dma_start3A_94] : memref<10000x32xf32, #tpu.memory_space<hbm>> -> memref<10000x32xf32, #tpu.memory_space<hbm>>
    tpu.enqueue_indirect_dma source(%dma_start3A_95 : memref<10000x32xf32, #tpu.memory_space<hbm>>) target(%arg8 : memref<256x32xf32, #tpu.memory_space<vmem>>) offsets(%dma_start3A_92 : memref<256xi32, #tpu.memory_space<vmem>>) semaphore(%arg15 : memref<!tpu.dma_semaphore, #tpu.memory_space<semaphore_mem>>)
    %dma_wait3A_96 = arith.constant 9728 : i32
    %dma_wait3A_97 = tpu.memref_slice %arg6[%dma_wait3A_96] : memref<10000xi32, #tpu.memory_space<vmem>> -> memref<256xi32, #tpu.memory_space<vmem>>
    %dma_wait3A_98 = arith.constant 0 : i32
    %dma_wait3A_99 = arith.constant 0 : i32
    %dma_wait3A_100 = tpu.memref_slice %arg2[%dma_wait3A_98, %dma_wait3A_99] : memref<10000x32xf32, #tpu.memory_space<hbm>> -> memref<10000x32xf32, #tpu.memory_space<hbm>>
    tpu.wait_indirect_dma semaphore(%arg15 : memref<!tpu.dma_semaphore, #tpu.memory_space<semaphore_mem>>) src(%dma_wait3A_100 : memref<10000x32xf32, #tpu.memory_space<hbm>>) dst(%arg8 : memref<256x32xf32, #tpu.memory_space<vmem>>)
    "tpu.region"() ({
      %run_scoped3A_118 = tpu.sem_alloc : memref<!tpu.dma_semaphore, #tpu.memory_space<semaphore_mem>>
      %dma_start3A_119 = arith.constant 9728 : i32
      %dma_start3A_120 = tpu.memref_slice %arg7[%dma_start3A_119] : memref<10000xi32, #tpu.memory_space<vmem>> -> memref<256xi32, #tpu.memory_space<vmem>>
      %dma_start3A_121 = arith.constant 0 : i32
      %dma_start3A_122 = arith.constant 0 : i32
      %dma_start3A_123 = tpu.memref_slice %arg14[%dma_start3A_121, %dma_start3A_122] : memref<10240x32xf32, #tpu.memory_space<vmem_shared>> -> memref<10240x32xf32, #tpu.memory_space<vmem_shared>>
      tpu.enqueue_indirect_dma source(%arg8 : memref<256x32xf32, #tpu.memory_space<vmem>>) target(%dma_start3A_123 : memref<10240x32xf32, #tpu.memory_space<vmem_shared>>) offsets(%dma_start3A_120 : memref<256xi32, #tpu.memory_space<vmem>>) semaphore(%run_scoped3A_118 : memref<!tpu.dma_semaphore, #tpu.memory_space<semaphore_mem>>) {add = true}
      %dma_wait3A_124 = arith.constant 9728 : i32
      %dma_wait3A_125 = tpu.memref_slice %arg7[%dma_wait3A_124] : memref<10000xi32, #tpu.memory_space<vmem>> -> memref<256xi32, #tpu.memory_space<vmem>>
      %dma_wait3A_126 = arith.constant 0 : i32
      %dma_wait3A_127 = arith.constant 0 : i32
      %dma_wait3A_128 = tpu.memref_slice %arg14[%dma_wait3A_126, %dma_wait3A_127] : memref<10240x32xf32, #tpu.memory_space<vmem_shared>> -> memref<10240x32xf32, #tpu.memory_space<vmem_shared>>
      tpu.wait_indirect_dma semaphore(%run_scoped3A_118 : memref<!tpu.dma_semaphore, #tpu.memory_space<semaphore_mem>>) src(%arg8 : memref<256x32xf32, #tpu.memory_space<vmem>>) dst(%dma_wait3A_128 : memref<10240x32xf32, #tpu.memory_space<vmem_shared>>)
      tpu.yield
    }) : () -> ()
    %dma_start3A_101 = arith.constant 0 : i32
    %dma_start3A_102 = arith.constant 0 : i32
    %dma_start3A_103 = tpu.memref_slice %arg8[%dma_start3A_101, %dma_start3A_102] : memref<256x32xf32, #tpu.memory_space<vmem>> -> memref<16x32xf32, #tpu.memory_space<vmem>>
    %dma_start3A_104 = arith.constant 9984 : i32
    %dma_start3A_105 = tpu.memref_slice %arg6[%dma_start3A_104] : memref<10000xi32, #tpu.memory_space<vmem>> -> memref<16xi32, #tpu.memory_space<vmem>>
    %dma_start3A_106 = arith.constant 0 : i32
    %dma_start3A_107 = arith.constant 0 : i32
    %dma_start3A_108 = tpu.memref_slice %arg2[%dma_start3A_106, %dma_start3A_107] : memref<10000x32xf32, #tpu.memory_space<hbm>> -> memref<10000x32xf32, #tpu.memory_space<hbm>>
    tpu.enqueue_indirect_dma source(%dma_start3A_108 : memref<10000x32xf32, #tpu.memory_space<hbm>>) target(%dma_start3A_103 : memref<16x32xf32, #tpu.memory_space<vmem>>) offsets(%dma_start3A_105 : memref<16xi32, #tpu.memory_space<vmem>>) semaphore(%arg15 : memref<!tpu.dma_semaphore, #tpu.memory_space<semaphore_mem>>)
    %dma_wait3A_109 = arith.constant 0 : i32
    %dma_wait3A_110 = arith.constant 0 : i32
    %dma_wait3A_111 = tpu.memref_slice %arg8[%dma_wait3A_109, %dma_wait3A_110] : memref<256x32xf32, #tpu.memory_space<vmem>> -> memref<16x32xf32, #tpu.memory_space<vmem>>
    %dma_wait3A_112 = arith.constant 9984 : i32
    %dma_wait3A_113 = tpu.memref_slice %arg6[%dma_wait3A_112] : memref<10000xi32, #tpu.memory_space<vmem>> -> memref<16xi32, #tpu.memory_space<vmem>>
    %dma_wait3A_114 = arith.constant 0 : i32
    %dma_wait3A_115 = arith.constant 0 : i32
    %dma_wait3A_116 = tpu.memref_slice %arg2[%dma_wait3A_114, %dma_wait3A_115] : memref<10000x32xf32, #tpu.memory_space<hbm>> -> memref<10000x32xf32, #tpu.memory_space<hbm>>
    tpu.wait_indirect_dma semaphore(%arg15 : memref<!tpu.dma_semaphore, #tpu.memory_space<semaphore_mem>>) src(%dma_wait3A_116 : memref<10000x32xf32, #tpu.memory_space<hbm>>) dst(%dma_wait3A_111 : memref<16x32xf32, #tpu.memory_space<vmem>>)
    "tpu.region"() ({
      %run_scoped3A_118 = tpu.sem_alloc : memref<!tpu.dma_semaphore, #tpu.memory_space<semaphore_mem>>
      %dma_start3A_119 = arith.constant 0 : i32
      %dma_start3A_120 = arith.constant 0 : i32
      %dma_start3A_121 = tpu.memref_slice %arg8[%dma_start3A_119, %dma_start3A_120] : memref<256x32xf32, #tpu.memory_space<vmem>> -> memref<16x32xf32, #tpu.memory_space<vmem>>
      %dma_start3A_122 = arith.constant 9984 : i32
      %dma_start3A_123 = tpu.memref_slice %arg7[%dma_start3A_122] : memref<10000xi32, #tpu.memory_space<vmem>> -> memref<16xi32, #tpu.memory_space<vmem>>
      %dma_start3A_124 = arith.constant 0 : i32
      %dma_start3A_125 = arith.constant 0 : i32
      %dma_start3A_126 = tpu.memref_slice %arg14[%dma_start3A_124, %dma_start3A_125] : memref<10240x32xf32, #tpu.memory_space<vmem_shared>> -> memref<10240x32xf32, #tpu.memory_space<vmem_shared>>
      tpu.enqueue_indirect_dma source(%dma_start3A_121 : memref<16x32xf32, #tpu.memory_space<vmem>>) target(%dma_start3A_126 : memref<10240x32xf32, #tpu.memory_space<vmem_shared>>) offsets(%dma_start3A_123 : memref<16xi32, #tpu.memory_space<vmem>>) semaphore(%run_scoped3A_118 : memref<!tpu.dma_semaphore, #tpu.memory_space<semaphore_mem>>) {add = true}
      %dma_wait3A_127 = arith.constant 0 : i32
      %dma_wait3A_128 = arith.constant 0 : i32
      %dma_wait3A_129 = tpu.memref_slice %arg8[%dma_wait3A_127, %dma_wait3A_128] : memref<256x32xf32, #tpu.memory_space<vmem>> -> memref<16x32xf32, #tpu.memory_space<vmem>>
      %dma_wait3A_130 = arith.constant 9984 : i32
      %dma_wait3A_131 = tpu.memref_slice %arg7[%dma_wait3A_130] : memref<10000xi32, #tpu.memory_space<vmem>> -> memref<16xi32, #tpu.memory_space<vmem>>
      %dma_wait3A_132 = arith.constant 0 : i32
      %dma_wait3A_133 = arith.constant 0 : i32
      %dma_wait3A_134 = tpu.memref_slice %arg14[%dma_wait3A_132, %dma_wait3A_133] : memref<10240x32xf32, #tpu.memory_space<vmem_shared>> -> memref<10240x32xf32, #tpu.memory_space<vmem_shared>>
      tpu.wait_indirect_dma semaphore(%run_scoped3A_118 : memref<!tpu.dma_semaphore, #tpu.memory_space<semaphore_mem>>) src(%dma_wait3A_129 : memref<16x32xf32, #tpu.memory_space<vmem>>) dst(%dma_wait3A_134 : memref<10240x32xf32, #tpu.memory_space<vmem_shared>>)
      tpu.yield
    }) : () -> ()
    %barrier3A_117 = arith.constant 0 : index
    tpu.barrier barrier_id(%barrier3A_117)
    "tpu.region"() ({
      %run_scoped3A_118 = tpu.sem_alloc : memref<!tpu.dma_semaphore, #tpu.memory_space<semaphore_mem>>
      %dma_start3A_119 = arith.constant 0 : i32
      %dma_start3A_120 = tpu.memref_slice %arg5[%arg0, %mul3A_2, %dma_start3A_119] : memref<2x10240x32xf32, #tpu.memory_space<hbm>> -> memref<1x640x32xf32, #tpu.memory_space<hbm>>
      %dma_start3A_121 = tpu.memref_squeeze %dma_start3A_120 : memref<1x640x32xf32, #tpu.memory_space<hbm>> -> memref<640x32xf32, #tpu.memory_space<hbm>>
      %dma_start3A_122 = arith.constant 0 : i32
      %dma_start3A_123 = tpu.memref_slice %arg14[%mul3A_2, %dma_start3A_122] : memref<10240x32xf32, #tpu.memory_space<vmem_shared>> -> memref<640x32xf32, #tpu.memory_space<vmem_shared>>
      tpu.enqueue_dma source(%dma_start3A_123 : memref<640x32xf32, #tpu.memory_space<vmem_shared>>) target(%dma_start3A_121 : memref<640x32xf32, #tpu.memory_space<hbm>>) target_semaphore(%run_scoped3A_118 : memref<!tpu.dma_semaphore, #tpu.memory_space<semaphore_mem>>)
      %dma_wait3A_124 = arith.constant 0 : i32
      %dma_wait3A_125 = tpu.memref_slice %arg5[%arg0, %mul3A_2, %dma_wait3A_124] : memref<2x10240x32xf32, #tpu.memory_space<hbm>> -> memref<1x640x32xf32, #tpu.memory_space<hbm>>
      %dma_wait3A_126 = tpu.memref_squeeze %dma_wait3A_125 : memref<1x640x32xf32, #tpu.memory_space<hbm>> -> memref<640x32xf32, #tpu.memory_space<hbm>>
      %dma_wait3A_127 = arith.constant 0 : i32
      %dma_wait3A_128 = tpu.memref_slice %arg14[%mul3A_2, %dma_wait3A_127] : memref<10240x32xf32, #tpu.memory_space<vmem_shared>> -> memref<640x32xf32, #tpu.memory_space<vmem_shared>>
      tpu.wait_dma2 semaphore(%run_scoped3A_118 : memref<!tpu.dma_semaphore, #tpu.memory_space<semaphore_mem>>) src(%dma_wait3A_128 : memref<640x32xf32, #tpu.memory_space<vmem_shared>>) dst(%dma_wait3A_126 : memref<640x32xf32, #tpu.memory_space<hbm>>)
      tpu.yield
    }) : () -> ()
    return
  }
}

module attributes {stable_mosaic.version = 14 : i64} {
  func.func @_tc1_body(%arg0: i32, %arg1: memref<2000x128xf32, #tpu.memory_space<vmem>>, %arg2: memref<128x16xf32, #tpu.memory_space<vmem>>, %arg3: memref<2000x2xf32, #tpu.memory_space<vmem>>, %arg4: memref<2000x16xf32, #tpu.memory_space<vmem>>, %arg5: memref<2000x1xf32, #tpu.memory_space<vmem>>) attributes {dimension_semantics = [#tpu.dimension_semantics<arbitrary>], iteration_bounds = array<i64: 5>, scalar_prefetch = 0 : i64, scratch_operands = 0 : i64, tpu.core_type = #tpu.core_type<tc>, window_params = [{transform_indices = @transform_0, window_bounds = array<i64: 2000, 128>}, {pipeline_mode = #tpu.pipeline_mode<synchronous>, transform_indices = @transform_1, window_bounds = array<i64: 128, 16>}, {transform_indices = @transform_2, window_bounds = array<i64: 2000, 2>}, {transform_indices = @transform_3, window_bounds = array<i64: 2000, 16>}, {transform_indices = @transform_4, window_bounds = array<i64: 2000, 1>}]} {
    %get3A = arith.constant 0 : index
    %get3A_0 = arith.constant 0 : index
    %get3A_1 = vector.load %arg3[%get3A, %get3A_0] : memref<2000x2xf32, #tpu.memory_space<vmem>>, vector<2000x1xf32>
    %get3A_2 = arith.constant 0 : index
    %get3A_3 = arith.constant 1 : index
    %get3A_4 = vector.load %arg3[%get3A_2, %get3A_3] : memref<2000x2xf32, #tpu.memory_space<vmem>>, vector<2000x1xf32>
    %add3A = arith.addf %get3A_1, %get3A_4 : vector<2000x1xf32>
    %add3A_5 = arith.constant 1.000000e+00 : f32
    %add3A_6 = vector.broadcast %add3A_5 : f32 to vector<2000x1xf32>
    %add3A_7 = arith.addf %add3A, %add3A_6 : vector<2000x1xf32>
    %jit3A = arith.constant 1.000000e+00 : f32
    %max3A = vector.broadcast %jit3A : f32 to vector<2000x1xf32>
    %max3A_8 = arith.maximumf %max3A, %add3A_7 : vector<2000x1xf32>
    %rsqrt3A = math.rsqrt %max3A_8 : vector<2000x1xf32>
    %get3A_9 = arith.constant 0 : index
    %get3A_10 = arith.constant 0 : index
    %get3A_11 = vector.load %arg1[%get3A_9, %get3A_10] : memref<2000x128xf32, #tpu.memory_space<vmem>>, vector<2000x128xf32>
    %get3A_12 = arith.constant 0 : index
    %get3A_13 = arith.constant 0 : index
    %get3A_14 = vector.load %arg2[%get3A_12, %get3A_13] : memref<128x16xf32, #tpu.memory_space<vmem>>, vector<128x16xf32>
    %dot_general3A = arith.constant dense<0.000000e+00> : vector<2000x16xf32>
    %dot_general3A_15 = tpu.matmul %get3A_11, %get3A_14, %dot_general3A {dimension_numbers = #tpu.dot_dimension_numbers<[1], [0], [0], [1], [0, 0, 1, 1], [], []>, transpose_lhs_hint = false} : vector<2000x128xf32>, vector<128x16xf32>, vector<2000x16xf32> -> vector<2000x16xf32>
    %mul3A = vector.broadcast %rsqrt3A : vector<2000x1xf32> to vector<2000x16xf32>
    %mul3A_16 = arith.mulf %dot_general3A_15, %mul3A : vector<2000x16xf32>
    %swap3A = arith.constant 0 : index
    %swap3A_17 = arith.constant 0 : index
    %swap3A_18 = vector.load %arg4[%swap3A, %swap3A_17] : memref<2000x16xf32, #tpu.memory_space<vmem>>, vector<2000x16xf32>
    tpu.vector_store %arg4[%swap3A, %swap3A_17], %mul3A_16 {strides = array<i32>} : memref<2000x16xf32, #tpu.memory_space<vmem>>, vector<2000x16xf32>,
    %swap3A_19 = arith.constant 0 : index
    %swap3A_20 = arith.constant 0 : index
    %swap3A_21 = vector.load %arg5[%swap3A_19, %swap3A_20] : memref<2000x1xf32, #tpu.memory_space<vmem>>, vector<2000x1xf32>
    tpu.vector_store %arg5[%swap3A_19, %swap3A_20], %rsqrt3A {strides = array<i32>} : memref<2000x1xf32, #tpu.memory_space<vmem>>, vector<2000x1xf32>,
    return
  }
  func.func @transform_0(%arg0: i32) -> (i32, i32) {
    %c0_i32 = arith.constant 0 : i32
    %c0_i32_0 = arith.constant 0 : i32
    return %arg0, %c0_i32 : i32, i32
  }
  func.func @transform_1(%arg0: i32) -> (i32, i32) {
    %c0_i32 = arith.constant 0 : i32
    %c0_i32_0 = arith.constant 0 : i32
    %c0_i32_1 = arith.constant 0 : i32
    return %c0_i32, %c0_i32_0 : i32, i32
  }
  func.func @transform_2(%arg0: i32) -> (i32, i32) {
    %c0_i32 = arith.constant 0 : i32
    %c0_i32_0 = arith.constant 0 : i32
    return %arg0, %c0_i32 : i32, i32
  }
  func.func @transform_3(%arg0: i32) -> (i32, i32) {
    %c0_i32 = arith.constant 0 : i32
    %c0_i32_0 = arith.constant 0 : i32
    return %arg0, %c0_i32 : i32, i32
  }
  func.func @transform_4(%arg0: i32) -> (i32, i32) {
    %c0_i32 = arith.constant 0 : i32
    %c0_i32_0 = arith.constant 0 : i32
    return %arg0, %c0_i32 : i32, i32
  }
}

module attributes {stable_mosaic.version = 14 : i64} {
  func.func @_tc2_body(%arg0: i32, %arg1: memref<2x2000x16xf32, #tpu.memory_space<vmem>>, %arg2: memref<2000x16xf32, #tpu.memory_space<vmem>>, %arg3: memref<2000x1xf32, #tpu.memory_space<vmem>>, %arg4: memref<1x16xf32, #tpu.memory_space<vmem>>, %arg5: memref<16x32xf32, #tpu.memory_space<vmem>>, %arg6: memref<2000x32xf32, #tpu.memory_space<vmem>>) attributes {dimension_semantics = [#tpu.dimension_semantics<arbitrary>], iteration_bounds = array<i64: 5>, scalar_prefetch = 0 : i64, scratch_operands = 0 : i64, tpu.core_type = #tpu.core_type<tc>, window_params = [{transform_indices = @transform_0, window_bounds = array<i64: 2, 2000, 16>}, {transform_indices = @transform_1, window_bounds = array<i64: 2000, 16>}, {transform_indices = @transform_2, window_bounds = array<i64: 2000, 1>}, {pipeline_mode = #tpu.pipeline_mode<synchronous>, transform_indices = @transform_3, window_bounds = array<i64: 1, 16>}, {pipeline_mode = #tpu.pipeline_mode<synchronous>, transform_indices = @transform_4, window_bounds = array<i64: 16, 32>}, {transform_indices = @transform_5, window_bounds = array<i64: 2000, 32>}]} {
    %get3A = arith.constant 0 : index
    %get3A_0 = arith.constant 0 : index
    %get3A_1 = vector.load %arg3[%get3A, %get3A_0] : memref<2000x1xf32, #tpu.memory_space<vmem>>, vector<2000x1xf32>
    %get3A_2 = arith.constant 0 : index
    %get3A_3 = arith.constant 0 : index
    %get3A_4 = arith.constant 0 : index
    %get3A_5 = vector.load %arg1[%get3A_2, %get3A_3, %get3A_4] : memref<2x2000x16xf32, #tpu.memory_space<vmem>>, vector<1x2000x16xf32>
    %get3A_6 = vector.shape_cast %get3A_5 : vector<1x2000x16xf32> to vector<2000x16xf32>
    %get3A_7 = arith.constant 1 : index
    %get3A_8 = arith.constant 0 : index
    %get3A_9 = arith.constant 0 : index
    %get3A_10 = vector.load %arg1[%get3A_7, %get3A_8, %get3A_9] : memref<2x2000x16xf32, #tpu.memory_space<vmem>>, vector<1x2000x16xf32>
    %get3A_11 = vector.shape_cast %get3A_10 : vector<1x2000x16xf32> to vector<2000x16xf32>
    %add3A = arith.addf %get3A_6, %get3A_11 : vector<2000x16xf32>
    %get3A_12 = arith.constant 0 : index
    %get3A_13 = arith.constant 0 : index
    %get3A_14 = vector.load %arg2[%get3A_12, %get3A_13] : memref<2000x16xf32, #tpu.memory_space<vmem>>, vector<2000x16xf32>
    %add3A_15 = arith.addf %add3A, %get3A_14 : vector<2000x16xf32>
    %mul3A = vector.broadcast %get3A_1 : vector<2000x1xf32> to vector<2000x16xf32>
    %mul3A_16 = arith.mulf %add3A_15, %mul3A : vector<2000x16xf32>
    %get3A_17 = arith.constant 0 : index
    %get3A_18 = arith.constant 0 : index
    %get3A_19 = vector.load %arg4[%get3A_17, %get3A_18] : memref<1x16xf32, #tpu.memory_space<vmem>>, vector<1x16xf32>
    %add3A_20 = vector.broadcast %get3A_19 : vector<1x16xf32> to vector<2000x16xf32>
    %add3A_21 = arith.addf %mul3A_16, %add3A_20 : vector<2000x16xf32>
    %max3A = arith.constant 0.000000e+00 : f32
    %max3A_22 = vector.broadcast %max3A : f32 to vector<2000x16xf32>
    %max3A_23 = arith.maximumf %add3A_21, %max3A_22 : vector<2000x16xf32>
    %get3A_24 = arith.constant 0 : index
    %get3A_25 = arith.constant 0 : index
    %get3A_26 = vector.load %arg5[%get3A_24, %get3A_25] : memref<16x32xf32, #tpu.memory_space<vmem>>, vector<16x32xf32>
    %dot_general3A = arith.constant dense<0.000000e+00> : vector<2000x32xf32>
    %dot_general3A_27 = tpu.matmul %max3A_23, %get3A_26, %dot_general3A {dimension_numbers = #tpu.dot_dimension_numbers<[1], [0], [0], [1], [0, 0, 1, 1], [], []>, transpose_lhs_hint = false} : vector<2000x16xf32>, vector<16x32xf32>, vector<2000x32xf32> -> vector<2000x32xf32>
    %mul3A_28 = vector.broadcast %get3A_1 : vector<2000x1xf32> to vector<2000x32xf32>
    %mul3A_29 = arith.mulf %dot_general3A_27, %mul3A_28 : vector<2000x32xf32>
    %swap3A = arith.constant 0 : index
    %swap3A_30 = arith.constant 0 : index
    %swap3A_31 = vector.load %arg6[%swap3A, %swap3A_30] : memref<2000x32xf32, #tpu.memory_space<vmem>>, vector<2000x32xf32>
    tpu.vector_store %arg6[%swap3A, %swap3A_30], %mul3A_29 {strides = array<i32>} : memref<2000x32xf32, #tpu.memory_space<vmem>>, vector<2000x32xf32>,
    return
  }
  func.func @transform_0(%arg0: i32) -> (i32, i32, i32) {
    %c0_i32 = arith.constant 0 : i32
    %c0_i32_0 = arith.constant 0 : i32
    %c0_i32_1 = arith.constant 0 : i32
    return %c0_i32, %arg0, %c0_i32_0 : i32, i32, i32
  }
  func.func @transform_1(%arg0: i32) -> (i32, i32) {
    %c0_i32 = arith.constant 0 : i32
    %c0_i32_0 = arith.constant 0 : i32
    return %arg0, %c0_i32 : i32, i32
  }
  func.func @transform_2(%arg0: i32) -> (i32, i32) {
    %c0_i32 = arith.constant 0 : i32
    %c0_i32_0 = arith.constant 0 : i32
    return %arg0, %c0_i32 : i32, i32
  }
  func.func @transform_3(%arg0: i32) -> (i32, i32) {
    %c0_i32 = arith.constant 0 : i32
    %c0_i32_0 = arith.constant 0 : i32
    %c0_i32_1 = arith.constant 0 : i32
    return %c0_i32, %c0_i32_0 : i32, i32
  }
  func.func @transform_4(%arg0: i32) -> (i32, i32) {
    %c0_i32 = arith.constant 0 : i32
    %c0_i32_0 = arith.constant 0 : i32
    %c0_i32_1 = arith.constant 0 : i32
    return %c0_i32, %c0_i32_0 : i32, i32
  }
  func.func @transform_5(%arg0: i32) -> (i32, i32) {
    %c0_i32 = arith.constant 0 : i32
    %c0_i32_0 = arith.constant 0 : i32
    return %arg0, %c0_i32 : i32, i32
  }
}

module attributes {stable_mosaic.version = 14 : i64} {
  func.func @_tc3_body(%arg0: i32, %arg1: memref<2x2000x32xf32, #tpu.memory_space<vmem>>, %arg2: memref<2000x32xf32, #tpu.memory_space<vmem>>, %arg3: memref<2000x1xf32, #tpu.memory_space<vmem>>, %arg4: memref<1x32xf32, #tpu.memory_space<vmem>>, %arg5: memref<2000x1xi32, #tpu.memory_space<vmem>>, %arg6: memref<32x10xf32, #tpu.memory_space<vmem>>, %arg7: memref<1x10xf32, #tpu.memory_space<vmem>>, %arg8: memref<64x10xf32, #tpu.memory_space<vmem>>, %arg9: memref<64x32xf32, #tpu.memory_space<vmem>>, %arg10: memref<64x1xf32, #tpu.memory_space<vmem>>) attributes {dimension_semantics = [#tpu.dimension_semantics<arbitrary>], iteration_bounds = array<i64: 5>, scalar_prefetch = 0 : i64, scratch_operands = 2 : i64, tpu.core_type = #tpu.core_type<tc>, window_params = [{transform_indices = @transform_0, window_bounds = array<i64: 2, 2000, 32>}, {transform_indices = @transform_1, window_bounds = array<i64: 2000, 32>}, {transform_indices = @transform_2, window_bounds = array<i64: 2000, 1>}, {pipeline_mode = #tpu.pipeline_mode<synchronous>, transform_indices = @transform_3, window_bounds = array<i64: 1, 32>}, {transform_indices = @transform_4, window_bounds = array<i64: 2000, 1>}, {pipeline_mode = #tpu.pipeline_mode<synchronous>, transform_indices = @transform_5, window_bounds = array<i64: 32, 10>}, {pipeline_mode = #tpu.pipeline_mode<synchronous>, transform_indices = @transform_6, window_bounds = array<i64: 1, 10>}, {pipeline_mode = #tpu.pipeline_mode<synchronous>, transform_indices = @transform_7, window_bounds = array<i64: 64, 10>}]} {
    %get3A = arith.constant 0 : index
    %get3A_0 = arith.constant 0 : index
    %get3A_1 = arith.constant 0 : index
    %get3A_2 = vector.load %arg1[%get3A, %get3A_0, %get3A_1] : memref<2x2000x32xf32, #tpu.memory_space<vmem>>, vector<1x2000x32xf32>
    %get3A_3 = vector.shape_cast %get3A_2 : vector<1x2000x32xf32> to vector<2000x32xf32>
    %get3A_4 = arith.constant 1 : index
    %get3A_5 = arith.constant 0 : index
    %get3A_6 = arith.constant 0 : index
    %get3A_7 = vector.load %arg1[%get3A_4, %get3A_5, %get3A_6] : memref<2x2000x32xf32, #tpu.memory_space<vmem>>, vector<1x2000x32xf32>
    %get3A_8 = vector.shape_cast %get3A_7 : vector<1x2000x32xf32> to vector<2000x32xf32>
    %add3A = arith.addf %get3A_3, %get3A_8 : vector<2000x32xf32>
    %get3A_9 = arith.constant 0 : index
    %get3A_10 = arith.constant 0 : index
    %get3A_11 = vector.load %arg2[%get3A_9, %get3A_10] : memref<2000x32xf32, #tpu.memory_space<vmem>>, vector<2000x32xf32>
    %add3A_12 = arith.addf %add3A, %get3A_11 : vector<2000x32xf32>
    %get3A_13 = arith.constant 0 : index
    %get3A_14 = arith.constant 0 : index
    %get3A_15 = vector.load %arg3[%get3A_13, %get3A_14] : memref<2000x1xf32, #tpu.memory_space<vmem>>, vector<2000x1xf32>
    %mul3A = vector.broadcast %get3A_15 : vector<2000x1xf32> to vector<2000x32xf32>
    %mul3A_16 = arith.mulf %add3A_12, %mul3A : vector<2000x32xf32>
    %get3A_17 = arith.constant 0 : index
    %get3A_18 = arith.constant 0 : index
    %get3A_19 = vector.load %arg4[%get3A_17, %get3A_18] : memref<1x32xf32, #tpu.memory_space<vmem>>, vector<1x32xf32>
    %add3A_20 = vector.broadcast %get3A_19 : vector<1x32xf32> to vector<2000x32xf32>
    %add3A_21 = arith.addf %mul3A_16, %add3A_20 : vector<2000x32xf32>
    %get3A_22 = arith.constant 0 : index
    %get3A_23 = arith.constant 0 : index
    %get3A_24 = vector.load %arg5[%get3A_22, %get3A_23] : memref<2000x1xi32, #tpu.memory_space<vmem>>, vector<2000x1xi32>
    %iota3A = tpu.iota {dimensions = array<i32: 1>} : vector<2000x64xi32>
    %eq3A = vector.broadcast %get3A_24 : vector<2000x1xi32> to vector<2000x64xi32>
    %eq3A_25 = arith.cmpi eq, %eq3A, %iota3A : vector<2000x64xi32>
    %convert_element_type3A = arith.extui %eq3A_25 : vector<2000x64xi1> to vector<2000x64xi32>
    %convert_element_type3A_26 = arith.sitofp %convert_element_type3A : vector<2000x64xi32> to vector<2000x64xf32>
    %dot_general3A = arith.constant dense<0.000000e+00> : vector<64x32xf32>
    %dot_general3A_27 = tpu.matmul %convert_element_type3A_26, %add3A_21, %dot_general3A {dimension_numbers = #tpu.dot_dimension_numbers<[0], [0], [1], [1], [0, 1, 1, 1], [], []>, transpose_lhs_hint = false} : vector<2000x64xf32>, vector<2000x32xf32>, vector<64x32xf32> -> vector<64x32xf32>
    %broadcast_in_dim3A = arith.constant 1.000000e+00 : f32
    %broadcast_in_dim3A_28 = vector.broadcast %broadcast_in_dim3A : f32 to vector<2000x1xf32>
    %dot_general3A_29 = arith.constant dense<0.000000e+00> : vector<64x1xf32>
    %dot_general3A_30 = tpu.matmul %convert_element_type3A_26, %broadcast_in_dim3A_28, %dot_general3A_29 {dimension_numbers = #tpu.dot_dimension_numbers<[0], [0], [1], [1], [0, 1, 1, 1], [], []>, transpose_lhs_hint = false} : vector<2000x64xf32>, vector<2000x1xf32>, vector<64x1xf32> -> vector<64x1xf32>
    %eq3A_31 = arith.constant 0 : i32
    %eq3A_32 = arith.cmpi eq, %arg0, %eq3A_31 : i32
    %convert_element_type3A_33 = arith.extui %eq3A_32 : i1 to i32
    %cond3A = arith.constant 0 : i32
    %cond3A_34 = arith.cmpi ne, %convert_element_type3A_33, %cond3A : i32
    scf.if %cond3A_34 {
      %broadcast_in_dim3A_53 = arith.constant 0.000000e+00 : f32
      %broadcast_in_dim3A_54 = vector.broadcast %broadcast_in_dim3A_53 : f32 to vector<64x32xf32>
      %swap3A_55 = arith.constant 0 : index
      %swap3A_56 = arith.constant 0 : index
      %swap3A_57 = vector.load %arg9[%swap3A_55, %swap3A_56] : memref<64x32xf32, #tpu.memory_space<vmem>>, vector<64x32xf32>
      tpu.vector_store %arg9[%swap3A_55, %swap3A_56], %broadcast_in_dim3A_54 {strides = array<i32>} : memref<64x32xf32, #tpu.memory_space<vmem>>, vector<64x32xf32>,
      %broadcast_in_dim3A_58 = arith.constant 0.000000e+00 : f32
      %broadcast_in_dim3A_59 = vector.broadcast %broadcast_in_dim3A_58 : f32 to vector<64x1xf32>
      %swap3A_60 = arith.constant 0 : index
      %swap3A_61 = arith.constant 0 : index
      %swap3A_62 = vector.load %arg10[%swap3A_60, %swap3A_61] : memref<64x1xf32, #tpu.memory_space<vmem>>, vector<64x1xf32>
      tpu.vector_store %arg10[%swap3A_60, %swap3A_61], %broadcast_in_dim3A_59 {strides = array<i32>} : memref<64x1xf32, #tpu.memory_space<vmem>>, vector<64x1xf32>,
    } else {
    }
    %get3A_35 = arith.constant 0 : index
    %get3A_36 = arith.constant 0 : index
    %get3A_37 = vector.load %arg9[%get3A_35, %get3A_36] : memref<64x32xf32, #tpu.memory_space<vmem>>, vector<64x32xf32>
    %add3A_38 = arith.addf %get3A_37, %dot_general3A_27 : vector<64x32xf32>
    %swap3A = arith.constant 0 : index
    %swap3A_39 = arith.constant 0 : index
    %swap3A_40 = vector.load %arg9[%swap3A, %swap3A_39] : memref<64x32xf32, #tpu.memory_space<vmem>>, vector<64x32xf32>
    tpu.vector_store %arg9[%swap3A, %swap3A_39], %add3A_38 {strides = array<i32>} : memref<64x32xf32, #tpu.memory_space<vmem>>, vector<64x32xf32>,
    %get3A_41 = arith.constant 0 : index
    %get3A_42 = arith.constant 0 : index
    %get3A_43 = vector.load %arg10[%get3A_41, %get3A_42] : memref<64x1xf32, #tpu.memory_space<vmem>>, vector<64x1xf32>
    %add3A_44 = arith.addf %get3A_43, %dot_general3A_30 : vector<64x1xf32>
    %swap3A_45 = arith.constant 0 : index
    %swap3A_46 = arith.constant 0 : index
    %swap3A_47 = vector.load %arg10[%swap3A_45, %swap3A_46] : memref<64x1xf32, #tpu.memory_space<vmem>>, vector<64x1xf32>
    tpu.vector_store %arg10[%swap3A_45, %swap3A_46], %add3A_44 {strides = array<i32>} : memref<64x1xf32, #tpu.memory_space<vmem>>, vector<64x1xf32>,
    %eq3A_48 = arith.constant 4 : i32
    %eq3A_49 = arith.cmpi eq, %arg0, %eq3A_48 : i32
    %convert_element_type3A_50 = arith.extui %eq3A_49 : i1 to i32
    %cond3A_51 = arith.constant 0 : i32
    %cond3A_52 = arith.cmpi ne, %convert_element_type3A_50, %cond3A_51 : i32
    scf.if %cond3A_52 {
      %get3A_53 = arith.constant 0 : index
      %get3A_54 = arith.constant 0 : index
      %get3A_55 = vector.load %arg9[%get3A_53, %get3A_54] : memref<64x32xf32, #tpu.memory_space<vmem>>, vector<64x32xf32>
      %get3A_56 = arith.constant 0 : index
      %get3A_57 = arith.constant 0 : index
      %get3A_58 = vector.load %arg10[%get3A_56, %get3A_57] : memref<64x1xf32, #tpu.memory_space<vmem>>, vector<64x1xf32>
      %jit3A = arith.constant 1.000000e+00 : f32
      %max3A = vector.broadcast %jit3A : f32 to vector<64x1xf32>
      %max3A_59 = arith.maximumf %max3A, %get3A_58 : vector<64x1xf32>
      %div3A = vector.broadcast %max3A_59 : vector<64x1xf32> to vector<64x32xf32>
      %div3A_60 = arith.divf %get3A_55, %div3A : vector<64x32xf32>
      %get3A_61 = arith.constant 0 : index
      %get3A_62 = arith.constant 0 : index
      %get3A_63 = vector.load %arg6[%get3A_61, %get3A_62] : memref<32x10xf32, #tpu.memory_space<vmem>>, vector<32x10xf32>
      %dot_general3A_64 = arith.constant dense<0.000000e+00> : vector<64x10xf32>
      %dot_general3A_65 = tpu.matmul %div3A_60, %get3A_63, %dot_general3A_64 {dimension_numbers = #tpu.dot_dimension_numbers<[1], [0], [0], [1], [0, 0, 1, 1], [], []>, transpose_lhs_hint = false} : vector<64x32xf32>, vector<32x10xf32>, vector<64x10xf32> -> vector<64x10xf32>
      %get3A_66 = arith.constant 0 : index
      %get3A_67 = arith.constant 0 : index
      %get3A_68 = vector.load %arg7[%get3A_66, %get3A_67] : memref<1x10xf32, #tpu.memory_space<vmem>>, vector<1x10xf32>
      %add3A_69 = vector.broadcast %get3A_68 : vector<1x10xf32> to vector<64x10xf32>
      %add3A_70 = arith.addf %dot_general3A_65, %add3A_69 : vector<64x10xf32>
      %reduce_max3A = arith.constant dense<0xFF800000> : vector<64xf32>
      %reduce_max3A_71 = vector.multi_reduction <maximumf>, %add3A_70, %reduce_max3A [1] : vector<64x10xf32> to vector<64xf32>
      %broadcast_in_dim3A_72 = vector.shape_cast %reduce_max3A_71 : vector<64xf32> to vector<64x1xf32>
      %sub3A = vector.broadcast %broadcast_in_dim3A_72 : vector<64x1xf32> to vector<64x10xf32>
      %sub3A_73 = arith.subf %add3A_70, %sub3A : vector<64x10xf32>
      %exp3A = math.exp %sub3A_73 : vector<64x10xf32>
      %reduce_sum3A = arith.constant dense<0.000000e+00> : vector<64xf32>
      %reduce_sum3A_74 = vector.multi_reduction <add>, %exp3A, %reduce_sum3A [1] : vector<64x10xf32> to vector<64xf32>
      %broadcast_in_dim3A_75 = vector.shape_cast %reduce_sum3A_74 : vector<64xf32> to vector<64x1xf32>
      %log3A = math.log %broadcast_in_dim3A_75 : vector<64x1xf32>
      %sub3A_76 = vector.broadcast %log3A : vector<64x1xf32> to vector<64x10xf32>
      %sub3A_77 = arith.subf %sub3A_73, %sub3A_76 : vector<64x10xf32>
      %swap3A_78 = arith.constant 0 : index
      %swap3A_79 = arith.constant 0 : index
      %swap3A_80 = vector.load %arg8[%swap3A_78, %swap3A_79] : memref<64x10xf32, #tpu.memory_space<vmem>>, vector<64x10xf32>
      tpu.vector_store %arg8[%swap3A_78, %swap3A_79], %sub3A_77 {strides = array<i32>} : memref<64x10xf32, #tpu.memory_space<vmem>>, vector<64x10xf32>,
    } else {
    }
    return
  }
  func.func @transform_0(%arg0: i32) -> (i32, i32, i32) {
    %c0_i32 = arith.constant 0 : i32
    %c0_i32_0 = arith.constant 0 : i32
    %c0_i32_1 = arith.constant 0 : i32
    return %c0_i32, %arg0, %c0_i32_0 : i32, i32, i32
  }
  func.func @transform_1(%arg0: i32) -> (i32, i32) {
    %c0_i32 = arith.constant 0 : i32
    %c0_i32_0 = arith.constant 0 : i32
    return %arg0, %c0_i32 : i32, i32
  }
  func.func @transform_2(%arg0: i32) -> (i32, i32) {
    %c0_i32 = arith.constant 0 : i32
    %c0_i32_0 = arith.constant 0 : i32
    return %arg0, %c0_i32 : i32, i32
  }
  func.func @transform_3(%arg0: i32) -> (i32, i32) {
    %c0_i32 = arith.constant 0 : i32
    %c0_i32_0 = arith.constant 0 : i32
    %c0_i32_1 = arith.constant 0 : i32
    return %c0_i32, %c0_i32_0 : i32, i32
  }
  func.func @transform_4(%arg0: i32) -> (i32, i32) {
    %c0_i32 = arith.constant 0 : i32
    %c0_i32_0 = arith.constant 0 : i32
    return %arg0, %c0_i32 : i32, i32
  }
  func.func @transform_5(%arg0: i32) -> (i32, i32) {
    %c0_i32 = arith.constant 0 : i32
    %c0_i32_0 = arith.constant 0 : i32
    %c0_i32_1 = arith.constant 0 : i32
    return %c0_i32, %c0_i32_0 : i32, i32
  }
  func.func @transform_6(%arg0: i32) -> (i32, i32) {
    %c0_i32 = arith.constant 0 : i32
    %c0_i32_0 = arith.constant 0 : i32
    %c0_i32_1 = arith.constant 0 : i32
    return %c0_i32, %c0_i32_0 : i32, i32
  }
  func.func @transform_7(%arg0: i32) -> (i32, i32) {
    %c0_i32 = arith.constant 0 : i32
    %c0_i32_0 = arith.constant 0 : i32
    %c0_i32_1 = arith.constant 0 : i32
    return %c0_i32, %c0_i32_0 : i32, i32
  }
}

</mosaic_0001>

<sc_bundles>
// kernel: kernel.11.cloned.1.call-start
scs
__scs_entry_jumppad:
0x0: {  	(pc) =	sbr.rel $0x88, $3  }
0x1: {  	(tag) =	ssettag $0x0;
	lr =	simm.s32 $0x1  }
0x2: {  	[smem:$0x3F98] =	sst lr;
	_ =	strace $0xD0000000  }
0x3: {  	_ = 	snop  }
0x4: {  	_ = 	snop  }
0x5: {  	_ = 	snop  }
0x6: {  	_ = 	snop  }
0x7: {  	_ = 	snop  }
__scs_overlays_trampoline_lowered:
0x8: {  	[smem:$0x3FA7] =	sst s0  }
0x9: {  	[smem:$0x3FA8] =	sst s1  }
0xa: {  	[smem:$0x3FA9] =	sst s2  }
0xb: {  	[smem:$0x3FAA] =	sst s3  }
0xc: {  	[smem:$0x3FAB] =	sst s4  }
0xd: {  	[smem:$0x3FAC] =	sst s5  }
0xe: {  	[smem:$0x3FAD] =	sst s6  }
0xf: {  	[smem:$0x3FAE] =	sst s7  }
0x10: {  	[smem:$0x3FAF] =	sst s8  }
0x11: {  	[smem:$0x3FB0] =	sst s9;
	s0 =	simm.s32 @!p0 $0x0  }
0x12: {  	s1 =	sld [smem:$0x3F96];
	s0 =	simm.s32 @p0 $0x1  }
0x13: {  	[smem:$0x3FB1] =	sst s0;
	s0 =	simm.s32 @!p1 $0x0  }
0x14: {  	s2 =	sld [smem:$0x3F95];
	s0 =	simm.s32 @p1 $0x1  }
0x15: {  	[smem:$0x3FB2] =	sst s0;
	s0 =	simm.s32 @!p2 $0x0  }
0x16: {  	s3 =	sld [smem:$0x3FDB];
	s0 =	simm.s32 @p2 $0x1  }
0x17: {  	s4 =	simm.s32 $0x1BF5;
	[smem:$0x3FB4] =	sst s0  }
0x18: {  	s0 =	sld [smem:$0x3F97];
	_ =	swait.ge [sflag:s4], $0x0  }
0x19: {  	s7 =	sld [smem:$0x3F98]  }
0x1a: {  	s8 =	sadd.s32 $0xFFFFE003, lr  }
0x1b: {  	s9 =	sadd.s32 $0xFFFFFEF7, lr;
	s5 =	simm.s32 $0xFFFFFFFF;
	p2 =	slt.u32 s8, $0xFFFFF086  }
0x1c: {  	p1 =	slt.u32 s9, $0xF7A;
	s5 =	simm.s32 @!p2 $0x0  }
0x1d: {  	s5 =	simm.s32 @p1 $0x1;
	p0 =	seq.s32 s7, s2  }
0x1e: {  	s7 =	smul.u32 @!p0 $0xF7A, s2;
	p2 =	seq.s32 @!p0 s5, $0x0  }
0x1f: {  	s9 =	smul.u32 $0xF7A, s1;
	s8 =	simm.s32 @!p0 $0x1BF5;
	p2 =	por !p2, p0  }
0x20: {  	[sflag:s8] =	ssyncset.s32 @!p0 $0xFFFFF086;
	s6 =	sadd.s32 @!p0 s3, s7;
	s7 =	simm.s32 @!p0 $0x108  }
0x21: {  	s3 =	sadd.s32 s3, s9;
	s6 =	sadd.s32 @!p0 $0x88, s6;
	s7 =	simm.s32 @p2 $0x1082  }
0x22: {  	[simem:s7], [sflag:s8] =	dma.local @!p0 [hbm:s6], $0xF7A  }
0x23: {  	s9 =	sor.u32 $0xD0000000, s2;
	s6 =	simm.s32 $0x108;
	_ =	swait.ge @!p0 [sflag:s8], $0x0  }
0x24: {  	s3 =	sadd.s32 $0x88, s3;
	s6 =	simm.s32 @!p1 $0x1082;
	[sflag:s4] =	ssyncset.s32 $0xFFFFF086  }
0x25: {  	[simem:s6], [sflag:s4] =	dma.local [hbm:s3], $0xF7A  }
0x26: {  	[smem:$0x3F98] =	sst s1;
	(tag) =	ssettag s2;
	_ =	strace s9  }
0x27: {  	s1 =	sld [smem:$0x3FA8]  }
0x28: {  	s2 =	sld [smem:$0x3FA9]  }
0x29: {  	s4 =	sld [smem:$0x3FAB]  }
0x2a: {  	p0 =	seq.s32 s5, $0x0;
	s5 =	sld [smem:$0x3FAC]  }
0x2b: {  	s6 =	sld [smem:$0x3FAD]  }
0x2c: {  	s7 =	sld [smem:$0x3FAE]  }
0x2d: {  	s3 =	simm.s32 $0x108;
	s8 =	sld [smem:$0x3FAF]  }
0x2e: {  	s3 =	simm.s32 @!p0 $0x1082;
	s9 =	sld [smem:$0x3FB0]  }
0x2f: {  	lr =	sadd.s32 s0, s3;
	s0 =	sld [smem:$0x3FA7]  }
0x30: {  	s3 =	sld [smem:$0x3FAA]  }
0x31: {  	[smem:$0x3FB3] =	sst s10  }
0x32: {  	s10 =	sld [smem:$0x3FB1];
	_ =	sdelay $0x3  }
0x33: {  	p0 =	seq.s32 s10, $0x1;
	s10 =	sld [smem:$0x3FB3];
	_ =	sdelay $0x3  }
0x34: {  	[smem:$0x3FB3] =	sst s10  }
0x35: {  	s10 =	sld [smem:$0x3FB2];
	_ =	sdelay $0x3  }
0x36: {  	p1 =	seq.s32 s10, $0x1;
	s10 =	sld [smem:$0x3FB3];
	_ =	sdelay $0x3  }
0x37: {  	[smem:$0x3FB3] =	sst s10  }
0x38: {  	s10 =	sld [smem:$0x3FB4]  }
0x39: {  	_ = 	snop;
	(pc) =	sbr.ind lr, $3  }
0x3a: {  	_ = 	snop  }
0x3b: {  	_ = 	snop  }
0x3c: {  	p2 =	seq.s32 s10, $0x1;
	s10 =	sld [smem:$0x3FB3]  }
0x3d: {  	_ =	shalt  }
0x3e: {  	_ =	shalt  }
0x3f: {  	_ =	shalt  }
0x40: {  	_ =	shalt  }
0x41: {  	_ =	shalt  }
0x42: {  	_ =	shalt  }
0x43: {  	_ =	shalt  }
0x44: {  	_ =	shalt  }
0x45: {  	_ =	shalt  }
0x46: {  	_ =	shalt  }
0x47: {  	_ =	shalt  }
0x48: {  	_ =	shalt  }
0x49: {  	_ =	shalt  }
0x4a: {  	_ =	shalt  }
0x4b: {  	_ =	shalt  }
0x4c: {  	_ =	shalt  }
0x4d: {  	_ =	shalt  }
0x4e: {  	_ =	shalt  }
0x4f: {  	_ =	shalt  }
0x50: {  	_ =	shalt  }
0x51: {  	_ =	shalt  }
0x52: {  	_ =	shalt  }
0x53: {  	_ =	shalt  }
0x54: {  	_ =	shalt  }
0x55: {  	_ =	shalt  }
0x56: {  	_ =	shalt  }
0x57: {  	_ =	shalt  }
0x58: {  	_ =	shalt  }
0x59: {  	_ =	shalt  }
0x5a: {  	_ =	shalt  }
0x5b: {  	_ =	shalt  }
0x5c: {  	_ =	shalt  }
0x5d: {  	_ =	shalt  }
0x5e: {  	_ =	shalt  }
0x5f: {  	_ =	shalt  }
0x60: {  	_ =	shalt  }
0x61: {  	_ =	shalt  }
0x62: {  	_ =	shalt  }
0x63: {  	_ =	shalt  }
0x64: {  	_ =	shalt  }
0x65: {  	_ =	shalt  }
0x66: {  	_ =	shalt  }
0x67: {  	_ =	shalt  }
0x68: {  	_ =	shalt  }
0x69: {  	_ =	shalt  }
0x6a: {  	_ =	shalt  }
0x6b: {  	_ =	shalt  }
0x6c: {  	_ =	shalt  }
0x6d: {  	_ =	shalt  }
0x6e: {  	_ =	shalt  }
0x6f: {  	_ =	shalt  }
0x70: {  	_ =	shalt  }
0x71: {  	_ =	shalt  }
0x72: {  	_ =	shalt  }
0x73: {  	_ =	shalt  }
0x74: {  	_ =	shalt  }
0x75: {  	_ =	shalt  }
0x76: {  	_ =	shalt  }
0x77: {  	_ =	shalt  }
0x78: {  	_ =	shalt  }
0x79: {  	_ =	shalt  }
0x7a: {  	_ =	shalt  }
0x7b: {  	_ =	shalt  }
0x7c: {  	_ =	shalt  }
0x7d: {  	_ =	shalt  }
0x7e: {  	_ =	shalt  }
0x7f: {  	_ =	shalt  }
0x80: {  	_ =	shalt  }
0x81: {  	_ =	shalt  }
0x82: {  	_ =	shalt  }
0x83: {  	_ =	shalt  }
0x84: {  	_ =	shalt  }
0x85: {  	_ =	shalt  }
0x86: {  	_ =	shalt  }
0x87: {  	_ =	shalt  }
.Lfunc_end0:
.L_simem_size_0:
called_computation.1_lowered:
.L_overlay_start_0:
0x88: {  	s2 =	sld [smem:$0x3FD9]  }
0x89: {  	s3 =	sld [smem:$0x3FFE];
	_ =	sdelay $0x1  }
0x8a: {  	s1 =	srdreg.scid  }
0x8b: {  	s0 =	sand.u32 $0x1, s1  }
0x8c: {  	s16 =	sshll.u32 s0, $0xA;
	s2 =	sadd.s32 s3, s2  }
0x8d: {  	s2 =	sadd.s32 s2, s16  }
0x8e: {  	[smem:$0x3FBF] =	sst s2  }
0x8f: {  	_ = 	snop  }
0x90: {  	(tm) =	ssettm $0x1  }
0x91: {  	s17 =	sld [smem:$0x3FFB];
	_ =	sdelay $0x3  }
0x92: {  	_ =	strace s17  }
0x93: {  	s2 =	sld [smem:$0x3FFC];
	_ =	sdelay $0x3  }
0x94: {  	_ =	strace s2  }
0x95: {  	s2 =	sld [smem:$0x3FFD];
	_ =	sdelay $0x3  }
0x96: {  	_ =	strace s2  }
0x97: {  	_ =	strace $0x8FFFFFFF  }
0x98: {  	s18 =	sld [smem:$0x3FDB];
	_ =	sdelay $0x1  }
0x99: {  	s19 =	simm.s32 $_scs_section_size  }
0x9a: {  	s4 =	simm.s32 $_size__tile_overlayer_lowered;
	s5 =	simm.s32 $_tile_overlayer_lowered  }
0x9b: {  	s22 =	simm.s32 $0x1BFF;
	s21 =	sshll.u32 s5, $0x1;
	s2 =	sadd.s32 s19, s18  }
0x9c: {  	s6 =	simm.s32 $0x0;
	s20 =	sshll.u32 s4, $0x1;
	s4 =	sadd.s32 s21, s2  }
0x9d: {  	[timem:s6], [sflag:s22] =	dma.local [hbm:s4], s20  }
0x9e: {  	_ =	swait.ge [sflag:s22], s20  }
0x9f: {  	s3 =	ssub.s32 $0x0, s20;
	[sflag:s22] =	ssyncset.done $0x0  }
0xa0: {  	[sflag:s22] =	ssyncadd.s32 s3;
	_ =	sdelay $0x1  }
0xa1: {  	s23 =	simm.s32 $0x1B8B  }
0xa2: {  	_ =	swait.ge [sflag:s23], $0x1  }
0xa3: {  	[sflag:s23] =	ssyncset.done $0x0  }
0xa4: {  	s25 =	simm.s32 $0x1B8E;
	s24 =	sld [smem:$0x3FFE];
	[sflag:s23] =	ssyncadd.s32 $0xFFFFFFFF  }
0xa5: {  	s26 =	simm.s32 $execute0_lowered;
	[smem:$0x3FD2] =	sst s25  }
0xa6: {  	s4 =	sshll.u32 s26, $0x1;
	_ =	strace $0x80000049;
	[dreg:$0x1] =	wrdreg $0xFFFFFFFF  }
0xa7: {  	s28 =	simm.s32 $_size_execute0_lowered;
	s2 =	sadd.s32 s2, s4;
	[dreg:$0x0] =	wrdreg $0x0  }
0xa8: {  	s4 =	sshll.u32 s28, $0x1;
	[dreg:$0x2] =	wrdreg s2  }
0xa9: {  	[dreg:$0x3] =	wrdreg s4  }
0xaa: {  	[dreg:$0x4] =	wrdreg $0xC0  }
0xab: {  	_ =	task [dreg:s6], $0x5FFFF  }
0xac: {  	[dreg:$0x1] =	wrdreg $0xFFFFFFFF  }
0xad: {  	[dreg:$0x0] =	wrdreg $0x60  }
0xae: {  	[dreg:$0x2] =	wrdreg s24  }
0xaf: {  	[dreg:$0x3] =	wrdreg $0xAE200  }
0xb0: {  	[dreg:$0x4] =	wrdreg $0x9  }
0xb1: {  	_ =	task.clear_ibuf [dreg:s6], $0x5FFFF;
	_ =	strace $0x90000049  }
0xb2: {  	s29 =	simm.s32 $0x9;
	_ =	strace $0x8000004B  }
0xb3: {  	_ =	swait.ge [sflag:s29], $0x1  }
0xb4: {  	[sflag:s29] =	ssyncadd.s32 $0xFFFFFFFF  }
0xb5: {  	_ =	strace $0x9000004B  }
0xb6: {  	_ =	sfence  }
0xb7: {  	s30 =	sld [smem:$0x0];
	_ =	sdelay $0x2  }
0xb8: {  	s31 =	sshll.u32 s1, $0xD;
	s1 =	sshrl.u32 s1, $0x2  }
0xb9: {  	s3 =	sand.u32 $0x4000, s31;
	s1 =	sadd.s32 s1, s30  }
0xba: {  	s0 =	sor.u32 s3, s0;
	s1 =	sshll.u32 s1, $0x11  }
0xbb: {  	s0 =	sor.u32 s1, s0  }
0xbc: {  	s0 =	sadd.s32 $0x8F2B, s0  }
0xbd: {  	[sflag:s0] =	ssyncadd.remote.s32 $0x1  }
0xbe: {  	_ =	sfence.sel $0xFFFF  }
0xbf: {  	[dreg:$0x0] =	wrdreg $0xFFFFFFFF;
	(pc) =	sbr.abs _section_cstart, $3  }
0xc0: {  	[dreg:$0x1] =	wrdreg $0xFFFFFFFF  }
0xc1: {  	_ =	task.clear_ibuf [dreg:s6], $0x2FFFF;
	_ =	strace $0x9FFFFFFF  }
0xc2: {  	(tm) =	ssettm $0x7FFFFFFF  }
0xc3: {  	_ =	shalt  }
tec
execute0_lowered:
.L_overlay_start_1:
0x0: {  	(tag) =	ssettag $0x1  }
0x1: {  	s0 =	srdreg.scid  }
0x2: {  	s10 =	stileid.u32;
	s5 =	rddreg [dreg:$0x0]  }
0x3: {  	s2 =	rddreg [dreg:$0x1];
	s3 =	simm.s32 $0x0;
	s12 =	simm.s32 $0x7  }
0x4: {  	s14 =	simm.s32 $0x100;
	s15 =	simm.s32 $0x4E20;
	s16 =	simm.s32 $0x5E20  }
0x5: {  	s18 =	simm.s32 $0x6E20;
	s20 =	simm.s32 $0x7E20;
	s22 =	simm.s32 $0x8E20  }
0x6: {  	s24 =	simm.s32 $0x9E20;
	s28 =	simm.s32 $0x3;
	s29 =	simm.s32 $0x4  }
0x7: {  	s30 =	simm.s32 $0x5;
	s31 =	simm.s32 $0x6;
	s21 =	simm.s32 $0x10  }
0x8: {  	s23 =	simm.s32 $0x2700;
	s0 =	sand.u32 $0x1, s0;
	s1 =	sshll.u32 s10, $0x1  }
0x9: {  	s6 =	smul.u32 $0x2800, s10;
	[smem:$0x7FF] =	sst s3;
	s4 =	sadd.s32 $0x15E00, s5  }
0xa: {  	s26 =	sshll.u32 s10, $0x6;
	s1 =	sor.u32 s0, s1;
	s7 =	smul.u32 $0x28000, s0  }
0xb: {  	_ =	strace $0x8000004A;
	s0 =	ssub.s32 $0x2, s0;
	s1 =	smul.u32 $0x2710, s1  }
0xc: {  	s8 =	sshrl.u32 s6, $0x3;
	s25 =	sshrl.u32 s0, $0x1;
	s11 =	sadd.s32 s6, s2  }
0xd: {  	s7 =	sadd.s32 s6, s7;
	s8 =	sadd.s32 s8, s5;
	s0 =	ssub.s32 s0, s25  }
0xe: {  	s6 =	sor.u32 $0x1C07, s26;
	s11 =	sshrl.u32 s11, $0x3;
	s25 =	simm.s32 $0x1  }
0xf: {  	s26 =	simm.s32 $0x2;
	s1 =	sshrl.u32 s1, $0x3;
	s7 =	sshrl.u32 s7, $0x3  }
0x10: {  	s10 =	smax.u32 s0, $0x1;
	s0 =	simm.s32 $0x0;
	s1 =	sadd.s32 s1, s5  }
0x11: {  	s9 =	sadd.s32 s7, s5;
	s5 =	sadd.s32 $0x1AE00, s8;
	s7 =	sadd.s32 $0x2400, s1  }
0x12: {  	s8 =	sadd.s32 $0xC040, s1;
	s9 =	sadd.s32 $0x1FE00, s9;
	s1 =	simm.s32 $0x4E10  }
.LBB2_1:
0x13: {  	[spmem:s11], [sflag:s6] =	dma.local [hbm:s5], $0x500  }
0x14: {  	_ =	swait.ge [sflag:s12], $0x500  }
0x15: {  	[sflag:s12] =	ssyncset.done $0x0  }
0x16: {  	[sflag:s12] =	ssyncadd.s32 $0xFFFFFB00  }
0x17: {  	[tilespmem:s3], [sflag:$0x7] =	stream.linear.gather [hbm4b:s7+s3], $0x2710, $0x38;
	[tilespmem:$0xD620] =	vst v63  }
0x18: {  	_ =	swait.ge [sflag:s12], $0x2710  }
0x19: {  	[sflag:s12] =	ssyncset.done $0x0  }
0x1a: {  	s13 =	simm.s32 $0x2710;
	[sflag:s12] =	ssyncadd.s32 $0xFFFFD8F0  }
0x1b: {  	[tilespmem:s13], [sflag:$0x7] =	stream.linear.gather [hbm4b:s8+s3], $0x2710, $0x38;
	[tilespmem:$0xD620] =	vst v63  }
0x1c: {  	_ =	swait.ge [sflag:s12], $0x2710  }
0x1d: {  	[sflag:s12] =	ssyncset.done $0x0  }
0x1e: {  	[sflag:s12] =	ssyncadd.s32 $0xFFFFD8F0  }
0x1f: {  	[bflag:$0x0] =	sbarrier.arrive $0xFFFF  }
0x20: {  	[tilespmem:s15], [sflag:$0x1] =	stream.indirect.gather [hbm4b:s4+s14], $0x10, s3, s14, $0xb8;
	[tilespmem:$0xD620] =	vst v63  }
0x21: {  	_ = 	snop  }
0x22: {  	[tilespmem:s16], [sflag:$0x2] =	stream.indirect.gather [hbm4b:s4+s14], $0x10, s14, s14, $0xb8;
	[tilespmem:$0xD620] =	vst v63  }
0x23: {  	s19 =	simm.s32 $0x200  }
0x24: {  	[tilespmem:s18], [sflag:$0x3] =	stream.indirect.gather [hbm4b:s4+s14], $0x10, s19, s14, $0xb8;
	[tilespmem:$0xD620] =	vst v63  }
0x25: {  	s17 =	simm.s32 $0x300  }
0x26: {  	[tilespmem:s20], [sflag:$0x4] =	stream.indirect.gather [hbm4b:s4+s14], $0x10, s17, s14, $0xb8;
	[tilespmem:$0xD620] =	vst v63  }
0x27: {  	s19 =	simm.s32 $0x400  }
0x28: {  	[tilespmem:s22], [sflag:$0x5] =	stream.indirect.gather [hbm4b:s4+s14], $0x10, s19, s14, $0xb8;
	[tilespmem:$0xD620] =	vst v63  }
0x29: {  	s17 =	simm.s32 $0x500  }
0x2a: {  	[tilespmem:s24], [sflag:$0x6] =	stream.indirect.gather [hbm4b:s4+s14], $0x10, s17, s14, $0xb8;
	[tilespmem:$0xD620] =	vst v63  }
0x2b: {  	_ =	swait.ge [sflag:s25], $0x1000  }
0x2c: {  	[sflag:s25] =	ssyncset.done $0x0  }
0x2d: {  	s19 =	simm.s32 $0x2710;
	[sflag:s25] =	ssyncadd.s32 $0xFFFFF000  }
0x2e: {  	[spmem:s2] =	stream.indirect.scatter.add.f32 [tilespmem:s15], [sflag:$0x7], $0x10, s19, s14, $0xb8;
	[tilespmem:$0xD620] =	vst v63  }
0x2f: {  	_ =	swait.ge [sflag:s12], $0x1000  }
0x30: {  	[sflag:s12] =	ssyncset.done $0x0  }
0x31: {  	s17 =	simm.s32 $0x600;
	[sflag:s12] =	ssyncadd.s32 $0xFFFFF000  }
0x32: {  	[tilespmem:s15], [sflag:$0x1] =	stream.indirect.gather [hbm4b:s4+s14], $0x10, s17, s14, $0xb8;
	[tilespmem:$0xD620] =	vst v63  }
0x33: {  	_ =	swait.ge [sflag:s26], $0x1000  }
0x34: {  	[sflag:s26] =	ssyncset.done $0x0  }
0x35: {  	s19 =	simm.s32 $0x2810;
	[sflag:s26] =	ssyncadd.s32 $0xFFFFF000  }
0x36: {  	[spmem:s2] =	stream.indirect.scatter.add.f32 [tilespmem:s16], [sflag:$0x7], $0x10, s19, s14, $0xb8;
	[tilespmem:$0xD620] =	vst v63  }
0x37: {  	_ =	swait.ge [sflag:s12], $0x1000  }
0x38: {  	[sflag:s12] =	ssyncset.done $0x0  }
0x39: {  	s17 =	simm.s32 $0x700;
	[sflag:s12] =	ssyncadd.s32 $0xFFFFF000  }
0x3a: {  	[tilespmem:s16], [sflag:$0x2] =	stream.indirect.gather [hbm4b:s4+s14], $0x10, s17, s14, $0xb8;
	[tilespmem:$0xD620] =	vst v63  }
0x3b: {  	_ =	swait.ge [sflag:s28], $0x1000  }
0x3c: {  	[sflag:s28] =	ssyncset.done $0x0  }
0x3d: {  	s19 =	simm.s32 $0x2910;
	[sflag:s28] =	ssyncadd.s32 $0xFFFFF000  }
0x3e: {  	[spmem:s2] =	stream.indirect.scatter.add.f32 [tilespmem:s18], [sflag:$0x7], $0x10, s19, s14, $0xb8;
	[tilespmem:$0xD620] =	vst v63  }
0x3f: {  	_ =	swait.ge [sflag:s12], $0x1000  }
0x40: {  	[sflag:s12] =	ssyncset.done $0x0  }
0x41: {  	s17 =	simm.s32 $0x800;
	[sflag:s12] =	ssyncadd.s32 $0xFFFFF000  }
0x42: {  	[tilespmem:s18], [sflag:$0x3] =	stream.indirect.gather [hbm4b:s4+s14], $0x10, s17, s14, $0xb8;
	[tilespmem:$0xD620] =	vst v63  }
0x43: {  	_ =	swait.ge [sflag:s29], $0x1000  }
0x44: {  	[sflag:s29] =	ssyncset.done $0x0  }
0x45: {  	s19 =	simm.s32 $0x2A10;
	[sflag:s29] =	ssyncadd.s32 $0xFFFFF000  }
0x46: {  	[spmem:s2] =	stream.indirect.scatter.add.f32 [tilespmem:s20], [sflag:$0x7], $0x10, s19, s14, $0xb8;
	[tilespmem:$0xD620] =	vst v63  }
0x47: {  	_ =	swait.ge [sflag:s12], $0x1000  }
0x48: {  	[sflag:s12] =	ssyncset.done $0x0  }
0x49: {  	s17 =	simm.s32 $0x900;
	[sflag:s12] =	ssyncadd.s32 $0xFFFFF000  }
0x4a: {  	[tilespmem:s20], [sflag:$0x4] =	stream.indirect.gather [hbm4b:s4+s14], $0x10, s17, s14, $0xb8;
	[tilespmem:$0xD620] =	vst v63  }
0x4b: {  	_ =	swait.ge [sflag:s30], $0x1000  }
0x4c: {  	[sflag:s30] =	ssyncset.done $0x0  }
0x4d: {  	s19 =	simm.s32 $0x2B10;
	[sflag:s30] =	ssyncadd.s32 $0xFFFFF000  }
0x4e: {  	[spmem:s2] =	stream.indirect.scatter.add.f32 [tilespmem:s22], [sflag:$0x7], $0x10, s19, s14, $0xb8;
	[tilespmem:$0xD620] =	vst v63  }
0x4f: {  	_ =	swait.ge [sflag:s12], $0x1000  }
0x50: {  	[sflag:s12] =	ssyncset.done $0x0  }
0x51: {  	s17 =	simm.s32 $0xA00;
	[sflag:s12] =	ssyncadd.s32 $0xFFFFF000  }
0x52: {  	[tilespmem:s22], [sflag:$0x5] =	stream.indirect.gather [hbm4b:s4+s14], $0x10, s17, s14, $0xb8;
	[tilespmem:$0xD620] =	vst v63  }
0x53: {  	_ =	swait.ge [sflag:s31], $0x1000  }
0x54: {  	[sflag:s31] =	ssyncset.done $0x0  }
0x55: {  	s19 =	simm.s32 $0x2C10;
	[sflag:s31] =	ssyncadd.s32 $0xFFFFF000  }
0x56: {  	[spmem:s2] =	stream.indirect.scatter.add.f32 [tilespmem:s24], [sflag:$0x7], $0x10, s19, s14, $0xb8;
	[tilespmem:$0xD620] =	vst v63  }
0x57: {  	_ =	swait.ge [sflag:s12], $0x1000  }
0x58: {  	[sflag:s12] =	ssyncset.done $0x0  }
0x59: {  	s13 =	simm.s32 $0x1800;
	s17 =	simm.s32 $0xB00;
	[sflag:s12] =	ssyncadd.s32 $0xFFFFF000  }
.LBB2_2:
0x5a: {  	[tilespmem:s24], [sflag:$0x6] =	stream.indirect.gather [hbm4b:s4+s14], $0x10, s17, s14, $0xb8;
	[tilespmem:$0xD620] =	vst v63  }
0x5b: {  	s17 =	smov.u32 s13  }
0x5c: {  	p0 =	sne.s32 s13, $0x6000;
	s13 =	sadd.s32 $0x1800, s13;
	_ =	swait.ge [sflag:s25], $0x1000  }
0x5d: {  	s17 =	sshra.s32 s17, $0x2;
	[sflag:s25] =	ssyncset.done $0x0  }
0x5e: {  	s19 =	sadd.s32 $0x2710, s17;
	[sflag:s25] =	ssyncadd.s32 $0xFFFFF000  }
0x5f: {  	[spmem:s2] =	stream.indirect.scatter.add.f32 [tilespmem:s15], [sflag:$0x7], $0x10, s19, s14, $0xb8;
	[tilespmem:$0xD620] =	vst v63  }
0x60: {  	_ =	swait.ge [sflag:s12], $0x1000  }
0x61: {  	[sflag:s12] =	ssyncset.done $0x0  }
0x62: {  	s19 =	sadd.s32 $0x600, s17;
	[sflag:s12] =	ssyncadd.s32 $0xFFFFF000  }
0x63: {  	[tilespmem:s15], [sflag:$0x1] =	stream.indirect.gather [hbm4b:s4+s14], $0x10, s19, s14, $0xb8;
	[tilespmem:$0xD620] =	vst v63  }
0x64: {  	_ =	swait.ge [sflag:s26], $0x1000  }
0x65: {  	[sflag:s26] =	ssyncset.done $0x0  }
0x66: {  	s19 =	sadd.s32 $0x2810, s17;
	[sflag:s26] =	ssyncadd.s32 $0xFFFFF000  }
0x67: {  	[spmem:s2] =	stream.indirect.scatter.add.f32 [tilespmem:s16], [sflag:$0x7], $0x10, s19, s14, $0xb8;
	[tilespmem:$0xD620] =	vst v63  }
0x68: {  	_ =	swait.ge [sflag:s12], $0x1000  }
0x69: {  	[sflag:s12] =	ssyncset.done $0x0  }
0x6a: {  	s19 =	sadd.s32 $0x700, s17;
	[sflag:s12] =	ssyncadd.s32 $0xFFFFF000  }
0x6b: {  	[tilespmem:s16], [sflag:$0x2] =	stream.indirect.gather [hbm4b:s4+s14], $0x10, s19, s14, $0xb8;
	[tilespmem:$0xD620] =	vst v63  }
0x6c: {  	_ =	swait.ge [sflag:s28], $0x1000  }
0x6d: {  	[sflag:s28] =	ssyncset.done $0x0  }
0x6e: {  	s19 =	sadd.s32 $0x2910, s17;
	[sflag:s28] =	ssyncadd.s32 $0xFFFFF000  }
0x6f: {  	[spmem:s2] =	stream.indirect.scatter.add.f32 [tilespmem:s18], [sflag:$0x7], $0x10, s19, s14, $0xb8;
	[tilespmem:$0xD620] =	vst v63  }
0x70: {  	_ =	swait.ge [sflag:s12], $0x1000  }
0x71: {  	[sflag:s12] =	ssyncset.done $0x0  }
0x72: {  	s19 =	sadd.s32 $0x800, s17;
	[sflag:s12] =	ssyncadd.s32 $0xFFFFF000  }
0x73: {  	[tilespmem:s18], [sflag:$0x3] =	stream.indirect.gather [hbm4b:s4+s14], $0x10, s19, s14, $0xb8;
	[tilespmem:$0xD620] =	vst v63  }
0x74: {  	_ =	swait.ge [sflag:s29], $0x1000  }
0x75: {  	[sflag:s29] =	ssyncset.done $0x0  }
0x76: {  	s19 =	sadd.s32 $0x2A10, s17;
	[sflag:s29] =	ssyncadd.s32 $0xFFFFF000  }
0x77: {  	[spmem:s2] =	stream.indirect.scatter.add.f32 [tilespmem:s20], [sflag:$0x7], $0x10, s19, s14, $0xb8;
	[tilespmem:$0xD620] =	vst v63  }
0x78: {  	_ =	swait.ge [sflag:s12], $0x1000  }
0x79: {  	[sflag:s12] =	ssyncset.done $0x0  }
0x7a: {  	s19 =	sadd.s32 $0x900, s17;
	[sflag:s12] =	ssyncadd.s32 $0xFFFFF000  }
0x7b: {  	[tilespmem:s20], [sflag:$0x4] =	stream.indirect.gather [hbm4b:s4+s14], $0x10, s19, s14, $0xb8;
	[tilespmem:$0xD620] =	vst v63  }
0x7c: {  	_ =	swait.ge [sflag:s30], $0x1000  }
0x7d: {  	[sflag:s30] =	ssyncset.done $0x0  }
0x7e: {  	s19 =	sadd.s32 $0x2B10, s17;
	[sflag:s30] =	ssyncadd.s32 $0xFFFFF000  }
0x7f: {  	[spmem:s2] =	stream.indirect.scatter.add.f32 [tilespmem:s22], [sflag:$0x7], $0x10, s19, s14, $0xb8;
	[tilespmem:$0xD620] =	vst v63  }
0x80: {  	_ =	swait.ge [sflag:s12], $0x1000  }
0x81: {  	[sflag:s12] =	ssyncset.done $0x0  }
0x82: {  	s19 =	sadd.s32 $0xA00, s17;
	[sflag:s12] =	ssyncadd.s32 $0xFFFFF000  }
0x83: {  	[tilespmem:s22], [sflag:$0x5] =	stream.indirect.gather [hbm4b:s4+s14], $0x10, s19, s14, $0xb8;
	[tilespmem:$0xD620] =	vst v63  }
0x84: {  	_ =	swait.ge [sflag:s31], $0x1000  }
0x85: {  	[sflag:s31] =	ssyncset.done $0x0  }
.Ltmp0:
0x86: {  	s19 =	sadd.s32 $0x2C10, s17;
	[sflag:s31] =	ssyncadd.s32 $0xFFFFF000;
	(pc) =	sbr.rel @p0 .LBB2_2-.Ltmp0, $4  }
0x87: {  	[spmem:s2] =	stream.indirect.scatter.add.f32 [tilespmem:s24], [sflag:$0x7], $0x10, s19, s14, $0xb8;
	[tilespmem:$0xD620] =	vst v63  }
0x88: {  	_ =	swait.ge [sflag:s12], $0x1000  }
0x89: {  	[sflag:s12] =	ssyncset.done $0x0  }
0x8a: {  	s17 =	sadd.s32 $0xB00, s17;
	[sflag:s12] =	ssyncadd.s32 $0xFFFFF000  }
0x8b: {  	[tilespmem:s24], [sflag:$0x6] =	stream.indirect.gather [hbm4b:s4+s14], $0x10, s17, s14, $0xb8;
	[tilespmem:$0xD620] =	vst v63  }
0x8c: {  	_ =	swait.ge [sflag:s25], $0x1000  }
0x8d: {  	[sflag:s25] =	ssyncset.done $0x0  }
0x8e: {  	s13 =	simm.s32 $0x4510;
	[sflag:s25] =	ssyncadd.s32 $0xFFFFF000  }
0x8f: {  	[spmem:s2] =	stream.indirect.scatter.add.f32 [tilespmem:s15], [sflag:$0x7], $0x10, s13, s14, $0xb8;
	[tilespmem:$0xD620] =	vst v63  }
0x90: {  	_ =	swait.ge [sflag:s12], $0x1000  }
0x91: {  	[sflag:s12] =	ssyncset.done $0x0  }
0x92: {  	[sflag:s12] =	ssyncadd.s32 $0xFFFFF000  }
0x93: {  	_ =	swait.ge [sflag:s26], $0x1000  }
0x94: {  	[sflag:s26] =	ssyncset.done $0x0  }
0x95: {  	s19 =	simm.s32 $0x4610;
	[sflag:s26] =	ssyncadd.s32 $0xFFFFF000  }
0x96: {  	[spmem:s2] =	stream.indirect.scatter.add.f32 [tilespmem:s16], [sflag:$0x7], $0x10, s19, s14, $0xb8;
	[tilespmem:$0xD620] =	vst v63  }
0x97: {  	_ =	swait.ge [sflag:s12], $0x1000  }
0x98: {  	[sflag:s12] =	ssyncset.done $0x0  }
0x99: {  	[sflag:s12] =	ssyncadd.s32 $0xFFFFF000  }
0x9a: {  	_ =	swait.ge [sflag:s28], $0x1000  }
0x9b: {  	[sflag:s28] =	ssyncset.done $0x0  }
0x9c: {  	s17 =	simm.s32 $0x4710;
	[sflag:s28] =	ssyncadd.s32 $0xFFFFF000  }
0x9d: {  	[spmem:s2] =	stream.indirect.scatter.add.f32 [tilespmem:s18], [sflag:$0x7], $0x10, s17, s14, $0xb8;
	[tilespmem:$0xD620] =	vst v63  }
0x9e: {  	_ =	swait.ge [sflag:s12], $0x1000  }
0x9f: {  	[sflag:s12] =	ssyncset.done $0x0  }
0xa0: {  	[sflag:s12] =	ssyncadd.s32 $0xFFFFF000  }
0xa1: {  	_ =	swait.ge [sflag:s29], $0x1000  }
0xa2: {  	[sflag:s29] =	ssyncset.done $0x0  }
0xa3: {  	s19 =	simm.s32 $0x4810;
	[sflag:s29] =	ssyncadd.s32 $0xFFFFF000  }
0xa4: {  	[spmem:s2] =	stream.indirect.scatter.add.f32 [tilespmem:s20], [sflag:$0x7], $0x10, s19, s14, $0xb8;
	[tilespmem:$0xD620] =	vst v63  }
0xa5: {  	_ =	swait.ge [sflag:s12], $0x1000  }
0xa6: {  	[sflag:s12] =	ssyncset.done $0x0  }
0xa7: {  	[sflag:s12] =	ssyncadd.s32 $0xFFFFF000  }
0xa8: {  	_ =	swait.ge [sflag:s30], $0x1000  }
0xa9: {  	[sflag:s30] =	ssyncset.done $0x0  }
0xaa: {  	s17 =	simm.s32 $0x4910;
	[sflag:s30] =	ssyncadd.s32 $0xFFFFF000  }
0xab: {  	[spmem:s2] =	stream.indirect.scatter.add.f32 [tilespmem:s22], [sflag:$0x7], $0x10, s17, s14, $0xb8;
	[tilespmem:$0xD620] =	vst v63  }
0xac: {  	_ =	swait.ge [sflag:s12], $0x1000  }
0xad: {  	[sflag:s12] =	ssyncset.done $0x0  }
0xae: {  	[sflag:s12] =	ssyncadd.s32 $0xFFFFF000  }
0xaf: {  	_ =	swait.ge [sflag:s31], $0x1000  }
0xb0: {  	[sflag:s31] =	ssyncset.done $0x0  }
0xb1: {  	s19 =	simm.s32 $0x4A10;
	[sflag:s31] =	ssyncadd.s32 $0xFFFFF000  }
0xb2: {  	[spmem:s2] =	stream.indirect.scatter.add.f32 [tilespmem:s24], [sflag:$0x7], $0x10, s19, s14, $0xb8;
	[tilespmem:$0xD620] =	vst v63  }
0xb3: {  	_ =	swait.ge [sflag:s12], $0x1000  }
0xb4: {  	[sflag:s12] =	ssyncset.done $0x0  }
0xb5: {  	s17 =	simm.s32 $0x2400;
	[sflag:s12] =	ssyncadd.s32 $0xFFFFF000  }
0xb6: {  	[tilespmem:s15], [sflag:$0x1] =	stream.indirect.gather [hbm4b:s4+s14], $0x10, s17, s14, $0xb8;
	[tilespmem:$0xD620] =	vst v63  }
0xb7: {  	_ =	swait.ge [sflag:s25], $0x1000  }
0xb8: {  	[sflag:s25] =	ssyncset.done $0x0  }
0xb9: {  	s19 =	simm.s32 $0x4B10;
	[sflag:s25] =	ssyncadd.s32 $0xFFFFF000  }
0xba: {  	[spmem:s2] =	stream.indirect.scatter.add.f32 [tilespmem:s15], [sflag:$0x7], $0x10, s19, s14, $0xb8;
	[tilespmem:$0xD620] =	vst v63  }
0xbb: {  	_ =	swait.ge [sflag:s12], $0x1000  }
0xbc: {  	[sflag:s12] =	ssyncset.done $0x0  }
0xbd: {  	s17 =	simm.s32 $0x2500;
	[sflag:s12] =	ssyncadd.s32 $0xFFFFF000  }
0xbe: {  	[tilespmem:s15], [sflag:$0x1] =	stream.indirect.gather [hbm4b:s4+s14], $0x10, s17, s14, $0xb8;
	[tilespmem:$0xD620] =	vst v63  }
0xbf: {  	_ =	swait.ge [sflag:s25], $0x1000  }
0xc0: {  	[sflag:s25] =	ssyncset.done $0x0  }
0xc1: {  	s19 =	simm.s32 $0x4C10;
	[sflag:s25] =	ssyncadd.s32 $0xFFFFF000  }
0xc2: {  	[spmem:s2] =	stream.indirect.scatter.add.f32 [tilespmem:s15], [sflag:$0x7], $0x10, s19, s14, $0xb8;
	[tilespmem:$0xD620] =	vst v63  }
0xc3: {  	_ =	swait.ge [sflag:s12], $0x1000  }
0xc4: {  	[sflag:s12] =	ssyncset.done $0x0  }
0xc5: {  	s17 =	simm.s32 $0x2600;
	[sflag:s12] =	ssyncadd.s32 $0xFFFFF000  }
0xc6: {  	[tilespmem:s15], [sflag:$0x1] =	stream.indirect.gather [hbm4b:s4+s14], $0x10, s17, s14, $0xb8;
	[tilespmem:$0xD620] =	vst v63  }
0xc7: {  	_ =	swait.ge [sflag:s25], $0x1000  }
0xc8: {  	[sflag:s25] =	ssyncset.done $0x0  }
0xc9: {  	s19 =	simm.s32 $0x4D10;
	[sflag:s25] =	ssyncadd.s32 $0xFFFFF000  }
0xca: {  	[spmem:s2] =	stream.indirect.scatter.add.f32 [tilespmem:s15], [sflag:$0x7], $0x10, s19, s14, $0xb8;
	[tilespmem:$0xD620] =	vst v63  }
0xcb: {  	_ =	swait.ge [sflag:s12], $0x1000  }
0xcc: {  	[sflag:s12] =	ssyncset.done $0x0  }
0xcd: {  	[sflag:s12] =	ssyncadd.s32 $0xFFFFF000  }
0xce: {  	[tilespmem:s15], [sflag:$0x1] =	stream.indirect.gather [hbm4b:s4+s21], $0x10, s23, s21, $0xb8;
	[tilespmem:$0xD620] =	vst v63  }
0xcf: {  	_ =	swait.ge [sflag:s25], $0x100  }
0xd0: {  	[sflag:s25] =	ssyncset.done $0x0  }
0xd1: {  	[sflag:s25] =	ssyncadd.s32 $0xFFFFFF00  }
0xd2: {  	[spmem:s2] =	stream.indirect.scatter.add.f32 [tilespmem:s15], [sflag:$0x7], $0x10, s1, s21, $0xb8;
	[tilespmem:$0xD620] =	vst v63  }
0xd3: {  	_ =	swait.ge [sflag:s12], $0x100  }
0xd4: {  	s0 =	sadd.s32 $0x1, s0;
	[sflag:s12] =	ssyncset.done $0x0  }
0xd5: {  	p0 =	sne.s32 s0, s10;
	[sflag:s12] =	ssyncadd.s32 $0xFFFFFF00  }
.Ltmp1:
0xd6: {  	[bflag:$0x0] =	sbarrier.arrive $0xFFFF;
	(pc) =	sbr.rel @p0 .LBB2_1-.Ltmp1, $4  }
0xd7: {  	[hbm:s9], [sflag:s6] =	dma.local [spmem:s11], $0x500  }
0xd8: {  	_ =	swait.ge [sflag:s12], $0x500  }
0xd9: {  	[sflag:s12] =	ssyncset.done $0x0  }
0xda: {  	[sflag:s12] =	ssyncadd.s32 $0xFFFFFB00  }
0xdb: {  	_ =	sfence.sel $0x180000  }
0xdc: {  	[bflag:$0x0] =	sbarrier.arrive $0xFFFF  }
0xdd: {  	_ =	strace $0x9000004A  }
0xde: {  	s0 =	stileid.u32;
	[bflag:$0x2] =	sbarrier.arrive $0xFFFF  }
0xdf: {  	p0 =	sne.s32 s0, $0x0;
	s0 =	rddreg [dreg:$0x2]  }
0xe0: {  	s0 =	sadd.s32 @!p0 $0x100000, s0  }
0xe1: {  	[sflag:s0] =	ssyncadd.tile.s32 @!p0 $0x1;
	_ =	shalt  }
.Lfunc_end2:
_tile_overlayer_lowered:
.L_overlay_start_2:
0xe2: {  	(tag) =	ssettag $0x2  }
0xe3: {  	s0 =	rddreg [dreg:$0x0];
	s2 =	stileid.u32  }
0xe4: {  	s1 =	rddreg [dreg:$0x1];
	p0 =	sne.s32 s2, $0x0  }
0xe5: {  	s3 =	rddreg [dreg:$0x2];
	[bflag:$0x3] =	sbarrier.arrive $0xFFFF;
	s2 =	simm.s32 @!p0 $0x1C07  }
0xe6: {  	[timem:s3], [sflag:s2] =	dma.local @!p0 [hbm:s0], s1  }
0xe7: {  	s0 =	simm.s32 @!p0 $0x7  }
0xe8: {  	_ =	swait.ge @!p0 [sflag:s0], s1  }
0xe9: {  	s1 =	ssub.s32 @!p0 $0x0, s1;
	[sflag:s0] =	ssyncset.done @!p0 $0x0  }
0xea: {  	[sflag:s0] =	ssyncadd.s32 @!p0 s1  }
0xeb: {  	[bflag:$0x3] =	sbarrier.arrive $0xFFFF  }
0xec: {  	_ =	shalt  }

// kernel: kernel.14.cloned.1.call-start
scs
__scs_entry_jumppad:
0x0: {  	(pc) =	sbr.rel $0x88, $3  }
0x1: {  	(tag) =	ssettag $0x0;
	lr =	simm.s32 $0x1  }
0x2: {  	[smem:$0x3F98] =	sst lr;
	_ =	strace $0xD0000000  }
0x3: {  	_ = 	snop  }
0x4: {  	_ = 	snop  }
0x5: {  	_ = 	snop  }
0x6: {  	_ = 	snop  }
0x7: {  	_ = 	snop  }
__scs_overlays_trampoline_lowered:
0x8: {  	[smem:$0x3FA7] =	sst s0  }
0x9: {  	[smem:$0x3FA8] =	sst s1  }
0xa: {  	[smem:$0x3FA9] =	sst s2  }
0xb: {  	[smem:$0x3FAA] =	sst s3  }
0xc: {  	[smem:$0x3FAB] =	sst s4  }
0xd: {  	[smem:$0x3FAC] =	sst s5  }
0xe: {  	[smem:$0x3FAD] =	sst s6  }
0xf: {  	[smem:$0x3FAE] =	sst s7  }
0x10: {  	[smem:$0x3FAF] =	sst s8  }
0x11: {  	[smem:$0x3FB0] =	sst s9;
	s0 =	simm.s32 @!p0 $0x0  }
0x12: {  	s1 =	sld [smem:$0x3F96];
	s0 =	simm.s32 @p0 $0x1  }
0x13: {  	[smem:$0x3FB1] =	sst s0;
	s0 =	simm.s32 @!p1 $0x0  }
0x14: {  	s2 =	sld [smem:$0x3F95];
	s0 =	simm.s32 @p1 $0x1  }
0x15: {  	[smem:$0x3FB2] =	sst s0;
	s0 =	simm.s32 @!p2 $0x0  }
0x16: {  	s3 =	sld [smem:$0x3FDB];
	s0 =	simm.s32 @p2 $0x1  }
0x17: {  	s4 =	simm.s32 $0x1BF5;
	[smem:$0x3FB4] =	sst s0  }
0x18: {  	s0 =	sld [smem:$0x3F97];
	_ =	swait.ge [sflag:s4], $0x0  }
0x19: {  	s7 =	sld [smem:$0x3F98]  }
0x1a: {  	s8 =	sadd.s32 $0xFFFFE003, lr  }
0x1b: {  	s9 =	sadd.s32 $0xFFFFFEF7, lr;
	s5 =	simm.s32 $0xFFFFFFFF;
	p2 =	slt.u32 s8, $0xFFFFF086  }
0x1c: {  	p1 =	slt.u32 s9, $0xF7A;
	s5 =	simm.s32 @!p2 $0x0  }
0x1d: {  	s5 =	simm.s32 @p1 $0x1;
	p0 =	seq.s32 s7, s2  }
0x1e: {  	s7 =	smul.u32 @!p0 $0xF7A, s2;
	p2 =	seq.s32 @!p0 s5, $0x0  }
0x1f: {  	s9 =	smul.u32 $0xF7A, s1;
	s8 =	simm.s32 @!p0 $0x1BF5;
	p2 =	por !p2, p0  }
0x20: {  	[sflag:s8] =	ssyncset.s32 @!p0 $0xFFFFF086;
	s6 =	sadd.s32 @!p0 s3, s7;
	s7 =	simm.s32 @!p0 $0x108  }
0x21: {  	s3 =	sadd.s32 s3, s9;
	s6 =	sadd.s32 @!p0 $0x88, s6;
	s7 =	simm.s32 @p2 $0x1082  }
0x22: {  	[simem:s7], [sflag:s8] =	dma.local @!p0 [hbm:s6], $0xF7A  }
0x23: {  	s9 =	sor.u32 $0xD0000000, s2;
	s6 =	simm.s32 $0x108;
	_ =	swait.ge @!p0 [sflag:s8], $0x0  }
0x24: {  	s3 =	sadd.s32 $0x88, s3;
	s6 =	simm.s32 @!p1 $0x1082;
	[sflag:s4] =	ssyncset.s32 $0xFFFFF086  }
0x25: {  	[simem:s6], [sflag:s4] =	dma.local [hbm:s3], $0xF7A  }
0x26: {  	[smem:$0x3F98] =	sst s1;
	(tag) =	ssettag s2;
	_ =	strace s9  }
0x27: {  	s1 =	sld [smem:$0x3FA8]  }
0x28: {  	s2 =	sld [smem:$0x3FA9]  }
0x29: {  	s4 =	sld [smem:$0x3FAB]  }
0x2a: {  	p0 =	seq.s32 s5, $0x0;
	s5 =	sld [smem:$0x3FAC]  }
0x2b: {  	s6 =	sld [smem:$0x3FAD]  }
0x2c: {  	s7 =	sld [smem:$0x3FAE]  }
0x2d: {  	s3 =	simm.s32 $0x108;
	s8 =	sld [smem:$0x3FAF]  }
0x2e: {  	s3 =	simm.s32 @!p0 $0x1082;
	s9 =	sld [smem:$0x3FB0]  }
0x2f: {  	lr =	sadd.s32 s0, s3;
	s0 =	sld [smem:$0x3FA7]  }
0x30: {  	s3 =	sld [smem:$0x3FAA]  }
0x31: {  	[smem:$0x3FB3] =	sst s10  }
0x32: {  	s10 =	sld [smem:$0x3FB1];
	_ =	sdelay $0x3  }
0x33: {  	p0 =	seq.s32 s10, $0x1;
	s10 =	sld [smem:$0x3FB3];
	_ =	sdelay $0x3  }
0x34: {  	[smem:$0x3FB3] =	sst s10  }
0x35: {  	s10 =	sld [smem:$0x3FB2];
	_ =	sdelay $0x3  }
0x36: {  	p1 =	seq.s32 s10, $0x1;
	s10 =	sld [smem:$0x3FB3];
	_ =	sdelay $0x3  }
0x37: {  	[smem:$0x3FB3] =	sst s10  }
0x38: {  	s10 =	sld [smem:$0x3FB4]  }
0x39: {  	_ = 	snop;
	(pc) =	sbr.ind lr, $3  }
0x3a: {  	_ = 	snop  }
0x3b: {  	_ = 	snop  }
0x3c: {  	p2 =	seq.s32 s10, $0x1;
	s10 =	sld [smem:$0x3FB3]  }
0x3d: {  	_ =	shalt  }
0x3e: {  	_ =	shalt  }
0x3f: {  	_ =	shalt  }
0x40: {  	_ =	shalt  }
0x41: {  	_ =	shalt  }
0x42: {  	_ =	shalt  }
0x43: {  	_ =	shalt  }
0x44: {  	_ =	shalt  }
0x45: {  	_ =	shalt  }
0x46: {  	_ =	shalt  }
0x47: {  	_ =	shalt  }
0x48: {  	_ =	shalt  }
0x49: {  	_ =	shalt  }
0x4a: {  	_ =	shalt  }
0x4b: {  	_ =	shalt  }
0x4c: {  	_ =	shalt  }
0x4d: {  	_ =	shalt  }
0x4e: {  	_ =	shalt  }
0x4f: {  	_ =	shalt  }
0x50: {  	_ =	shalt  }
0x51: {  	_ =	shalt  }
0x52: {  	_ =	shalt  }
0x53: {  	_ =	shalt  }
0x54: {  	_ =	shalt  }
0x55: {  	_ =	shalt  }
0x56: {  	_ =	shalt  }
0x57: {  	_ =	shalt  }
0x58: {  	_ =	shalt  }
0x59: {  	_ =	shalt  }
0x5a: {  	_ =	shalt  }
0x5b: {  	_ =	shalt  }
0x5c: {  	_ =	shalt  }
0x5d: {  	_ =	shalt  }
0x5e: {  	_ =	shalt  }
0x5f: {  	_ =	shalt  }
0x60: {  	_ =	shalt  }
0x61: {  	_ =	shalt  }
0x62: {  	_ =	shalt  }
0x63: {  	_ =	shalt  }
0x64: {  	_ =	shalt  }
0x65: {  	_ =	shalt  }
0x66: {  	_ =	shalt  }
0x67: {  	_ =	shalt  }
0x68: {  	_ =	shalt  }
0x69: {  	_ =	shalt  }
0x6a: {  	_ =	shalt  }
0x6b: {  	_ =	shalt  }
0x6c: {  	_ =	shalt  }
0x6d: {  	_ =	shalt  }
0x6e: {  	_ =	shalt  }
0x6f: {  	_ =	shalt  }
0x70: {  	_ =	shalt  }
0x71: {  	_ =	shalt  }
0x72: {  	_ =	shalt  }
0x73: {  	_ =	shalt  }
0x74: {  	_ =	shalt  }
0x75: {  	_ =	shalt  }
0x76: {  	_ =	shalt  }
0x77: {  	_ =	shalt  }
0x78: {  	_ =	shalt  }
0x79: {  	_ =	shalt  }
0x7a: {  	_ =	shalt  }
0x7b: {  	_ =	shalt  }
0x7c: {  	_ =	shalt  }
0x7d: {  	_ =	shalt  }
0x7e: {  	_ =	shalt  }
0x7f: {  	_ =	shalt  }
0x80: {  	_ =	shalt  }
0x81: {  	_ =	shalt  }
0x82: {  	_ =	shalt  }
0x83: {  	_ =	shalt  }
0x84: {  	_ =	shalt  }
0x85: {  	_ =	shalt  }
0x86: {  	_ =	shalt  }
0x87: {  	_ =	shalt  }
.Lfunc_end0:
.L_simem_size_0:
called_computation.2_lowered:
.L_overlay_start_0:
0x88: {  	s2 =	sld [smem:$0x3FD9]  }
0x89: {  	s3 =	sld [smem:$0x3FFE];
	_ =	sdelay $0x1  }
0x8a: {  	s1 =	srdreg.scid  }
0x8b: {  	s0 =	sand.u32 $0x1, s1  }
0x8c: {  	s16 =	sshll.u32 s0, $0xA;
	s2 =	sadd.s32 s3, s2  }
0x8d: {  	s2 =	sadd.s32 s2, s16  }
0x8e: {  	[smem:$0x3FBF] =	sst s2  }
0x8f: {  	_ = 	snop  }
0x90: {  	(tm) =	ssettm $0x1  }
0x91: {  	s17 =	sld [smem:$0x3FFB];
	_ =	sdelay $0x3  }
0x92: {  	_ =	strace s17  }
0x93: {  	s2 =	sld [smem:$0x3FFC];
	_ =	sdelay $0x3  }
0x94: {  	_ =	strace s2  }
0x95: {  	s2 =	sld [smem:$0x3FFD];
	_ =	sdelay $0x3  }
0x96: {  	_ =	strace s2  }
0x97: {  	_ =	strace $0x8FFFFFFF  }
0x98: {  	s18 =	sld [smem:$0x3FDB];
	_ =	sdelay $0x1  }
0x99: {  	s19 =	simm.s32 $_scs_section_size  }
0x9a: {  	s4 =	simm.s32 $_size__tile_overlayer_lowered;
	s5 =	simm.s32 $_tile_overlayer_lowered  }
0x9b: {  	s22 =	simm.s32 $0x1BFF;
	s21 =	sshll.u32 s5, $0x1;
	s2 =	sadd.s32 s19, s18  }
0x9c: {  	s6 =	simm.s32 $0x0;
	s20 =	sshll.u32 s4, $0x1;
	s4 =	sadd.s32 s21, s2  }
0x9d: {  	[timem:s6], [sflag:s22] =	dma.local [hbm:s4], s20  }
0x9e: {  	_ =	swait.ge [sflag:s22], s20  }
0x9f: {  	s3 =	ssub.s32 $0x0, s20;
	[sflag:s22] =	ssyncset.done $0x0  }
0xa0: {  	[sflag:s22] =	ssyncadd.s32 s3;
	_ =	sdelay $0x1  }
0xa1: {  	s23 =	simm.s32 $0x1B8B  }
0xa2: {  	_ =	swait.ge [sflag:s23], $0x1  }
0xa3: {  	[sflag:s23] =	ssyncset.done $0x0  }
0xa4: {  	s25 =	simm.s32 $0x1B8E;
	s24 =	sld [smem:$0x3FFE];
	[sflag:s23] =	ssyncadd.s32 $0xFFFFFFFF  }
0xa5: {  	s26 =	simm.s32 $execute0_lowered;
	[smem:$0x3FD2] =	sst s25  }
0xa6: {  	s4 =	sshll.u32 s26, $0x1;
	_ =	strace $0x8000004C;
	[dreg:$0x1] =	wrdreg $0xFFFFFFFF  }
0xa7: {  	s28 =	simm.s32 $_size_execute0_lowered;
	s2 =	sadd.s32 s2, s4;
	[dreg:$0x0] =	wrdreg $0x0  }
0xa8: {  	s4 =	sshll.u32 s28, $0x1;
	[dreg:$0x2] =	wrdreg s2  }
0xa9: {  	[dreg:$0x3] =	wrdreg s4  }
0xaa: {  	[dreg:$0x4] =	wrdreg $0xC0  }
0xab: {  	_ =	task [dreg:s6], $0x5FFFF  }
0xac: {  	[dreg:$0x1] =	wrdreg $0xFFFFFFFF  }
0xad: {  	[dreg:$0x0] =	wrdreg $0x60  }
0xae: {  	[dreg:$0x2] =	wrdreg s24  }
0xaf: {  	[dreg:$0x3] =	wrdreg $0x10E200  }
0xb0: {  	[dreg:$0x4] =	wrdreg $0x9  }
0xb1: {  	_ =	task.clear_ibuf [dreg:s6], $0x5FFFF;
	_ =	strace $0x9000004C  }
0xb2: {  	s29 =	simm.s32 $0x9;
	_ =	strace $0x8000004E  }
0xb3: {  	_ =	swait.ge [sflag:s29], $0x1  }
0xb4: {  	[sflag:s29] =	ssyncadd.s32 $0xFFFFFFFF  }
0xb5: {  	_ =	strace $0x9000004E  }
0xb6: {  	_ =	sfence  }
0xb7: {  	s30 =	sld [smem:$0x0];
	_ =	sdelay $0x2  }
0xb8: {  	s31 =	sshll.u32 s1, $0xD;
	s1 =	sshrl.u32 s1, $0x2  }
0xb9: {  	s3 =	sand.u32 $0x4000, s31;
	s1 =	sadd.s32 s1, s30  }
0xba: {  	s0 =	sor.u32 s3, s0;
	s1 =	sshll.u32 s1, $0x11  }
0xbb: {  	s0 =	sor.u32 s1, s0  }
0xbc: {  	s0 =	sadd.s32 $0x8F2B, s0  }
0xbd: {  	[sflag:s0] =	ssyncadd.remote.s32 $0x1  }
0xbe: {  	_ =	sfence.sel $0xFFFF  }
0xbf: {  	[dreg:$0x0] =	wrdreg $0xFFFFFFFF;
	(pc) =	sbr.abs _section_cstart, $3  }
0xc0: {  	[dreg:$0x1] =	wrdreg $0xFFFFFFFF  }
0xc1: {  	_ =	task.clear_ibuf [dreg:s6], $0x2FFFF;
	_ =	strace $0x9FFFFFFF  }
0xc2: {  	(tm) =	ssettm $0x7FFFFFFF  }
0xc3: {  	_ =	shalt  }
tec
execute0_lowered:
.L_overlay_start_1:
0x0: {  	(tag) =	ssettag $0x1  }
0x1: {  	s0 =	srdreg.scid  }
0x2: {  	s10 =	stileid.u32;
	s5 =	rddreg [dreg:$0x0]  }
0x3: {  	s2 =	rddreg [dreg:$0x1];
	s3 =	simm.s32 $0x0;
	s12 =	simm.s32 $0x7  }
0x4: {  	s14 =	simm.s32 $0x100;
	s15 =	simm.s32 $0x4E20;
	s16 =	simm.s32 $0x6E20  }
0x5: {  	s18 =	simm.s32 $0x8E20;
	s20 =	simm.s32 $0xAE20;
	s22 =	simm.s32 $0xCE20  }
0x6: {  	s24 =	simm.s32 $0xEE20;
	s28 =	simm.s32 $0x3;
	s29 =	simm.s32 $0x4  }
0x7: {  	s30 =	simm.s32 $0x5;
	s31 =	simm.s32 $0x6;
	s21 =	simm.s32 $0x10  }
0x8: {  	s23 =	simm.s32 $0x2700;
	s0 =	sand.u32 $0x1, s0;
	s1 =	sshll.u32 s10, $0x1  }
0x9: {  	s6 =	smul.u32 $0x5000, s10;
	[smem:$0x7FF] =	sst s3;
	s4 =	sadd.s32 $0x15E00, s5  }
0xa: {  	s26 =	sshll.u32 s10, $0x6;
	s1 =	sor.u32 s0, s1;
	s7 =	smul.u32 $0x50000, s0  }
0xb: {  	_ =	strace $0x8000004D;
	s0 =	ssub.s32 $0x2, s0;
	s1 =	smul.u32 $0x2710, s1  }
0xc: {  	s8 =	sshrl.u32 s6, $0x3;
	s25 =	sshrl.u32 s0, $0x1;
	s11 =	sadd.s32 s6, s2  }
0xd: {  	s7 =	sadd.s32 s6, s7;
	s8 =	sadd.s32 s8, s5;
	s0 =	ssub.s32 s0, s25  }
0xe: {  	s6 =	sor.u32 $0x1C07, s26;
	s11 =	sshrl.u32 s11, $0x3;
	s25 =	simm.s32 $0x1  }
0xf: {  	s26 =	simm.s32 $0x2;
	s1 =	sshrl.u32 s1, $0x3;
	s7 =	sshrl.u32 s7, $0x3  }
0x10: {  	s10 =	smax.u32 s0, $0x1;
	s0 =	simm.s32 $0x0;
	s1 =	sadd.s32 s1, s5  }
0x11: {  	s9 =	sadd.s32 s7, s5;
	s5 =	sadd.s32 $0x1FC00, s8;
	s7 =	sadd.s32 $0x2400, s1  }
0x12: {  	s8 =	sadd.s32 $0xC040, s1;
	s9 =	sadd.s32 $0x29C00, s9;
	s1 =	simm.s32 $0x4E10  }
.LBB2_1:
0x13: {  	[spmem:s11], [sflag:s6] =	dma.local [hbm:s5], $0xA00  }
0x14: {  	_ =	swait.ge [sflag:s12], $0xA00  }
0x15: {  	[sflag:s12] =	ssyncset.done $0x0  }
0x16: {  	[sflag:s12] =	ssyncadd.s32 $0xFFFFF600  }
0x17: {  	[tilespmem:s3], [sflag:$0x7] =	stream.linear.gather [hbm4b:s7+s3], $0x2710, $0x38;
	[tilespmem:$0x15E20] =	vst v63  }
0x18: {  	_ =	swait.ge [sflag:s12], $0x2710  }
0x19: {  	[sflag:s12] =	ssyncset.done $0x0  }
0x1a: {  	s13 =	simm.s32 $0x2710;
	[sflag:s12] =	ssyncadd.s32 $0xFFFFD8F0  }
0x1b: {  	[tilespmem:s13], [sflag:$0x7] =	stream.linear.gather [hbm4b:s8+s3], $0x2710, $0x38;
	[tilespmem:$0x15E20] =	vst v63  }
0x1c: {  	_ =	swait.ge [sflag:s12], $0x2710  }
0x1d: {  	[sflag:s12] =	ssyncset.done $0x0  }
0x1e: {  	[sflag:s12] =	ssyncadd.s32 $0xFFFFD8F0  }
0x1f: {  	[bflag:$0x0] =	sbarrier.arrive $0xFFFF  }
0x20: {  	[tilespmem:s15], [sflag:$0x1] =	stream.indirect.gather [hbm4b:s4+s14], $0x20, s3, s14, $0xb8;
	[tilespmem:$0x15E20] =	vst v63  }
0x21: {  	_ = 	snop  }
0x22: {  	[tilespmem:s16], [sflag:$0x2] =	stream.indirect.gather [hbm4b:s4+s14], $0x20, s14, s14, $0xb8;
	[tilespmem:$0x15E20] =	vst v63  }
0x23: {  	s19 =	simm.s32 $0x200  }
0x24: {  	[tilespmem:s18], [sflag:$0x3] =	stream.indirect.gather [hbm4b:s4+s14], $0x20, s19, s14, $0xb8;
	[tilespmem:$0x15E20] =	vst v63  }
0x25: {  	s17 =	simm.s32 $0x300  }
0x26: {  	[tilespmem:s20], [sflag:$0x4] =	stream.indirect.gather [hbm4b:s4+s14], $0x20, s17, s14, $0xb8;
	[tilespmem:$0x15E20] =	vst v63  }
0x27: {  	s19 =	simm.s32 $0x400  }
0x28: {  	[tilespmem:s22], [sflag:$0x5] =	stream.indirect.gather [hbm4b:s4+s14], $0x20, s19, s14, $0xb8;
	[tilespmem:$0x15E20] =	vst v63  }
0x29: {  	s17 =	simm.s32 $0x500  }
0x2a: {  	[tilespmem:s24], [sflag:$0x6] =	stream.indirect.gather [hbm4b:s4+s14], $0x20, s17, s14, $0xb8;
	[tilespmem:$0x15E20] =	vst v63  }
0x2b: {  	_ =	swait.ge [sflag:s25], $0x2000  }
0x2c: {  	[sflag:s25] =	ssyncset.done $0x0  }
0x2d: {  	s19 =	simm.s32 $0x2710;
	[sflag:s25] =	ssyncadd.s32 $0xFFFFE000  }
0x2e: {  	[spmem:s2] =	stream.indirect.scatter.add.f32 [tilespmem:s15], [sflag:$0x7], $0x20, s19, s14, $0xb8;
	[tilespmem:$0x15E20] =	vst v63  }
0x2f: {  	_ =	swait.ge [sflag:s12], $0x2000  }
0x30: {  	[sflag:s12] =	ssyncset.done $0x0  }
0x31: {  	s17 =	simm.s32 $0x600;
	[sflag:s12] =	ssyncadd.s32 $0xFFFFE000  }
0x32: {  	[tilespmem:s15], [sflag:$0x1] =	stream.indirect.gather [hbm4b:s4+s14], $0x20, s17, s14, $0xb8;
	[tilespmem:$0x15E20] =	vst v63  }
0x33: {  	_ =	swait.ge [sflag:s26], $0x2000  }
0x34: {  	[sflag:s26] =	ssyncset.done $0x0  }
0x35: {  	s19 =	simm.s32 $0x2810;
	[sflag:s26] =	ssyncadd.s32 $0xFFFFE000  }
0x36: {  	[spmem:s2] =	stream.indirect.scatter.add.f32 [tilespmem:s16], [sflag:$0x7], $0x20, s19, s14, $0xb8;
	[tilespmem:$0x15E20] =	vst v63  }
0x37: {  	_ =	swait.ge [sflag:s12], $0x2000  }
0x38: {  	[sflag:s12] =	ssyncset.done $0x0  }
0x39: {  	s17 =	simm.s32 $0x700;
	[sflag:s12] =	ssyncadd.s32 $0xFFFFE000  }
0x3a: {  	[tilespmem:s16], [sflag:$0x2] =	stream.indirect.gather [hbm4b:s4+s14], $0x20, s17, s14, $0xb8;
	[tilespmem:$0x15E20] =	vst v63  }
0x3b: {  	_ =	swait.ge [sflag:s28], $0x2000  }
0x3c: {  	[sflag:s28] =	ssyncset.done $0x0  }
0x3d: {  	s19 =	simm.s32 $0x2910;
	[sflag:s28] =	ssyncadd.s32 $0xFFFFE000  }
0x3e: {  	[spmem:s2] =	stream.indirect.scatter.add.f32 [tilespmem:s18], [sflag:$0x7], $0x20, s19, s14, $0xb8;
	[tilespmem:$0x15E20] =	vst v63  }
0x3f: {  	_ =	swait.ge [sflag:s12], $0x2000  }
0x40: {  	[sflag:s12] =	ssyncset.done $0x0  }
0x41: {  	s17 =	simm.s32 $0x800;
	[sflag:s12] =	ssyncadd.s32 $0xFFFFE000  }
0x42: {  	[tilespmem:s18], [sflag:$0x3] =	stream.indirect.gather [hbm4b:s4+s14], $0x20, s17, s14, $0xb8;
	[tilespmem:$0x15E20] =	vst v63  }
0x43: {  	_ =	swait.ge [sflag:s29], $0x2000  }
0x44: {  	[sflag:s29] =	ssyncset.done $0x0  }
0x45: {  	s19 =	simm.s32 $0x2A10;
	[sflag:s29] =	ssyncadd.s32 $0xFFFFE000  }
0x46: {  	[spmem:s2] =	stream.indirect.scatter.add.f32 [tilespmem:s20], [sflag:$0x7], $0x20, s19, s14, $0xb8;
	[tilespmem:$0x15E20] =	vst v63  }
0x47: {  	_ =	swait.ge [sflag:s12], $0x2000  }
0x48: {  	[sflag:s12] =	ssyncset.done $0x0  }
0x49: {  	s17 =	simm.s32 $0x900;
	[sflag:s12] =	ssyncadd.s32 $0xFFFFE000  }
0x4a: {  	[tilespmem:s20], [sflag:$0x4] =	stream.indirect.gather [hbm4b:s4+s14], $0x20, s17, s14, $0xb8;
	[tilespmem:$0x15E20] =	vst v63  }
0x4b: {  	_ =	swait.ge [sflag:s30], $0x2000  }
0x4c: {  	[sflag:s30] =	ssyncset.done $0x0  }
0x4d: {  	s19 =	simm.s32 $0x2B10;
	[sflag:s30] =	ssyncadd.s32 $0xFFFFE000  }
0x4e: {  	[spmem:s2] =	stream.indirect.scatter.add.f32 [tilespmem:s22], [sflag:$0x7], $0x20, s19, s14, $0xb8;
	[tilespmem:$0x15E20] =	vst v63  }
0x4f: {  	_ =	swait.ge [sflag:s12], $0x2000  }
0x50: {  	[sflag:s12] =	ssyncset.done $0x0  }
0x51: {  	s17 =	simm.s32 $0xA00;
	[sflag:s12] =	ssyncadd.s32 $0xFFFFE000  }
0x52: {  	[tilespmem:s22], [sflag:$0x5] =	stream.indirect.gather [hbm4b:s4+s14], $0x20, s17, s14, $0xb8;
	[tilespmem:$0x15E20] =	vst v63  }
0x53: {  	_ =	swait.ge [sflag:s31], $0x2000  }
0x54: {  	[sflag:s31] =	ssyncset.done $0x0  }
0x55: {  	s19 =	simm.s32 $0x2C10;
	[sflag:s31] =	ssyncadd.s32 $0xFFFFE000  }
0x56: {  	[spmem:s2] =	stream.indirect.scatter.add.f32 [tilespmem:s24], [sflag:$0x7], $0x20, s19, s14, $0xb8;
	[tilespmem:$0x15E20] =	vst v63  }
0x57: {  	_ =	swait.ge [sflag:s12], $0x2000  }
0x58: {  	[sflag:s12] =	ssyncset.done $0x0  }
0x59: {  	s13 =	simm.s32 $0x1800;
	s17 =	simm.s32 $0xB00;
	[sflag:s12] =	ssyncadd.s32 $0xFFFFE000  }
.LBB2_2:
0x5a: {  	[tilespmem:s24], [sflag:$0x6] =	stream.indirect.gather [hbm4b:s4+s14], $0x20, s17, s14, $0xb8;
	[tilespmem:$0x15E20] =	vst v63  }
0x5b: {  	s17 =	smov.u32 s13  }
0x5c: {  	p0 =	sne.s32 s13, $0x6000;
	s13 =	sadd.s32 $0x1800, s13;
	_ =	swait.ge [sflag:s25], $0x2000  }
0x5d: {  	s17 =	sshra.s32 s17, $0x2;
	[sflag:s25] =	ssyncset.done $0x0  }
0x5e: {  	s19 =	sadd.s32 $0x2710, s17;
	[sflag:s25] =	ssyncadd.s32 $0xFFFFE000  }
0x5f: {  	[spmem:s2] =	stream.indirect.scatter.add.f32 [tilespmem:s15], [sflag:$0x7], $0x20, s19, s14, $0xb8;
	[tilespmem:$0x15E20] =	vst v63  }
0x60: {  	_ =	swait.ge [sflag:s12], $0x2000  }
0x61: {  	[sflag:s12] =	ssyncset.done $0x0  }
0x62: {  	s19 =	sadd.s32 $0x600, s17;
	[sflag:s12] =	ssyncadd.s32 $0xFFFFE000  }
0x63: {  	[tilespmem:s15], [sflag:$0x1] =	stream.indirect.gather [hbm4b:s4+s14], $0x20, s19, s14, $0xb8;
	[tilespmem:$0x15E20] =	vst v63  }
0x64: {  	_ =	swait.ge [sflag:s26], $0x2000  }
0x65: {  	[sflag:s26] =	ssyncset.done $0x0  }
0x66: {  	s19 =	sadd.s32 $0x2810, s17;
	[sflag:s26] =	ssyncadd.s32 $0xFFFFE000  }
0x67: {  	[spmem:s2] =	stream.indirect.scatter.add.f32 [tilespmem:s16], [sflag:$0x7], $0x20, s19, s14, $0xb8;
	[tilespmem:$0x15E20] =	vst v63  }
0x68: {  	_ =	swait.ge [sflag:s12], $0x2000  }
0x69: {  	[sflag:s12] =	ssyncset.done $0x0  }
0x6a: {  	s19 =	sadd.s32 $0x700, s17;
	[sflag:s12] =	ssyncadd.s32 $0xFFFFE000  }
0x6b: {  	[tilespmem:s16], [sflag:$0x2] =	stream.indirect.gather [hbm4b:s4+s14], $0x20, s19, s14, $0xb8;
	[tilespmem:$0x15E20] =	vst v63  }
0x6c: {  	_ =	swait.ge [sflag:s28], $0x2000  }
0x6d: {  	[sflag:s28] =	ssyncset.done $0x0  }
0x6e: {  	s19 =	sadd.s32 $0x2910, s17;
	[sflag:s28] =	ssyncadd.s32 $0xFFFFE000  }
0x6f: {  	[spmem:s2] =	stream.indirect.scatter.add.f32 [tilespmem:s18], [sflag:$0x7], $0x20, s19, s14, $0xb8;
	[tilespmem:$0x15E20] =	vst v63  }
0x70: {  	_ =	swait.ge [sflag:s12], $0x2000  }
0x71: {  	[sflag:s12] =	ssyncset.done $0x0  }
0x72: {  	s19 =	sadd.s32 $0x800, s17;
	[sflag:s12] =	ssyncadd.s32 $0xFFFFE000  }
0x73: {  	[tilespmem:s18], [sflag:$0x3] =	stream.indirect.gather [hbm4b:s4+s14], $0x20, s19, s14, $0xb8;
	[tilespmem:$0x15E20] =	vst v63  }
0x74: {  	_ =	swait.ge [sflag:s29], $0x2000  }
0x75: {  	[sflag:s29] =	ssyncset.done $0x0  }
0x76: {  	s19 =	sadd.s32 $0x2A10, s17;
	[sflag:s29] =	ssyncadd.s32 $0xFFFFE000  }
0x77: {  	[spmem:s2] =	stream.indirect.scatter.add.f32 [tilespmem:s20], [sflag:$0x7], $0x20, s19, s14, $0xb8;
	[tilespmem:$0x15E20] =	vst v63  }
0x78: {  	_ =	swait.ge [sflag:s12], $0x2000  }
0x79: {  	[sflag:s12] =	ssyncset.done $0x0  }
0x7a: {  	s19 =	sadd.s32 $0x900, s17;
	[sflag:s12] =	ssyncadd.s32 $0xFFFFE000  }
0x7b: {  	[tilespmem:s20], [sflag:$0x4] =	stream.indirect.gather [hbm4b:s4+s14], $0x20, s19, s14, $0xb8;
	[tilespmem:$0x15E20] =	vst v63  }
0x7c: {  	_ =	swait.ge [sflag:s30], $0x2000  }
0x7d: {  	[sflag:s30] =	ssyncset.done $0x0  }
0x7e: {  	s19 =	sadd.s32 $0x2B10, s17;
	[sflag:s30] =	ssyncadd.s32 $0xFFFFE000  }
0x7f: {  	[spmem:s2] =	stream.indirect.scatter.add.f32 [tilespmem:s22], [sflag:$0x7], $0x20, s19, s14, $0xb8;
	[tilespmem:$0x15E20] =	vst v63  }
0x80: {  	_ =	swait.ge [sflag:s12], $0x2000  }
0x81: {  	[sflag:s12] =	ssyncset.done $0x0  }
0x82: {  	s19 =	sadd.s32 $0xA00, s17;
	[sflag:s12] =	ssyncadd.s32 $0xFFFFE000  }
0x83: {  	[tilespmem:s22], [sflag:$0x5] =	stream.indirect.gather [hbm4b:s4+s14], $0x20, s19, s14, $0xb8;
	[tilespmem:$0x15E20] =	vst v63  }
0x84: {  	_ =	swait.ge [sflag:s31], $0x2000  }
0x85: {  	[sflag:s31] =	ssyncset.done $0x0  }
.Ltmp0:
0x86: {  	s19 =	sadd.s32 $0x2C10, s17;
	[sflag:s31] =	ssyncadd.s32 $0xFFFFE000;
	(pc) =	sbr.rel @p0 .LBB2_2-.Ltmp0, $4  }
0x87: {  	[spmem:s2] =	stream.indirect.scatter.add.f32 [tilespmem:s24], [sflag:$0x7], $0x20, s19, s14, $0xb8;
	[tilespmem:$0x15E20] =	vst v63  }
0x88: {  	_ =	swait.ge [sflag:s12], $0x2000  }
0x89: {  	[sflag:s12] =	ssyncset.done $0x0  }
0x8a: {  	s17 =	sadd.s32 $0xB00, s17;
	[sflag:s12] =	ssyncadd.s32 $0xFFFFE000  }
0x8b: {  	[tilespmem:s24], [sflag:$0x6] =	stream.indirect.gather [hbm4b:s4+s14], $0x20, s17, s14, $0xb8;
	[tilespmem:$0x15E20] =	vst v63  }
0x8c: {  	_ =	swait.ge [sflag:s25], $0x2000  }
0x8d: {  	[sflag:s25] =	ssyncset.done $0x0  }
0x8e: {  	s13 =	simm.s32 $0x4510;
	[sflag:s25] =	ssyncadd.s32 $0xFFFFE000  }
0x8f: {  	[spmem:s2] =	stream.indirect.scatter.add.f32 [tilespmem:s15], [sflag:$0x7], $0x20, s13, s14, $0xb8;
	[tilespmem:$0x15E20] =	vst v63  }
0x90: {  	_ =	swait.ge [sflag:s12], $0x2000  }
0x91: {  	[sflag:s12] =	ssyncset.done $0x0  }
0x92: {  	[sflag:s12] =	ssyncadd.s32 $0xFFFFE000  }
0x93: {  	_ =	swait.ge [sflag:s26], $0x2000  }
0x94: {  	[sflag:s26] =	ssyncset.done $0x0  }
0x95: {  	s19 =	simm.s32 $0x4610;
	[sflag:s26] =	ssyncadd.s32 $0xFFFFE000  }
0x96: {  	[spmem:s2] =	stream.indirect.scatter.add.f32 [tilespmem:s16], [sflag:$0x7], $0x20, s19, s14, $0xb8;
	[tilespmem:$0x15E20] =	vst v63  }
0x97: {  	_ =	swait.ge [sflag:s12], $0x2000  }
0x98: {  	[sflag:s12] =	ssyncset.done $0x0  }
0x99: {  	[sflag:s12] =	ssyncadd.s32 $0xFFFFE000  }
0x9a: {  	_ =	swait.ge [sflag:s28], $0x2000  }
0x9b: {  	[sflag:s28] =	ssyncset.done $0x0  }
0x9c: {  	s17 =	simm.s32 $0x4710;
	[sflag:s28] =	ssyncadd.s32 $0xFFFFE000  }
0x9d: {  	[spmem:s2] =	stream.indirect.scatter.add.f32 [tilespmem:s18], [sflag:$0x7], $0x20, s17, s14, $0xb8;
	[tilespmem:$0x15E20] =	vst v63  }
0x9e: {  	_ =	swait.ge [sflag:s12], $0x2000  }
0x9f: {  	[sflag:s12] =	ssyncset.done $0x0  }
0xa0: {  	[sflag:s12] =	ssyncadd.s32 $0xFFFFE000  }
0xa1: {  	_ =	swait.ge [sflag:s29], $0x2000  }
0xa2: {  	[sflag:s29] =	ssyncset.done $0x0  }
0xa3: {  	s19 =	simm.s32 $0x4810;
	[sflag:s29] =	ssyncadd.s32 $0xFFFFE000  }
0xa4: {  	[spmem:s2] =	stream.indirect.scatter.add.f32 [tilespmem:s20], [sflag:$0x7], $0x20, s19, s14, $0xb8;
	[tilespmem:$0x15E20] =	vst v63  }
0xa5: {  	_ =	swait.ge [sflag:s12], $0x2000  }
0xa6: {  	[sflag:s12] =	ssyncset.done $0x0  }
0xa7: {  	[sflag:s12] =	ssyncadd.s32 $0xFFFFE000  }
0xa8: {  	_ =	swait.ge [sflag:s30], $0x2000  }
0xa9: {  	[sflag:s30] =	ssyncset.done $0x0  }
0xaa: {  	s17 =	simm.s32 $0x4910;
	[sflag:s30] =	ssyncadd.s32 $0xFFFFE000  }
0xab: {  	[spmem:s2] =	stream.indirect.scatter.add.f32 [tilespmem:s22], [sflag:$0x7], $0x20, s17, s14, $0xb8;
	[tilespmem:$0x15E20] =	vst v63  }
0xac: {  	_ =	swait.ge [sflag:s12], $0x2000  }
0xad: {  	[sflag:s12] =	ssyncset.done $0x0  }
0xae: {  	[sflag:s12] =	ssyncadd.s32 $0xFFFFE000  }
0xaf: {  	_ =	swait.ge [sflag:s31], $0x2000  }
0xb0: {  	[sflag:s31] =	ssyncset.done $0x0  }
0xb1: {  	s19 =	simm.s32 $0x4A10;
	[sflag:s31] =	ssyncadd.s32 $0xFFFFE000  }
0xb2: {  	[spmem:s2] =	stream.indirect.scatter.add.f32 [tilespmem:s24], [sflag:$0x7], $0x20, s19, s14, $0xb8;
	[tilespmem:$0x15E20] =	vst v63  }
0xb3: {  	_ =	swait.ge [sflag:s12], $0x2000  }
0xb4: {  	[sflag:s12] =	ssyncset.done $0x0  }
0xb5: {  	s17 =	simm.s32 $0x2400;
	[sflag:s12] =	ssyncadd.s32 $0xFFFFE000  }
0xb6: {  	[tilespmem:s15], [sflag:$0x1] =	stream.indirect.gather [hbm4b:s4+s14], $0x20, s17, s14, $0xb8;
	[tilespmem:$0x15E20] =	vst v63  }
0xb7: {  	_ =	swait.ge [sflag:s25], $0x2000  }
0xb8: {  	[sflag:s25] =	ssyncset.done $0x0  }
0xb9: {  	s19 =	simm.s32 $0x4B10;
	[sflag:s25] =	ssyncadd.s32 $0xFFFFE000  }
0xba: {  	[spmem:s2] =	stream.indirect.scatter.add.f32 [tilespmem:s15], [sflag:$0x7], $0x20, s19, s14, $0xb8;
	[tilespmem:$0x15E20] =	vst v63  }
0xbb: {  	_ =	swait.ge [sflag:s12], $0x2000  }
0xbc: {  	[sflag:s12] =	ssyncset.done $0x0  }
0xbd: {  	s17 =	simm.s32 $0x2500;
	[sflag:s12] =	ssyncadd.s32 $0xFFFFE000  }
0xbe: {  	[tilespmem:s15], [sflag:$0x1] =	stream.indirect.gather [hbm4b:s4+s14], $0x20, s17, s14, $0xb8;
	[tilespmem:$0x15E20] =	vst v63  }
0xbf: {  	_ =	swait.ge [sflag:s25], $0x2000  }
0xc0: {  	[sflag:s25] =	ssyncset.done $0x0  }
0xc1: {  	s19 =	simm.s32 $0x4C10;
	[sflag:s25] =	ssyncadd.s32 $0xFFFFE000  }
0xc2: {  	[spmem:s2] =	stream.indirect.scatter.add.f32 [tilespmem:s15], [sflag:$0x7], $0x20, s19, s14, $0xb8;
	[tilespmem:$0x15E20] =	vst v63  }
0xc3: {  	_ =	swait.ge [sflag:s12], $0x2000  }
0xc4: {  	[sflag:s12] =	ssyncset.done $0x0  }
0xc5: {  	s17 =	simm.s32 $0x2600;
	[sflag:s12] =	ssyncadd.s32 $0xFFFFE000  }
0xc6: {  	[tilespmem:s15], [sflag:$0x1] =	stream.indirect.gather [hbm4b:s4+s14], $0x20, s17, s14, $0xb8;
	[tilespmem:$0x15E20] =	vst v63  }
0xc7: {  	_ =	swait.ge [sflag:s25], $0x2000  }
0xc8: {  	[sflag:s25] =	ssyncset.done $0x0  }
0xc9: {  	s19 =	simm.s32 $0x4D10;
	[sflag:s25] =	ssyncadd.s32 $0xFFFFE000  }
0xca: {  	[spmem:s2] =	stream.indirect.scatter.add.f32 [tilespmem:s15], [sflag:$0x7], $0x20, s19, s14, $0xb8;
	[tilespmem:$0x15E20] =	vst v63  }
0xcb: {  	_ =	swait.ge [sflag:s12], $0x2000  }
0xcc: {  	[sflag:s12] =	ssyncset.done $0x0  }
0xcd: {  	[sflag:s12] =	ssyncadd.s32 $0xFFFFE000  }
0xce: {  	[tilespmem:s15], [sflag:$0x1] =	stream.indirect.gather [hbm4b:s4+s21], $0x20, s23, s21, $0xb8;
	[tilespmem:$0x15E20] =	vst v63  }
0xcf: {  	_ =	swait.ge [sflag:s25], $0x200  }
0xd0: {  	[sflag:s25] =	ssyncset.done $0x0  }
0xd1: {  	[sflag:s25] =	ssyncadd.s32 $0xFFFFFE00  }
0xd2: {  	[spmem:s2] =	stream.indirect.scatter.add.f32 [tilespmem:s15], [sflag:$0x7], $0x20, s1, s21, $0xb8;
	[tilespmem:$0x15E20] =	vst v63  }
0xd3: {  	_ =	swait.ge [sflag:s12], $0x200  }
0xd4: {  	s0 =	sadd.s32 $0x1, s0;
	[sflag:s12] =	ssyncset.done $0x0  }
0xd5: {  	p0 =	sne.s32 s0, s10;
	[sflag:s12] =	ssyncadd.s32 $0xFFFFFE00  }
.Ltmp1:
0xd6: {  	[bflag:$0x0] =	sbarrier.arrive $0xFFFF;
	(pc) =	sbr.rel @p0 .LBB2_1-.Ltmp1, $4  }
0xd7: {  	[hbm:s9], [sflag:s6] =	dma.local [spmem:s11], $0xA00  }
0xd8: {  	_ =	swait.ge [sflag:s12], $0xA00  }
0xd9: {  	[sflag:s12] =	ssyncset.done $0x0  }
0xda: {  	[sflag:s12] =	ssyncadd.s32 $0xFFFFF600  }
0xdb: {  	_ =	sfence.sel $0x180000  }
0xdc: {  	[bflag:$0x0] =	sbarrier.arrive $0xFFFF  }
0xdd: {  	_ =	strace $0x9000004D  }
0xde: {  	s0 =	stileid.u32;
	[bflag:$0x2] =	sbarrier.arrive $0xFFFF  }
0xdf: {  	p0 =	sne.s32 s0, $0x0;
	s0 =	rddreg [dreg:$0x2]  }
0xe0: {  	s0 =	sadd.s32 @!p0 $0x100000, s0  }
0xe1: {  	[sflag:s0] =	ssyncadd.tile.s32 @!p0 $0x1;
	_ =	shalt  }
.Lfunc_end2:
_tile_overlayer_lowered:
.L_overlay_start_2:
0xe2: {  	(tag) =	ssettag $0x2  }
0xe3: {  	s0 =	rddreg [dreg:$0x0];
	s2 =	stileid.u32  }
0xe4: {  	s1 =	rddreg [dreg:$0x1];
	p0 =	sne.s32 s2, $0x0  }
0xe5: {  	s3 =	rddreg [dreg:$0x2];
	[bflag:$0x3] =	sbarrier.arrive $0xFFFF;
	s2 =	simm.s32 @!p0 $0x1C07  }
0xe6: {  	[timem:s3], [sflag:s2] =	dma.local @!p0 [hbm:s0], s1  }
0xe7: {  	s0 =	simm.s32 @!p0 $0x7  }
0xe8: {  	_ =	swait.ge @!p0 [sflag:s0], s1  }
0xe9: {  	s1 =	ssub.s32 @!p0 $0x0, s1;
	[sflag:s0] =	ssyncset.done @!p0 $0x0  }
0xea: {  	[sflag:s0] =	ssyncadd.s32 @!p0 s1  }
0xeb: {  	[bflag:$0x3] =	sbarrier.arrive $0xFFFF  }
0xec: {  	_ =	shalt  }

// kernel: kernel.8.cloned.1.call-start
scs
__scs_entry_jumppad:
0x0: {  	(pc) =	sbr.rel $0x88, $3  }
0x1: {  	(tag) =	ssettag $0x0;
	lr =	simm.s32 $0x1  }
0x2: {  	[smem:$0x3F98] =	sst lr;
	_ =	strace $0xD0000000  }
0x3: {  	_ = 	snop  }
0x4: {  	_ = 	snop  }
0x5: {  	_ = 	snop  }
0x6: {  	_ = 	snop  }
0x7: {  	_ = 	snop  }
__scs_overlays_trampoline_lowered:
0x8: {  	[smem:$0x3FA7] =	sst s0  }
0x9: {  	[smem:$0x3FA8] =	sst s1  }
0xa: {  	[smem:$0x3FA9] =	sst s2  }
0xb: {  	[smem:$0x3FAA] =	sst s3  }
0xc: {  	[smem:$0x3FAB] =	sst s4  }
0xd: {  	[smem:$0x3FAC] =	sst s5  }
0xe: {  	[smem:$0x3FAD] =	sst s6  }
0xf: {  	[smem:$0x3FAE] =	sst s7  }
0x10: {  	[smem:$0x3FAF] =	sst s8  }
0x11: {  	[smem:$0x3FB0] =	sst s9;
	s0 =	simm.s32 @!p0 $0x0  }
0x12: {  	s1 =	sld [smem:$0x3F96];
	s0 =	simm.s32 @p0 $0x1  }
0x13: {  	[smem:$0x3FB1] =	sst s0;
	s0 =	simm.s32 @!p1 $0x0  }
0x14: {  	s2 =	sld [smem:$0x3F95];
	s0 =	simm.s32 @p1 $0x1  }
0x15: {  	[smem:$0x3FB2] =	sst s0;
	s0 =	simm.s32 @!p2 $0x0  }
0x16: {  	s3 =	sld [smem:$0x3FDB];
	s0 =	simm.s32 @p2 $0x1  }
0x17: {  	s4 =	simm.s32 $0x1BF5;
	[smem:$0x3FB4] =	sst s0  }
0x18: {  	s0 =	sld [smem:$0x3F97];
	_ =	swait.ge [sflag:s4], $0x0  }
0x19: {  	s7 =	sld [smem:$0x3F98]  }
0x1a: {  	s8 =	sadd.s32 $0xFFFFE003, lr  }
0x1b: {  	s9 =	sadd.s32 $0xFFFFFEF7, lr;
	s5 =	simm.s32 $0xFFFFFFFF;
	p2 =	slt.u32 s8, $0xFFFFF086  }
0x1c: {  	p1 =	slt.u32 s9, $0xF7A;
	s5 =	simm.s32 @!p2 $0x0  }
0x1d: {  	s5 =	simm.s32 @p1 $0x1;
	p0 =	seq.s32 s7, s2  }
0x1e: {  	s7 =	smul.u32 @!p0 $0xF7A, s2;
	p2 =	seq.s32 @!p0 s5, $0x0  }
0x1f: {  	s9 =	smul.u32 $0xF7A, s1;
	s8 =	simm.s32 @!p0 $0x1BF5;
	p2 =	por !p2, p0  }
0x20: {  	[sflag:s8] =	ssyncset.s32 @!p0 $0xFFFFF086;
	s6 =	sadd.s32 @!p0 s3, s7;
	s7 =	simm.s32 @!p0 $0x108  }
0x21: {  	s3 =	sadd.s32 s3, s9;
	s6 =	sadd.s32 @!p0 $0x88, s6;
	s7 =	simm.s32 @p2 $0x1082  }
0x22: {  	[simem:s7], [sflag:s8] =	dma.local @!p0 [hbm:s6], $0xF7A  }
0x23: {  	s9 =	sor.u32 $0xD0000000, s2;
	s6 =	simm.s32 $0x108;
	_ =	swait.ge @!p0 [sflag:s8], $0x0  }
0x24: {  	s3 =	sadd.s32 $0x88, s3;
	s6 =	simm.s32 @!p1 $0x1082;
	[sflag:s4] =	ssyncset.s32 $0xFFFFF086  }
0x25: {  	[simem:s6], [sflag:s4] =	dma.local [hbm:s3], $0xF7A  }
0x26: {  	[smem:$0x3F98] =	sst s1;
	(tag) =	ssettag s2;
	_ =	strace s9  }
0x27: {  	s1 =	sld [smem:$0x3FA8]  }
0x28: {  	s2 =	sld [smem:$0x3FA9]  }
0x29: {  	s4 =	sld [smem:$0x3FAB]  }
0x2a: {  	p0 =	seq.s32 s5, $0x0;
	s5 =	sld [smem:$0x3FAC]  }
0x2b: {  	s6 =	sld [smem:$0x3FAD]  }
0x2c: {  	s7 =	sld [smem:$0x3FAE]  }
0x2d: {  	s3 =	simm.s32 $0x108;
	s8 =	sld [smem:$0x3FAF]  }
0x2e: {  	s3 =	simm.s32 @!p0 $0x1082;
	s9 =	sld [smem:$0x3FB0]  }
0x2f: {  	lr =	sadd.s32 s0, s3;
	s0 =	sld [smem:$0x3FA7]  }
0x30: {  	s3 =	sld [smem:$0x3FAA]  }
0x31: {  	[smem:$0x3FB3] =	sst s10  }
0x32: {  	s10 =	sld [smem:$0x3FB1];
	_ =	sdelay $0x3  }
0x33: {  	p0 =	seq.s32 s10, $0x1;
	s10 =	sld [smem:$0x3FB3];
	_ =	sdelay $0x3  }
0x34: {  	[smem:$0x3FB3] =	sst s10  }
0x35: {  	s10 =	sld [smem:$0x3FB2];
	_ =	sdelay $0x3  }
0x36: {  	p1 =	seq.s32 s10, $0x1;
	s10 =	sld [smem:$0x3FB3];
	_ =	sdelay $0x3  }
0x37: {  	[smem:$0x3FB3] =	sst s10  }
0x38: {  	s10 =	sld [smem:$0x3FB4]  }
0x39: {  	_ = 	snop;
	(pc) =	sbr.ind lr, $3  }
0x3a: {  	_ = 	snop  }
0x3b: {  	_ = 	snop  }
0x3c: {  	p2 =	seq.s32 s10, $0x1;
	s10 =	sld [smem:$0x3FB3]  }
0x3d: {  	_ =	shalt  }
0x3e: {  	_ =	shalt  }
0x3f: {  	_ =	shalt  }
0x40: {  	_ =	shalt  }
0x41: {  	_ =	shalt  }
0x42: {  	_ =	shalt  }
0x43: {  	_ =	shalt  }
0x44: {  	_ =	shalt  }
0x45: {  	_ =	shalt  }
0x46: {  	_ =	shalt  }
0x47: {  	_ =	shalt  }
0x48: {  	_ =	shalt  }
0x49: {  	_ =	shalt  }
0x4a: {  	_ =	shalt  }
0x4b: {  	_ =	shalt  }
0x4c: {  	_ =	shalt  }
0x4d: {  	_ =	shalt  }
0x4e: {  	_ =	shalt  }
0x4f: {  	_ =	shalt  }
0x50: {  	_ =	shalt  }
0x51: {  	_ =	shalt  }
0x52: {  	_ =	shalt  }
0x53: {  	_ =	shalt  }
0x54: {  	_ =	shalt  }
0x55: {  	_ =	shalt  }
0x56: {  	_ =	shalt  }
0x57: {  	_ =	shalt  }
0x58: {  	_ =	shalt  }
0x59: {  	_ =	shalt  }
0x5a: {  	_ =	shalt  }
0x5b: {  	_ =	shalt  }
0x5c: {  	_ =	shalt  }
0x5d: {  	_ =	shalt  }
0x5e: {  	_ =	shalt  }
0x5f: {  	_ =	shalt  }
0x60: {  	_ =	shalt  }
0x61: {  	_ =	shalt  }
0x62: {  	_ =	shalt  }
0x63: {  	_ =	shalt  }
0x64: {  	_ =	shalt  }
0x65: {  	_ =	shalt  }
0x66: {  	_ =	shalt  }
0x67: {  	_ =	shalt  }
0x68: {  	_ =	shalt  }
0x69: {  	_ =	shalt  }
0x6a: {  	_ =	shalt  }
0x6b: {  	_ =	shalt  }
0x6c: {  	_ =	shalt  }
0x6d: {  	_ =	shalt  }
0x6e: {  	_ =	shalt  }
0x6f: {  	_ =	shalt  }
0x70: {  	_ =	shalt  }
0x71: {  	_ =	shalt  }
0x72: {  	_ =	shalt  }
0x73: {  	_ =	shalt  }
0x74: {  	_ =	shalt  }
0x75: {  	_ =	shalt  }
0x76: {  	_ =	shalt  }
0x77: {  	_ =	shalt  }
0x78: {  	_ =	shalt  }
0x79: {  	_ =	shalt  }
0x7a: {  	_ =	shalt  }
0x7b: {  	_ =	shalt  }
0x7c: {  	_ =	shalt  }
0x7d: {  	_ =	shalt  }
0x7e: {  	_ =	shalt  }
0x7f: {  	_ =	shalt  }
0x80: {  	_ =	shalt  }
0x81: {  	_ =	shalt  }
0x82: {  	_ =	shalt  }
0x83: {  	_ =	shalt  }
0x84: {  	_ =	shalt  }
0x85: {  	_ =	shalt  }
0x86: {  	_ =	shalt  }
0x87: {  	_ =	shalt  }
.Lfunc_end0:
.L_simem_size_0:
called_computation_lowered:
.L_overlay_start_0:
0x88: {  	s2 =	sld [smem:$0x3FD9]  }
0x89: {  	s3 =	sld [smem:$0x3FFE];
	_ =	sdelay $0x1  }
0x8a: {  	s1 =	srdreg.scid  }
0x8b: {  	s0 =	sand.u32 $0x1, s1  }
0x8c: {  	s16 =	sshll.u32 s0, $0xA;
	s2 =	sadd.s32 s3, s2  }
0x8d: {  	s2 =	sadd.s32 s2, s16  }
0x8e: {  	[smem:$0x3FBF] =	sst s2  }
0x8f: {  	_ = 	snop  }
0x90: {  	(tm) =	ssettm $0x1  }
0x91: {  	s17 =	sld [smem:$0x3FFB];
	_ =	sdelay $0x3  }
0x92: {  	_ =	strace s17  }
0x93: {  	s2 =	sld [smem:$0x3FFC];
	_ =	sdelay $0x3  }
0x94: {  	_ =	strace s2  }
0x95: {  	s2 =	sld [smem:$0x3FFD];
	_ =	sdelay $0x3  }
0x96: {  	_ =	strace s2  }
0x97: {  	_ =	strace $0x8FFFFFFF  }
0x98: {  	s18 =	sld [smem:$0x3FDB];
	_ =	sdelay $0x1  }
0x99: {  	s19 =	simm.s32 $_scs_section_size  }
0x9a: {  	s4 =	simm.s32 $_size__tile_overlayer_lowered;
	s5 =	simm.s32 $_tile_overlayer_lowered  }
0x9b: {  	s22 =	simm.s32 $0x1BFF;
	s21 =	sshll.u32 s5, $0x1;
	s2 =	sadd.s32 s19, s18  }
0x9c: {  	s6 =	simm.s32 $0x0;
	s20 =	sshll.u32 s4, $0x1;
	s4 =	sadd.s32 s21, s2  }
0x9d: {  	[timem:s6], [sflag:s22] =	dma.local [hbm:s4], s20  }
0x9e: {  	_ =	swait.ge [sflag:s22], s20  }
0x9f: {  	s3 =	ssub.s32 $0x0, s20;
	[sflag:s22] =	ssyncset.done $0x0  }
0xa0: {  	[sflag:s22] =	ssyncadd.s32 s3;
	_ =	sdelay $0x1  }
0xa1: {  	s23 =	simm.s32 $0x1B8B  }
0xa2: {  	_ =	swait.ge [sflag:s23], $0x1  }
0xa3: {  	[sflag:s23] =	ssyncset.done $0x0  }
0xa4: {  	s25 =	simm.s32 $0x1B8E;
	s24 =	sld [smem:$0x3FFE];
	[sflag:s23] =	ssyncadd.s32 $0xFFFFFFFF  }
0xa5: {  	s26 =	simm.s32 $execute0_lowered;
	[smem:$0x3FD2] =	sst s25  }
0xa6: {  	s4 =	sshll.u32 s26, $0x1;
	_ =	strace $0x80000046;
	[dreg:$0x1] =	wrdreg $0xFFFFFFFF  }
0xa7: {  	s28 =	simm.s32 $_size_execute0_lowered;
	s2 =	sadd.s32 s2, s4;
	[dreg:$0x0] =	wrdreg $0x0  }
0xa8: {  	s4 =	sshll.u32 s28, $0x1;
	[dreg:$0x2] =	wrdreg s2  }
0xa9: {  	[dreg:$0x3] =	wrdreg s4  }
0xaa: {  	[dreg:$0x4] =	wrdreg $0xC0  }
0xab: {  	_ =	task [dreg:s6], $0x5FFFF  }
0xac: {  	[dreg:$0x1] =	wrdreg $0xFFFFFFFF  }
0xad: {  	[dreg:$0x0] =	wrdreg $0x60  }
0xae: {  	[dreg:$0x2] =	wrdreg s24  }
0xaf: {  	[dreg:$0x3] =	wrdreg $0x28100  }
0xb0: {  	[dreg:$0x4] =	wrdreg $0x9  }
0xb1: {  	_ =	task.clear_ibuf [dreg:s6], $0x5FFFF;
	_ =	strace $0x90000046  }
0xb2: {  	s29 =	simm.s32 $0x9;
	_ =	strace $0x80000048  }
0xb3: {  	_ =	swait.ge [sflag:s29], $0x1  }
0xb4: {  	[sflag:s29] =	ssyncadd.s32 $0xFFFFFFFF  }
0xb5: {  	_ =	strace $0x90000048  }
0xb6: {  	_ =	sfence  }
0xb7: {  	s30 =	sld [smem:$0x0];
	_ =	sdelay $0x2  }
0xb8: {  	s31 =	sshll.u32 s1, $0xD;
	s1 =	sshrl.u32 s1, $0x2  }
0xb9: {  	s3 =	sand.u32 $0x4000, s31;
	s1 =	sadd.s32 s1, s30  }
0xba: {  	s0 =	sor.u32 s3, s0;
	s1 =	sshll.u32 s1, $0x11  }
0xbb: {  	s0 =	sor.u32 s1, s0  }
0xbc: {  	s0 =	sadd.s32 $0x8F2B, s0  }
0xbd: {  	[sflag:s0] =	ssyncadd.remote.s32 $0x1  }
0xbe: {  	_ =	sfence.sel $0xFFFF  }
0xbf: {  	[dreg:$0x0] =	wrdreg $0xFFFFFFFF;
	(pc) =	sbr.abs _section_cstart, $3  }
0xc0: {  	[dreg:$0x1] =	wrdreg $0xFFFFFFFF  }
0xc1: {  	_ =	task.clear_ibuf [dreg:s6], $0x2FFFF;
	_ =	strace $0x9FFFFFFF  }
0xc2: {  	(tm) =	ssettm $0x7FFFFFFF  }
0xc3: {  	_ =	shalt  }
tec
execute0_lowered:
.L_overlay_start_1:
0x0: {  	(tag) =	ssettag $0x1  }
0x1: {  	s5 =	rddreg [dreg:$0x0]  }
0x2: {  	s2 =	rddreg [dreg:$0x1];
	s3 =	simm.s32 $0x0  }
0x3: {  	s16 =	simm.s32 $0x200;
	[smem:$0x7FF] =	sst s3  }
0x4: {  	s17 =	simm.s32 $0x300;
	_ =	strace $0x80000047;
	[dreg:$0x6] =	wrdreg s16  }
0x5: {  	s18 =	simm.s32 $0x400;
	[dreg:$0x7] =	wrdreg s17  }
0x6: {  	s19 =	simm.s32 $0x500;
	[dreg:$0x8] =	wrdreg s18  }
0x7: {  	s20 =	simm.s32 $0x600;
	[dreg:$0x9] =	wrdreg s19  }
0x8: {  	s21 =	simm.s32 $0x700;
	[dreg:$0xa] =	wrdreg s20  }
0x9: {  	s22 =	simm.s32 $0x800;
	[dreg:$0xb] =	wrdreg s21  }
0xa: {  	s23 =	simm.s32 $0x900;
	[dreg:$0xc] =	wrdreg s22  }
0xb: {  	s24 =	simm.s32 $0xA00;
	[dreg:$0xd] =	wrdreg s23  }
0xc: {  	s25 =	simm.s32 $0xB00;
	[dreg:$0xe] =	wrdreg s24  }
0xd: {  	s26 =	simm.s32 $0xC00;
	[dreg:$0xf] =	wrdreg s25  }
0xe: {  	s9 =	simm.s32 $0x1000;
	[dreg:$0x10] =	wrdreg s26  }
0xf: {  	s1 =	stileid.u32;
	s10 =	simm.s32 $0x1100;
	[dreg:$0x14] =	wrdreg s9  }
0x10: {  	s0 =	srdreg.scid;
	v0 =	vimm.f32 $1.000000000e+00;
	s11 =	simm.s32 $0x1200;
	[dreg:$0x15] =	wrdreg s10  }
0x11: {  	s12 =	simm.s32 $0x1300;
	s13 =	simm.s32 $0x1400;
	[tilespmem:$0x2710] =	vst v0;
	[dreg:$0x16] =	wrdreg s11  }
0x12: {  	s14 =	simm.s32 $0x1500;
	s15 =	simm.s32 $0x1600;
	[tilespmem:$0x2800] =	vst v0;
	[dreg:$0x17] =	wrdreg s12  }
0x13: {  	s4 =	smul.u32 $0x280, s1;
	s0 =	sand.u32 $0x1, s0;
	[tilespmem:$0x27F0] =	vst v0;
	[dreg:$0x18] =	wrdreg s13  }
0x14: {  	s6 =	sshll.u32 s1, $0x1;
	s7 =	smul.u32 $0x2800, s0;
	[tilespmem:$0x27E0] =	vst v0;
	[dreg:$0x19] =	wrdreg s14  }
0x15: {  	s6 =	sor.u32 s0, s6;
	[tilespmem:$0x27D0] =	vst v0;
	[dreg:$0x1a] =	wrdreg s15;
	s18 =	simm.s32 $0x1700  }
0x16: {  	[tilespmem:$0x27C0] =	vst v0;
	s20 =	simm.s32 $0x1800;
	s6 =	smul.u32 $0x2710, s6;
	[dreg:$0x1b] =	wrdreg s18  }
0x17: {  	[tilespmem:$0x27B0] =	vst v0;
	s8 =	sshrl.u32 s4, $0x3;
	[dreg:$0x1c] =	wrdreg s20  }
0x18: {  	[tilespmem:$0x27A0] =	vst v0;
	s8 =	sadd.s32 s8, s5;
	s7 =	sadd.s32 s4, s7;
	s6 =	sshrl.u32 s6, $0x3  }
0x19: {  	[tilespmem:$0x2790] =	vst v0;
	s7 =	sshrl.u32 s7, $0x3;
	s8 =	sadd.s32 $0x15E00, s8;
	s6 =	sadd.s32 s5, s6  }
0x1a: {  	[tilespmem:$0x2780] =	vst v0;
	s5 =	sadd.s32 s7, s5;
	[dreg:$0x3] =	wrdreg s8;
	s7 =	simm.s32 $0xE00  }
0x1b: {  	[tilespmem:$0x2770] =	vst v0;
	s8 =	simm.s32 $0xF00;
	[dreg:$0x12] =	wrdreg s7  }
0x1c: {  	[tilespmem:$0x2760] =	vst v0;
	[dreg:$0x13] =	wrdreg s8  }
0x1d: {  	[tilespmem:$0x2750] =	vst v0;
	s17 =	sshll.u32 s1, $0x6;
	s6 =	sadd.s32 $0xC040, s6;
	s19 =	rddreg [dreg:$0x3]  }
0x1e: {  	[tilespmem:$0x2740] =	vst v0;
	s16 =	sadd.s32 s4, s2;
	s5 =	sadd.s32 $0x16400, s5;
	[dreg:$0x4] =	wrdreg s6  }
0x1f: {  	[tilespmem:$0x2730] =	vst v0;
	s4 =	sor.u32 $0x1C07, s17;
	[dreg:$0x5] =	wrdreg s5;
	s6 =	simm.s32 $0xD00  }
0x20: {  	[tilespmem:$0x2720] =	vst v0;
	s5 =	simm.s32 $0x7;
	[dreg:$0x11] =	wrdreg s6;
	s6 =	sshrl.u32 s16, $0x3  }
0x21: {  	[spmem:s6], [sflag:s4] =	dma.local [hbm:s19], $0x50  }
0x22: {  	_ =	swait.ge [sflag:s5], $0x50  }
0x23: {  	[sflag:s5] =	ssyncset.done $0x0  }
0x24: {  	s21 =	rddreg [dreg:$0x4];
	[sflag:s5] =	ssyncadd.s32 $0xFFFFFFB0  }
0x25: {  	[tilespmem:s3], [sflag:$0x7] =	stream.linear.gather [hbm4b:s21+s3], $0x2710, $0x38;
	[tilespmem:$0x2A90] =	vst v63  }
0x26: {  	_ =	swait.ge [sflag:s5], $0x2710  }
0x27: {  	[sflag:s5] =	ssyncset.done $0x0  }
0x28: {  	[sflag:s5] =	ssyncadd.s32 $0xFFFFD8F0  }
0x29: {  	s7 =	simm.s32 $0x100;
	s8 =	simm.s32 $0x2710;
	[bflag:$0x0] =	sbarrier.arrive $0xFFFF  }
0x2a: {  	[spmem:s2] =	stream.indirect.scatter.add.f32 [tilespmem:s8], [sflag:$0x1], $0x1, s3, s7, $0xb8;
	[tilespmem:$0x2A90] =	vst v63  }
0x2b: {  	_ = 	snop  }
0x2c: {  	[spmem:s2] =	stream.indirect.scatter.add.f32 [tilespmem:s8], [sflag:$0x2], $0x1, s7, s7, $0xb8;
	[tilespmem:$0x2A90] =	vst v63  }
0x2d: {  	s9 =	rddreg [dreg:$0x6]  }
0x2e: {  	[spmem:s2] =	stream.indirect.scatter.add.f32 [tilespmem:s8], [sflag:$0x3], $0x1, s9, s7, $0xb8;
	[tilespmem:$0x2A90] =	vst v63  }
0x2f: {  	s10 =	rddreg [dreg:$0x7]  }
0x30: {  	[spmem:s2] =	stream.indirect.scatter.add.f32 [tilespmem:s8], [sflag:$0x4], $0x1, s10, s7, $0xb8;
	[tilespmem:$0x2A90] =	vst v63  }
0x31: {  	s22 =	rddreg [dreg:$0x8]  }
0x32: {  	[spmem:s2] =	stream.indirect.scatter.add.f32 [tilespmem:s8], [sflag:$0x5], $0x1, s22, s7, $0xb8;
	[tilespmem:$0x2A90] =	vst v63  }
0x33: {  	s23 =	rddreg [dreg:$0x9];
	s9 =	simm.s32 $0x1  }
0x34: {  	[spmem:s2] =	stream.indirect.scatter.add.f32 [tilespmem:s8], [sflag:$0x6], $0x1, s23, s7, $0xb8;
	[tilespmem:$0x2A90] =	vst v63  }
0x35: {  	_ =	swait.ge [sflag:s9], $0x100  }
0x36: {  	[sflag:s9] =	ssyncset.done $0x0  }
0x37: {  	s10 =	simm.s32 $0x2;
	s11 =	rddreg [dreg:$0xa];
	[sflag:s9] =	ssyncadd.s32 $0xFFFFFF00  }
0x38: {  	[spmem:s2] =	stream.indirect.scatter.add.f32 [tilespmem:s8], [sflag:$0x1], $0x1, s11, s7, $0xb8;
	[tilespmem:$0x2A90] =	vst v63  }
0x39: {  	_ =	swait.ge [sflag:s10], $0x100  }
0x3a: {  	[sflag:s10] =	ssyncset.done $0x0  }
0x3b: {  	s11 =	simm.s32 $0x3;
	s12 =	rddreg [dreg:$0xb];
	[sflag:s10] =	ssyncadd.s32 $0xFFFFFF00  }
0x3c: {  	[spmem:s2] =	stream.indirect.scatter.add.f32 [tilespmem:s8], [sflag:$0x2], $0x1, s12, s7, $0xb8;
	[tilespmem:$0x2A90] =	vst v63  }
0x3d: {  	_ =	swait.ge [sflag:s11], $0x100  }
0x3e: {  	[sflag:s11] =	ssyncset.done $0x0  }
0x3f: {  	s12 =	simm.s32 $0x4;
	s13 =	rddreg [dreg:$0xc];
	[sflag:s11] =	ssyncadd.s32 $0xFFFFFF00  }
0x40: {  	[spmem:s2] =	stream.indirect.scatter.add.f32 [tilespmem:s8], [sflag:$0x3], $0x1, s13, s7, $0xb8;
	[tilespmem:$0x2A90] =	vst v63  }
0x41: {  	_ =	swait.ge [sflag:s12], $0x100  }
0x42: {  	[sflag:s12] =	ssyncset.done $0x0  }
0x43: {  	s13 =	simm.s32 $0x5;
	s14 =	rddreg [dreg:$0xd];
	[sflag:s12] =	ssyncadd.s32 $0xFFFFFF00  }
0x44: {  	[spmem:s2] =	stream.indirect.scatter.add.f32 [tilespmem:s8], [sflag:$0x4], $0x1, s14, s7, $0xb8;
	[tilespmem:$0x2A90] =	vst v63  }
0x45: {  	_ =	swait.ge [sflag:s13], $0x100  }
0x46: {  	[sflag:s13] =	ssyncset.done $0x0  }
0x47: {  	s14 =	simm.s32 $0x6;
	s15 =	rddreg [dreg:$0xe];
	[sflag:s13] =	ssyncadd.s32 $0xFFFFFF00  }
0x48: {  	[spmem:s2] =	stream.indirect.scatter.add.f32 [tilespmem:s8], [sflag:$0x5], $0x1, s15, s7, $0xb8;
	[tilespmem:$0x2A90] =	vst v63  }
0x49: {  	_ =	swait.ge [sflag:s14], $0x100  }
0x4a: {  	[sflag:s14] =	ssyncset.done $0x0  }
0x4b: {  	s24 =	rddreg [dreg:$0xf];
	[sflag:s14] =	ssyncadd.s32 $0xFFFFFF00  }
0x4c: {  	[spmem:s2] =	stream.indirect.scatter.add.f32 [tilespmem:s8], [sflag:$0x6], $0x1, s24, s7, $0xb8;
	[tilespmem:$0x2A90] =	vst v63  }
0x4d: {  	_ =	swait.ge [sflag:s9], $0x100  }
0x4e: {  	[sflag:s9] =	ssyncset.done $0x0  }
0x4f: {  	s25 =	rddreg [dreg:$0x10];
	[sflag:s9] =	ssyncadd.s32 $0xFFFFFF00  }
0x50: {  	[spmem:s2] =	stream.indirect.scatter.add.f32 [tilespmem:s8], [sflag:$0x1], $0x1, s25, s7, $0xb8;
	[tilespmem:$0x2A90] =	vst v63  }
0x51: {  	_ =	swait.ge [sflag:s10], $0x100  }
0x52: {  	[sflag:s10] =	ssyncset.done $0x0  }
0x53: {  	s26 =	rddreg [dreg:$0x11];
	[sflag:s10] =	ssyncadd.s32 $0xFFFFFF00  }
0x54: {  	[spmem:s2] =	stream.indirect.scatter.add.f32 [tilespmem:s8], [sflag:$0x2], $0x1, s26, s7, $0xb8;
	[tilespmem:$0x2A90] =	vst v63  }
0x55: {  	_ =	swait.ge [sflag:s11], $0x100  }
0x56: {  	[sflag:s11] =	ssyncset.done $0x0  }
0x57: {  	s1 =	rddreg [dreg:$0x12];
	[sflag:s11] =	ssyncadd.s32 $0xFFFFFF00  }
0x58: {  	[spmem:s2] =	stream.indirect.scatter.add.f32 [tilespmem:s8], [sflag:$0x3], $0x1, s1, s7, $0xb8;
	[tilespmem:$0x2A90] =	vst v63  }
0x59: {  	_ =	swait.ge [sflag:s12], $0x100  }
0x5a: {  	[sflag:s12] =	ssyncset.done $0x0  }
0x5b: {  	s16 =	rddreg [dreg:$0x13];
	[sflag:s12] =	ssyncadd.s32 $0xFFFFFF00  }
0x5c: {  	[spmem:s2] =	stream.indirect.scatter.add.f32 [tilespmem:s8], [sflag:$0x4], $0x1, s16, s7, $0xb8;
	[tilespmem:$0x2A90] =	vst v63  }
0x5d: {  	_ =	swait.ge [sflag:s13], $0x100  }
0x5e: {  	[sflag:s13] =	ssyncset.done $0x0  }
0x5f: {  	s17 =	rddreg [dreg:$0x14];
	[sflag:s13] =	ssyncadd.s32 $0xFFFFFF00  }
0x60: {  	[spmem:s2] =	stream.indirect.scatter.add.f32 [tilespmem:s8], [sflag:$0x5], $0x1, s17, s7, $0xb8;
	[tilespmem:$0x2A90] =	vst v63  }
0x61: {  	_ =	swait.ge [sflag:s14], $0x100  }
0x62: {  	[sflag:s14] =	ssyncset.done $0x0  }
0x63: {  	s18 =	rddreg [dreg:$0x15];
	[sflag:s14] =	ssyncadd.s32 $0xFFFFFF00  }
0x64: {  	[spmem:s2] =	stream.indirect.scatter.add.f32 [tilespmem:s8], [sflag:$0x6], $0x1, s18, s7, $0xb8;
	[tilespmem:$0x2A90] =	vst v63  }
0x65: {  	_ =	swait.ge [sflag:s9], $0x100  }
0x66: {  	[sflag:s9] =	ssyncset.done $0x0  }
0x67: {  	s19 =	rddreg [dreg:$0x16];
	[sflag:s9] =	ssyncadd.s32 $0xFFFFFF00  }
0x68: {  	[spmem:s2] =	stream.indirect.scatter.add.f32 [tilespmem:s8], [sflag:$0x1], $0x1, s19, s7, $0xb8;
	[tilespmem:$0x2A90] =	vst v63  }
0x69: {  	_ =	swait.ge [sflag:s10], $0x100  }
0x6a: {  	[sflag:s10] =	ssyncset.done $0x0  }
0x6b: {  	s20 =	rddreg [dreg:$0x17];
	[sflag:s10] =	ssyncadd.s32 $0xFFFFFF00  }
0x6c: {  	[spmem:s2] =	stream.indirect.scatter.add.f32 [tilespmem:s8], [sflag:$0x2], $0x1, s20, s7, $0xb8;
	[tilespmem:$0x2A90] =	vst v63  }
0x6d: {  	_ =	swait.ge [sflag:s11], $0x100  }
0x6e: {  	[sflag:s11] =	ssyncset.done $0x0  }
0x6f: {  	s21 =	rddreg [dreg:$0x18];
	[sflag:s11] =	ssyncadd.s32 $0xFFFFFF00  }
0x70: {  	[spmem:s2] =	stream.indirect.scatter.add.f32 [tilespmem:s8], [sflag:$0x3], $0x1, s21, s7, $0xb8;
	[tilespmem:$0x2A90] =	vst v63  }
0x71: {  	_ =	swait.ge [sflag:s12], $0x100  }
0x72: {  	[sflag:s12] =	ssyncset.done $0x0  }
0x73: {  	s22 =	rddreg [dreg:$0x19];
	[sflag:s12] =	ssyncadd.s32 $0xFFFFFF00  }
0x74: {  	[spmem:s2] =	stream.indirect.scatter.add.f32 [tilespmem:s8], [sflag:$0x4], $0x1, s22, s7, $0xb8;
	[tilespmem:$0x2A90] =	vst v63  }
0x75: {  	_ =	swait.ge [sflag:s13], $0x100  }
0x76: {  	[sflag:s13] =	ssyncset.done $0x0  }
0x77: {  	s23 =	rddreg [dreg:$0x1a];
	[sflag:s13] =	ssyncadd.s32 $0xFFFFFF00  }
0x78: {  	[spmem:s2] =	stream.indirect.scatter.add.f32 [tilespmem:s8], [sflag:$0x5], $0x1, s23, s7, $0xb8;
	[tilespmem:$0x2A90] =	vst v63  }
0x79: {  	_ =	swait.ge [sflag:s14], $0x100  }
0x7a: {  	[sflag:s14] =	ssyncset.done $0x0  }
0x7b: {  	s24 =	rddreg [dreg:$0x1b];
	[sflag:s14] =	ssyncadd.s32 $0xFFFFFF00  }
0x7c: {  	[spmem:s2] =	stream.indirect.scatter.add.f32 [tilespmem:s8], [sflag:$0x6], $0x1, s24, s7, $0xb8;
	[tilespmem:$0x2A90] =	vst v63  }
0x7d: {  	_ =	swait.ge [sflag:s9], $0x100  }
0x7e: {  	[sflag:s9] =	ssyncset.done $0x0  }
0x7f: {  	s25 =	rddreg [dreg:$0x1c];
	[sflag:s9] =	ssyncadd.s32 $0xFFFFFF00  }
0x80: {  	[spmem:s2] =	stream.indirect.scatter.add.f32 [tilespmem:s8], [sflag:$0x1], $0x1, s25, s7, $0xb8;
	[tilespmem:$0x2A90] =	vst v63  }
0x81: {  	_ =	swait.ge [sflag:s10], $0x100  }
0x82: {  	[sflag:s10] =	ssyncset.done $0x0  }
0x83: {  	s26 =	simm.s32 $0x1900;
	[sflag:s10] =	ssyncadd.s32 $0xFFFFFF00  }
0x84: {  	[spmem:s2] =	stream.indirect.scatter.add.f32 [tilespmem:s8], [sflag:$0x2], $0x1, s26, s7, $0xb8;
	[tilespmem:$0x2A90] =	vst v63  }
0x85: {  	_ =	swait.ge [sflag:s11], $0x100  }
0x86: {  	[sflag:s11] =	ssyncset.done $0x0  }
0x87: {  	s16 =	simm.s32 $0x1A00;
	[sflag:s11] =	ssyncadd.s32 $0xFFFFFF00  }
0x88: {  	[spmem:s2] =	stream.indirect.scatter.add.f32 [tilespmem:s8], [sflag:$0x3], $0x1, s16, s7, $0xb8;
	[tilespmem:$0x2A90] =	vst v63  }
0x89: {  	_ =	swait.ge [sflag:s12], $0x100  }
0x8a: {  	[sflag:s12] =	ssyncset.done $0x0  }
0x8b: {  	s17 =	simm.s32 $0x1B00;
	[sflag:s12] =	ssyncadd.s32 $0xFFFFFF00  }
0x8c: {  	[spmem:s2] =	stream.indirect.scatter.add.f32 [tilespmem:s8], [sflag:$0x4], $0x1, s17, s7, $0xb8;
	[tilespmem:$0x2A90] =	vst v63  }
0x8d: {  	_ =	swait.ge [sflag:s13], $0x100  }
0x8e: {  	[sflag:s13] =	ssyncset.done $0x0  }
0x8f: {  	s18 =	simm.s32 $0x1C00;
	[sflag:s13] =	ssyncadd.s32 $0xFFFFFF00  }
0x90: {  	[spmem:s2] =	stream.indirect.scatter.add.f32 [tilespmem:s8], [sflag:$0x5], $0x1, s18, s7, $0xb8;
	[tilespmem:$0x2A90] =	vst v63  }
0x91: {  	_ =	swait.ge [sflag:s14], $0x100  }
0x92: {  	[sflag:s14] =	ssyncset.done $0x0  }
0x93: {  	s19 =	simm.s32 $0x1D00;
	[sflag:s14] =	ssyncadd.s32 $0xFFFFFF00  }
0x94: {  	[spmem:s2] =	stream.indirect.scatter.add.f32 [tilespmem:s8], [sflag:$0x6], $0x1, s19, s7, $0xb8;
	[tilespmem:$0x2A90] =	vst v63  }
0x95: {  	_ =	swait.ge [sflag:s9], $0x100  }
0x96: {  	[sflag:s9] =	ssyncset.done $0x0  }
0x97: {  	s20 =	simm.s32 $0x1E00;
	[sflag:s9] =	ssyncadd.s32 $0xFFFFFF00  }
0x98: {  	[spmem:s2] =	stream.indirect.scatter.add.f32 [tilespmem:s8], [sflag:$0x1], $0x1, s20, s7, $0xb8;
	[tilespmem:$0x2A90] =	vst v63  }
0x99: {  	_ =	swait.ge [sflag:s10], $0x100  }
0x9a: {  	[sflag:s10] =	ssyncset.done $0x0  }
0x9b: {  	s21 =	simm.s32 $0x1F00;
	[sflag:s10] =	ssyncadd.s32 $0xFFFFFF00  }
0x9c: {  	[spmem:s2] =	stream.indirect.scatter.add.f32 [tilespmem:s8], [sflag:$0x2], $0x1, s21, s7, $0xb8;
	[tilespmem:$0x2A90] =	vst v63  }
0x9d: {  	_ =	swait.ge [sflag:s11], $0x100  }
0x9e: {  	[sflag:s11] =	ssyncset.done $0x0  }
0x9f: {  	s22 =	simm.s32 $0x2000;
	[sflag:s11] =	ssyncadd.s32 $0xFFFFFF00  }
0xa0: {  	[spmem:s2] =	stream.indirect.scatter.add.f32 [tilespmem:s8], [sflag:$0x3], $0x1, s22, s7, $0xb8;
	[tilespmem:$0x2A90] =	vst v63  }
0xa1: {  	_ =	swait.ge [sflag:s12], $0x100  }
0xa2: {  	[sflag:s12] =	ssyncset.done $0x0  }
0xa3: {  	s23 =	simm.s32 $0x2100;
	[sflag:s12] =	ssyncadd.s32 $0xFFFFFF00  }
0xa4: {  	[spmem:s2] =	stream.indirect.scatter.add.f32 [tilespmem:s8], [sflag:$0x4], $0x1, s23, s7, $0xb8;
	[tilespmem:$0x2A90] =	vst v63  }
0xa5: {  	_ =	swait.ge [sflag:s13], $0x100  }
0xa6: {  	[sflag:s13] =	ssyncset.done $0x0  }
0xa7: {  	s24 =	simm.s32 $0x2200;
	[sflag:s13] =	ssyncadd.s32 $0xFFFFFF00  }
0xa8: {  	[spmem:s2] =	stream.indirect.scatter.add.f32 [tilespmem:s8], [sflag:$0x5], $0x1, s24, s7, $0xb8;
	[tilespmem:$0x2A90] =	vst v63  }
0xa9: {  	_ =	swait.ge [sflag:s14], $0x100  }
0xaa: {  	[sflag:s14] =	ssyncset.done $0x0  }
0xab: {  	s25 =	simm.s32 $0x2300;
	[sflag:s14] =	ssyncadd.s32 $0xFFFFFF00  }
0xac: {  	[spmem:s2] =	stream.indirect.scatter.add.f32 [tilespmem:s8], [sflag:$0x6], $0x1, s25, s7, $0xb8;
	[tilespmem:$0x2A90] =	vst v63  }
0xad: {  	_ =	swait.ge [sflag:s9], $0x100  }
0xae: {  	[sflag:s9] =	ssyncset.done $0x0  }
0xaf: {  	[sflag:s9] =	ssyncadd.s32 $0xFFFFFF00  }
0xb0: {  	_ =	swait.ge [sflag:s10], $0x100  }
0xb1: {  	[sflag:s10] =	ssyncset.done $0x0  }
0xb2: {  	[sflag:s10] =	ssyncadd.s32 $0xFFFFFF00  }
0xb3: {  	_ =	swait.ge [sflag:s11], $0x100  }
0xb4: {  	[sflag:s11] =	ssyncset.done $0x0  }
0xb5: {  	[sflag:s11] =	ssyncadd.s32 $0xFFFFFF00  }
0xb6: {  	_ =	swait.ge [sflag:s12], $0x100  }
0xb7: {  	[sflag:s12] =	ssyncset.done $0x0  }
0xb8: {  	[sflag:s12] =	ssyncadd.s32 $0xFFFFFF00  }
0xb9: {  	_ =	swait.ge [sflag:s13], $0x100  }
0xba: {  	[sflag:s13] =	ssyncset.done $0x0  }
0xbb: {  	[sflag:s13] =	ssyncadd.s32 $0xFFFFFF00  }
0xbc: {  	_ =	swait.ge [sflag:s14], $0x100  }
0xbd: {  	[sflag:s14] =	ssyncset.done $0x0  }
0xbe: {  	s26 =	simm.s32 $0x2400;
	[sflag:s14] =	ssyncadd.s32 $0xFFFFFF00  }
0xbf: {  	[spmem:s2] =	stream.indirect.scatter.add.f32 [tilespmem:s8], [sflag:$0x7], $0x1, s26, s7, $0xb8;
	[tilespmem:$0x2A90] =	vst v63  }
0xc0: {  	_ =	swait.ge [sflag:s5], $0x100  }
0xc1: {  	[sflag:s5] =	ssyncset.done $0x0  }
0xc2: {  	s28 =	simm.s32 $0x2500;
	[sflag:s5] =	ssyncadd.s32 $0xFFFFFF00  }
0xc3: {  	[spmem:s2] =	stream.indirect.scatter.add.f32 [tilespmem:s8], [sflag:$0x7], $0x1, s28, s7, $0xb8;
	[tilespmem:$0x2A90] =	vst v63  }
0xc4: {  	_ =	swait.ge [sflag:s5], $0x100  }
0xc5: {  	[sflag:s5] =	ssyncset.done $0x0  }
0xc6: {  	s29 =	simm.s32 $0x2600;
	[sflag:s5] =	ssyncadd.s32 $0xFFFFFF00  }
0xc7: {  	[spmem:s2] =	stream.indirect.scatter.add.f32 [tilespmem:s8], [sflag:$0x7], $0x1, s29, s7, $0xb8;
	[tilespmem:$0x2A90] =	vst v63  }
0xc8: {  	_ =	swait.ge [sflag:s5], $0x100  }
0xc9: {  	s30 =	simm.s32 $0x10;
	s0 =	ssub.s32 $0x2, s0;
	[sflag:s5] =	ssyncset.done $0x0  }
0xca: {  	s31 =	simm.s32 $0x2700;
	s1 =	sshrl.u32 s0, $0x1;
	[sflag:s5] =	ssyncadd.s32 $0xFFFFFF00  }
0xcb: {  	[spmem:s2] =	stream.indirect.scatter.add.f32 [tilespmem:s8], [sflag:$0x7], $0x1, s31, s30, $0xb8;
	[tilespmem:$0x2A90] =	vst v63  }
0xcc: {  	s0 =	ssub.s32 s0, s1;
	_ =	swait.ge [sflag:s5], $0x10  }
0xcd: {  	s0 =	smax.u32 s0, $0x1;
	[sflag:s5] =	ssyncset.done $0x0  }
0xce: {  	p0 =	sne.s32 s0, $0x1;
	[sflag:s5] =	ssyncadd.s32 $0xFFFFFFF0  }
.Ltmp0:
0xcf: {  	[bflag:$0x0] =	sbarrier.arrive $0xFFFF;
	(pc) =	sbr.rel @!p0 .LBB2_2-.Ltmp0, $4  }
0xd0: {  	s15 =	rddreg [dreg:$0x5]  }
0xd1: {  	[hbm:s15], [sflag:s4] =	dma.local [spmem:s6], $0x50  }
0xd2: {  	_ =	swait.ge [sflag:s5], $0x50  }
0xd3: {  	s0 =	sadd.s32 $0xFFFFFFFF, s0;
	[sflag:s5] =	ssyncset.done $0x0  }
.LBB2_1:
0xd4: {  	[sflag:s5] =	ssyncadd.s32 $0xFFFFFFB0  }
0xd5: {  	[tilespmem:$0x2710] =	vst v0  }
0xd6: {  	[tilespmem:$0x2800] =	vst v0  }
0xd7: {  	[tilespmem:$0x27F0] =	vst v0  }
0xd8: {  	[tilespmem:$0x27E0] =	vst v0  }
0xd9: {  	[tilespmem:$0x27D0] =	vst v0  }
0xda: {  	[tilespmem:$0x27C0] =	vst v0  }
0xdb: {  	[tilespmem:$0x27B0] =	vst v0  }
0xdc: {  	[tilespmem:$0x27A0] =	vst v0  }
0xdd: {  	[tilespmem:$0x2790] =	vst v0  }
0xde: {  	[tilespmem:$0x2780] =	vst v0  }
0xdf: {  	[tilespmem:$0x2770] =	vst v0  }
0xe0: {  	[tilespmem:$0x2760] =	vst v0  }
0xe1: {  	[tilespmem:$0x2750] =	vst v0  }
0xe2: {  	[tilespmem:$0x2740] =	vst v0  }
0xe3: {  	[tilespmem:$0x2730] =	vst v0  }
0xe4: {  	s1 =	rddreg [dreg:$0x3];
	[tilespmem:$0x2720] =	vst v0  }
0xe5: {  	[spmem:s6], [sflag:s4] =	dma.local [hbm:s1], $0x50  }
0xe6: {  	_ =	swait.ge [sflag:s5], $0x50  }
0xe7: {  	[sflag:s5] =	ssyncset.done $0x0  }
0xe8: {  	s15 =	rddreg [dreg:$0x4];
	[sflag:s5] =	ssyncadd.s32 $0xFFFFFFB0  }
0xe9: {  	[tilespmem:s3], [sflag:$0x7] =	stream.linear.gather [hbm4b:s15+s3], $0x2710, $0x38;
	[tilespmem:$0x2A90] =	vst v63  }
0xea: {  	_ =	swait.ge [sflag:s5], $0x2710  }
0xeb: {  	[sflag:s5] =	ssyncset.done $0x0  }
0xec: {  	[sflag:s5] =	ssyncadd.s32 $0xFFFFD8F0  }
0xed: {  	[bflag:$0x0] =	sbarrier.arrive $0xFFFF  }
0xee: {  	[spmem:s2] =	stream.indirect.scatter.add.f32 [tilespmem:s8], [sflag:$0x1], $0x1, s3, s7, $0xb8;
	[tilespmem:$0x2A90] =	vst v63  }
0xef: {  	_ = 	snop  }
0xf0: {  	[spmem:s2] =	stream.indirect.scatter.add.f32 [tilespmem:s8], [sflag:$0x2], $0x1, s7, s7, $0xb8;
	[tilespmem:$0x2A90] =	vst v63  }
0xf1: {  	s1 =	rddreg [dreg:$0x6]  }
0xf2: {  	[spmem:s2] =	stream.indirect.scatter.add.f32 [tilespmem:s8], [sflag:$0x3], $0x1, s1, s7, $0xb8;
	[tilespmem:$0x2A90] =	vst v63  }
0xf3: {  	s15 =	rddreg [dreg:$0x7]  }
0xf4: {  	[spmem:s2] =	stream.indirect.scatter.add.f32 [tilespmem:s8], [sflag:$0x4], $0x1, s15, s7, $0xb8;
	[tilespmem:$0x2A90] =	vst v63  }
0xf5: {  	s1 =	rddreg [dreg:$0x8]  }
0xf6: {  	[spmem:s2] =	stream.indirect.scatter.add.f32 [tilespmem:s8], [sflag:$0x5], $0x1, s1, s7, $0xb8;
	[tilespmem:$0x2A90] =	vst v63  }
0xf7: {  	s15 =	rddreg [dreg:$0x9]  }
0xf8: {  	[spmem:s2] =	stream.indirect.scatter.add.f32 [tilespmem:s8], [sflag:$0x6], $0x1, s15, s7, $0xb8;
	[tilespmem:$0x2A90] =	vst v63  }
0xf9: {  	_ =	swait.ge [sflag:s9], $0x100  }
0xfa: {  	[sflag:s9] =	ssyncset.done $0x0  }
0xfb: {  	s15 =	rddreg [dreg:$0xa];
	[sflag:s9] =	ssyncadd.s32 $0xFFFFFF00  }
0xfc: {  	[spmem:s2] =	stream.indirect.scatter.add.f32 [tilespmem:s8], [sflag:$0x1], $0x1, s15, s7, $0xb8;
	[tilespmem:$0x2A90] =	vst v63  }
0xfd: {  	_ =	swait.ge [sflag:s10], $0x100  }
0xfe: {  	[sflag:s10] =	ssyncset.done $0x0  }
0xff: {  	s15 =	rddreg [dreg:$0xb];
	[sflag:s10] =	ssyncadd.s32 $0xFFFFFF00  }
0x100: {  	[spmem:s2] =	stream.indirect.scatter.add.f32 [tilespmem:s8], [sflag:$0x2], $0x1, s15, s7, $0xb8;
	[tilespmem:$0x2A90] =	vst v63  }
0x101: {  	_ =	swait.ge [sflag:s11], $0x100  }
0x102: {  	[sflag:s11] =	ssyncset.done $0x0  }
0x103: {  	s15 =	rddreg [dreg:$0xc];
	[sflag:s11] =	ssyncadd.s32 $0xFFFFFF00  }
0x104: {  	[spmem:s2] =	stream.indirect.scatter.add.f32 [tilespmem:s8], [sflag:$0x3], $0x1, s15, s7, $0xb8;
	[tilespmem:$0x2A90] =	vst v63  }
0x105: {  	_ =	swait.ge [sflag:s12], $0x100  }
0x106: {  	[sflag:s12] =	ssyncset.done $0x0  }
0x107: {  	s15 =	rddreg [dreg:$0xd];
	[sflag:s12] =	ssyncadd.s32 $0xFFFFFF00  }
0x108: {  	[spmem:s2] =	stream.indirect.scatter.add.f32 [tilespmem:s8], [sflag:$0x4], $0x1, s15, s7, $0xb8;
	[tilespmem:$0x2A90] =	vst v63  }
0x109: {  	_ =	swait.ge [sflag:s13], $0x100  }
0x10a: {  	[sflag:s13] =	ssyncset.done $0x0  }
0x10b: {  	s15 =	rddreg [dreg:$0xe];
	[sflag:s13] =	ssyncadd.s32 $0xFFFFFF00  }
0x10c: {  	[spmem:s2] =	stream.indirect.scatter.add.f32 [tilespmem:s8], [sflag:$0x5], $0x1, s15, s7, $0xb8;
	[tilespmem:$0x2A90] =	vst v63  }
0x10d: {  	_ =	swait.ge [sflag:s14], $0x100  }
0x10e: {  	[sflag:s14] =	ssyncset.done $0x0  }
0x10f: {  	s15 =	rddreg [dreg:$0xf];
	[sflag:s14] =	ssyncadd.s32 $0xFFFFFF00  }
0x110: {  	[spmem:s2] =	stream.indirect.scatter.add.f32 [tilespmem:s8], [sflag:$0x6], $0x1, s15, s7, $0xb8;
	[tilespmem:$0x2A90] =	vst v63  }
0x111: {  	_ =	swait.ge [sflag:s9], $0x100  }
0x112: {  	[sflag:s9] =	ssyncset.done $0x0  }
0x113: {  	s15 =	rddreg [dreg:$0x10];
	[sflag:s9] =	ssyncadd.s32 $0xFFFFFF00  }
0x114: {  	[spmem:s2] =	stream.indirect.scatter.add.f32 [tilespmem:s8], [sflag:$0x1], $0x1, s15, s7, $0xb8;
	[tilespmem:$0x2A90] =	vst v63  }
0x115: {  	_ =	swait.ge [sflag:s10], $0x100  }
0x116: {  	[sflag:s10] =	ssyncset.done $0x0  }
0x117: {  	s15 =	rddreg [dreg:$0x11];
	[sflag:s10] =	ssyncadd.s32 $0xFFFFFF00  }
0x118: {  	[spmem:s2] =	stream.indirect.scatter.add.f32 [tilespmem:s8], [sflag:$0x2], $0x1, s15, s7, $0xb8;
	[tilespmem:$0x2A90] =	vst v63  }
0x119: {  	_ =	swait.ge [sflag:s11], $0x100  }
0x11a: {  	[sflag:s11] =	ssyncset.done $0x0  }
0x11b: {  	s15 =	rddreg [dreg:$0x12];
	[sflag:s11] =	ssyncadd.s32 $0xFFFFFF00  }
0x11c: {  	[spmem:s2] =	stream.indirect.scatter.add.f32 [tilespmem:s8], [sflag:$0x3], $0x1, s15, s7, $0xb8;
	[tilespmem:$0x2A90] =	vst v63  }
0x11d: {  	_ =	swait.ge [sflag:s12], $0x100  }
0x11e: {  	[sflag:s12] =	ssyncset.done $0x0  }
0x11f: {  	s15 =	rddreg [dreg:$0x13];
	[sflag:s12] =	ssyncadd.s32 $0xFFFFFF00  }
0x120: {  	[spmem:s2] =	stream.indirect.scatter.add.f32 [tilespmem:s8], [sflag:$0x4], $0x1, s15, s7, $0xb8;
	[tilespmem:$0x2A90] =	vst v63  }
0x121: {  	_ =	swait.ge [sflag:s13], $0x100  }
0x122: {  	[sflag:s13] =	ssyncset.done $0x0  }
0x123: {  	s15 =	rddreg [dreg:$0x14];
	[sflag:s13] =	ssyncadd.s32 $0xFFFFFF00  }
0x124: {  	[spmem:s2] =	stream.indirect.scatter.add.f32 [tilespmem:s8], [sflag:$0x5], $0x1, s15, s7, $0xb8;
	[tilespmem:$0x2A90] =	vst v63  }
0x125: {  	_ =	swait.ge [sflag:s14], $0x100  }
0x126: {  	[sflag:s14] =	ssyncset.done $0x0  }
0x127: {  	s15 =	rddreg [dreg:$0x15];
	[sflag:s14] =	ssyncadd.s32 $0xFFFFFF00  }
0x128: {  	[spmem:s2] =	stream.indirect.scatter.add.f32 [tilespmem:s8], [sflag:$0x6], $0x1, s15, s7, $0xb8;
	[tilespmem:$0x2A90] =	vst v63  }
0x129: {  	_ =	swait.ge [sflag:s9], $0x100  }
0x12a: {  	[sflag:s9] =	ssyncset.done $0x0  }
0x12b: {  	s15 =	rddreg [dreg:$0x16];
	[sflag:s9] =	ssyncadd.s32 $0xFFFFFF00  }
0x12c: {  	[spmem:s2] =	stream.indirect.scatter.add.f32 [tilespmem:s8], [sflag:$0x1], $0x1, s15, s7, $0xb8;
	[tilespmem:$0x2A90] =	vst v63  }
0x12d: {  	_ =	swait.ge [sflag:s10], $0x100  }
0x12e: {  	[sflag:s10] =	ssyncset.done $0x0  }
0x12f: {  	s15 =	rddreg [dreg:$0x17];
	[sflag:s10] =	ssyncadd.s32 $0xFFFFFF00  }
0x130: {  	[spmem:s2] =	stream.indirect.scatter.add.f32 [tilespmem:s8], [sflag:$0x2], $0x1, s15, s7, $0xb8;
	[tilespmem:$0x2A90] =	vst v63  }
0x131: {  	_ =	swait.ge [sflag:s11], $0x100  }
0x132: {  	[sflag:s11] =	ssyncset.done $0x0  }
0x133: {  	s15 =	rddreg [dreg:$0x18];
	[sflag:s11] =	ssyncadd.s32 $0xFFFFFF00  }
0x134: {  	[spmem:s2] =	stream.indirect.scatter.add.f32 [tilespmem:s8], [sflag:$0x3], $0x1, s15, s7, $0xb8;
	[tilespmem:$0x2A90] =	vst v63  }
0x135: {  	_ =	swait.ge [sflag:s12], $0x100  }
0x136: {  	[sflag:s12] =	ssyncset.done $0x0  }
0x137: {  	s15 =	rddreg [dreg:$0x19];
	[sflag:s12] =	ssyncadd.s32 $0xFFFFFF00  }
0x138: {  	[spmem:s2] =	stream.indirect.scatter.add.f32 [tilespmem:s8], [sflag:$0x4], $0x1, s15, s7, $0xb8;
	[tilespmem:$0x2A90] =	vst v63  }
0x139: {  	_ =	swait.ge [sflag:s13], $0x100  }
0x13a: {  	[sflag:s13] =	ssyncset.done $0x0  }
0x13b: {  	s15 =	rddreg [dreg:$0x1a];
	[sflag:s13] =	ssyncadd.s32 $0xFFFFFF00  }
0x13c: {  	[spmem:s2] =	stream.indirect.scatter.add.f32 [tilespmem:s8], [sflag:$0x5], $0x1, s15, s7, $0xb8;
	[tilespmem:$0x2A90] =	vst v63  }
0x13d: {  	_ =	swait.ge [sflag:s14], $0x100  }
0x13e: {  	[sflag:s14] =	ssyncset.done $0x0  }
0x13f: {  	s15 =	rddreg [dreg:$0x1b];
	[sflag:s14] =	ssyncadd.s32 $0xFFFFFF00  }
0x140: {  	[spmem:s2] =	stream.indirect.scatter.add.f32 [tilespmem:s8], [sflag:$0x6], $0x1, s15, s7, $0xb8;
	[tilespmem:$0x2A90] =	vst v63  }
0x141: {  	_ =	swait.ge [sflag:s9], $0x100  }
0x142: {  	[sflag:s9] =	ssyncset.done $0x0  }
0x143: {  	s15 =	rddreg [dreg:$0x1c];
	[sflag:s9] =	ssyncadd.s32 $0xFFFFFF00  }
0x144: {  	[spmem:s2] =	stream.indirect.scatter.add.f32 [tilespmem:s8], [sflag:$0x1], $0x1, s15, s7, $0xb8;
	[tilespmem:$0x2A90] =	vst v63  }
0x145: {  	_ =	swait.ge [sflag:s10], $0x100  }
0x146: {  	[sflag:s10] =	ssyncset.done $0x0  }
0x147: {  	s15 =	simm.s32 $0x1900;
	[sflag:s10] =	ssyncadd.s32 $0xFFFFFF00  }
0x148: {  	[spmem:s2] =	stream.indirect.scatter.add.f32 [tilespmem:s8], [sflag:$0x2], $0x1, s15, s7, $0xb8;
	[tilespmem:$0x2A90] =	vst v63  }
0x149: {  	_ =	swait.ge [sflag:s11], $0x100  }
0x14a: {  	[sflag:s11] =	ssyncset.done $0x0  }
0x14b: {  	[sflag:s11] =	ssyncadd.s32 $0xFFFFFF00  }
0x14c: {  	[spmem:s2] =	stream.indirect.scatter.add.f32 [tilespmem:s8], [sflag:$0x3], $0x1, s16, s7, $0xb8;
	[tilespmem:$0x2A90] =	vst v63  }
0x14d: {  	_ =	swait.ge [sflag:s12], $0x100  }
0x14e: {  	[sflag:s12] =	ssyncset.done $0x0  }
0x14f: {  	[sflag:s12] =	ssyncadd.s32 $0xFFFFFF00  }
0x150: {  	[spmem:s2] =	stream.indirect.scatter.add.f32 [tilespmem:s8], [sflag:$0x4], $0x1, s17, s7, $0xb8;
	[tilespmem:$0x2A90] =	vst v63  }
0x151: {  	_ =	swait.ge [sflag:s13], $0x100  }
0x152: {  	[sflag:s13] =	ssyncset.done $0x0  }
0x153: {  	[sflag:s13] =	ssyncadd.s32 $0xFFFFFF00  }
0x154: {  	[spmem:s2] =	stream.indirect.scatter.add.f32 [tilespmem:s8], [sflag:$0x5], $0x1, s18, s7, $0xb8;
	[tilespmem:$0x2A90] =	vst v63  }
0x155: {  	_ =	swait.ge [sflag:s14], $0x100  }
0x156: {  	[sflag:s14] =	ssyncset.done $0x0  }
0x157: {  	[sflag:s14] =	ssyncadd.s32 $0xFFFFFF00  }
0x158: {  	[spmem:s2] =	stream.indirect.scatter.add.f32 [tilespmem:s8], [sflag:$0x6], $0x1, s19, s7, $0xb8;
	[tilespmem:$0x2A90] =	vst v63  }
0x159: {  	_ =	swait.ge [sflag:s9], $0x100  }
0x15a: {  	[sflag:s9] =	ssyncset.done $0x0  }
0x15b: {  	[sflag:s9] =	ssyncadd.s32 $0xFFFFFF00  }
0x15c: {  	[spmem:s2] =	stream.indirect.scatter.add.f32 [tilespmem:s8], [sflag:$0x1], $0x1, s20, s7, $0xb8;
	[tilespmem:$0x2A90] =	vst v63  }
0x15d: {  	_ =	swait.ge [sflag:s10], $0x100  }
0x15e: {  	[sflag:s10] =	ssyncset.done $0x0  }
0x15f: {  	[sflag:s10] =	ssyncadd.s32 $0xFFFFFF00  }
0x160: {  	[spmem:s2] =	stream.indirect.scatter.add.f32 [tilespmem:s8], [sflag:$0x2], $0x1, s21, s7, $0xb8;
	[tilespmem:$0x2A90] =	vst v63  }
0x161: {  	_ =	swait.ge [sflag:s11], $0x100  }
0x162: {  	[sflag:s11] =	ssyncset.done $0x0  }
0x163: {  	[sflag:s11] =	ssyncadd.s32 $0xFFFFFF00  }
0x164: {  	[spmem:s2] =	stream.indirect.scatter.add.f32 [tilespmem:s8], [sflag:$0x3], $0x1, s22, s7, $0xb8;
	[tilespmem:$0x2A90] =	vst v63  }
0x165: {  	_ =	swait.ge [sflag:s12], $0x100  }
0x166: {  	[sflag:s12] =	ssyncset.done $0x0  }
0x167: {  	[sflag:s12] =	ssyncadd.s32 $0xFFFFFF00  }
0x168: {  	[spmem:s2] =	stream.indirect.scatter.add.f32 [tilespmem:s8], [sflag:$0x4], $0x1, s23, s7, $0xb8;
	[tilespmem:$0x2A90] =	vst v63  }
0x169: {  	_ =	swait.ge [sflag:s13], $0x100  }
0x16a: {  	[sflag:s13] =	ssyncset.done $0x0  }
0x16b: {  	[sflag:s13] =	ssyncadd.s32 $0xFFFFFF00  }
0x16c: {  	[spmem:s2] =	stream.indirect.scatter.add.f32 [tilespmem:s8], [sflag:$0x5], $0x1, s24, s7, $0xb8;
	[tilespmem:$0x2A90] =	vst v63  }
0x16d: {  	_ =	swait.ge [sflag:s14], $0x100  }
0x16e: {  	[sflag:s14] =	ssyncset.done $0x0  }
0x16f: {  	[sflag:s14] =	ssyncadd.s32 $0xFFFFFF00  }
0x170: {  	[spmem:s2] =	stream.indirect.scatter.add.f32 [tilespmem:s8], [sflag:$0x6], $0x1, s25, s7, $0xb8;
	[tilespmem:$0x2A90] =	vst v63  }
0x171: {  	_ =	swait.ge [sflag:s9], $0x100  }
0x172: {  	[sflag:s9] =	ssyncset.done $0x0  }
0x173: {  	[sflag:s9] =	ssyncadd.s32 $0xFFFFFF00  }
0x174: {  	_ =	swait.ge [sflag:s10], $0x100  }
0x175: {  	[sflag:s10] =	ssyncset.done $0x0  }
0x176: {  	[sflag:s10] =	ssyncadd.s32 $0xFFFFFF00  }
0x177: {  	_ =	swait.ge [sflag:s11], $0x100  }
0x178: {  	[sflag:s11] =	ssyncset.done $0x0  }
0x179: {  	[sflag:s11] =	ssyncadd.s32 $0xFFFFFF00  }
0x17a: {  	_ =	swait.ge [sflag:s12], $0x100  }
0x17b: {  	[sflag:s12] =	ssyncset.done $0x0  }
0x17c: {  	[sflag:s12] =	ssyncadd.s32 $0xFFFFFF00  }
0x17d: {  	_ =	swait.ge [sflag:s13], $0x100  }
0x17e: {  	[sflag:s13] =	ssyncset.done $0x0  }
0x17f: {  	[sflag:s13] =	ssyncadd.s32 $0xFFFFFF00  }
0x180: {  	_ =	swait.ge [sflag:s14], $0x100  }
0x181: {  	[sflag:s14] =	ssyncset.done $0x0  }
0x182: {  	[sflag:s14] =	ssyncadd.s32 $0xFFFFFF00  }
0x183: {  	[spmem:s2] =	stream.indirect.scatter.add.f32 [tilespmem:s8], [sflag:$0x7], $0x1, s26, s7, $0xb8;
	[tilespmem:$0x2A90] =	vst v63  }
0x184: {  	_ =	swait.ge [sflag:s5], $0x100  }
0x185: {  	[sflag:s5] =	ssyncset.done $0x0  }
0x186: {  	[sflag:s5] =	ssyncadd.s32 $0xFFFFFF00  }
0x187: {  	[spmem:s2] =	stream.indirect.scatter.add.f32 [tilespmem:s8], [sflag:$0x7], $0x1, s28, s7, $0xb8;
	[tilespmem:$0x2A90] =	vst v63  }
0x188: {  	_ =	swait.ge [sflag:s5], $0x100  }
0x189: {  	[sflag:s5] =	ssyncset.done $0x0  }
0x18a: {  	[sflag:s5] =	ssyncadd.s32 $0xFFFFFF00  }
0x18b: {  	[spmem:s2] =	stream.indirect.scatter.add.f32 [tilespmem:s8], [sflag:$0x7], $0x1, s29, s7, $0xb8;
	[tilespmem:$0x2A90] =	vst v63  }
0x18c: {  	_ =	swait.ge [sflag:s5], $0x100  }
0x18d: {  	[sflag:s5] =	ssyncset.done $0x0  }
0x18e: {  	[sflag:s5] =	ssyncadd.s32 $0xFFFFFF00  }
0x18f: {  	[spmem:s2] =	stream.indirect.scatter.add.f32 [tilespmem:s8], [sflag:$0x7], $0x1, s31, s30, $0xb8;
	[tilespmem:$0x2A90] =	vst v63  }
0x190: {  	_ =	swait.ge [sflag:s5], $0x10  }
0x191: {  	[sflag:s5] =	ssyncset.done $0x0  }
0x192: {  	p0 =	sne.s32 s0, $0x1;
	[sflag:s5] =	ssyncadd.s32 $0xFFFFFFF0  }
.Ltmp1:
0x193: {  	[bflag:$0x0] =	sbarrier.arrive $0xFFFF;
	(pc) =	sbr.rel @p0 .LBB2_1-.Ltmp1, $4  }
0x194: {  	s15 =	rddreg [dreg:$0x5]  }
0x195: {  	[hbm:s15], [sflag:s4] =	dma.local [spmem:s6], $0x50  }
0x196: {  	_ =	swait.ge [sflag:s5], $0x50  }
0x197: {  	s0 =	sadd.s32 $0xFFFFFFFF, s0;
	[sflag:s5] =	ssyncset.done $0x0  }
.LBB2_2:
0x198: {  	[sflag:s5] =	ssyncadd.s32 $0xFFFFFFB0  }
0x199: {  	_ =	sfence.sel $0x180000  }
0x19a: {  	[bflag:$0x0] =	sbarrier.arrive $0xFFFF  }
0x19b: {  	_ =	strace $0x90000047  }
0x19c: {  	s0 =	stileid.u32;
	[bflag:$0x2] =	sbarrier.arrive $0xFFFF  }
0x19d: {  	p0 =	sne.s32 s0, $0x0;
	s0 =	rddreg [dreg:$0x2]  }
0x19e: {  	s0 =	sadd.s32 @!p0 $0x100000, s0  }
0x19f: {  	[sflag:s0] =	ssyncadd.tile.s32 @!p0 $0x1;
	_ =	shalt  }
.Lfunc_end2:
_tile_overlayer_lowered:
.L_overlay_start_2:
0x1a0: {  	(tag) =	ssettag $0x2  }
0x1a1: {  	s0 =	rddreg [dreg:$0x0];
	s2 =	stileid.u32  }
0x1a2: {  	s1 =	rddreg [dreg:$0x1];
	p0 =	sne.s32 s2, $0x0  }
0x1a3: {  	s3 =	rddreg [dreg:$0x2];
	[bflag:$0x3] =	sbarrier.arrive $0xFFFF;
	s2 =	simm.s32 @!p0 $0x1C07  }
0x1a4: {  	[timem:s3], [sflag:s2] =	dma.local @!p0 [hbm:s0], s1  }
0x1a5: {  	s0 =	simm.s32 @!p0 $0x7  }
0x1a6: {  	_ =	swait.ge @!p0 [sflag:s0], s1  }
0x1a7: {  	s1 =	ssub.s32 @!p0 $0x0, s1;
	[sflag:s0] =	ssyncset.done @!p0 $0x0  }
0x1a8: {  	[sflag:s0] =	ssyncadd.s32 @!p0 s1  }
0x1a9: {  	[bflag:$0x3] =	sbarrier.arrive $0xFFFF  }
0x1aa: {  	_ =	shalt  }

</sc_bundles>
